<compile_context>
chip_gen: v7x
topology: tpu7x:2x2x1
jax: 0.10.2.dev20260603
libtpu: 0.0.44.dev20260713+nightly
codegen_flags: <defaults>
</compile_context>

<pallas_src>
import functools

import jax
import jax.numpy as jnp
import numpy as np
from jax import lax
from jax.experimental import pallas as pl
from jax.experimental.pallas import tpu as pltpu
from jax.experimental.pallas import tpu_sc as plsc

NC = 2
NS = 16
CH = 128


def _pack_pairs(lo_bf, hi_bf):
    lo = lax.bitcast_convert_type(lo_bf, jnp.uint16).astype(jnp.uint32)
    hi = lax.bitcast_convert_type(hi_bf, jnp.uint16).astype(jnp.uint32)
    return lax.bitcast_convert_type(lo | (hi << 16), jnp.float32)


def _stage_a(xp, W_lo, W_hi, W_root, regp, region_emb, bias2, NP, D, NREG):
    BM = 1024

    def body(x_ref, wlo_ref, whi_ref, wr_ref, reg_ref, emb_ref, b_ref,
             xw_ref, pre_ref):
        xb = x_ref[...]
        lo = jnp.dot(xb, wlo_ref[...],
                     preferred_element_type=jnp.float32).astype(jnp.bfloat16)
        hi = jnp.dot(xb, whi_ref[...],
                     preferred_element_type=jnp.float32).astype(jnp.bfloat16)
        xw_ref[...] = _pack_pairs(lo, hi)
        oh = (reg_ref[...] == lax.broadcasted_iota(jnp.int32, (BM, NREG), 1))
        pre_ref[...] = (
            jnp.dot(xb, wr_ref[...], preferred_element_type=jnp.float32)
            + jnp.dot(oh.astype(jnp.float32), emb_ref[...],
                      preferred_element_type=jnp.float32)
            + b_ref[...]
        )

    return pl.pallas_call(
        body,
        grid=(NP // BM,),
        in_specs=[
            pl.BlockSpec((BM, D), lambda i: (i, 0)),
            pl.BlockSpec((D, D // 2), lambda i: (0, 0)),
            pl.BlockSpec((D, D // 2), lambda i: (0, 0)),
            pl.BlockSpec((D, D), lambda i: (0, 0)),
            pl.BlockSpec((BM, 1), lambda i: (i, 0)),
            pl.BlockSpec((NREG, D), lambda i: (0, 0)),
            pl.BlockSpec((1, D), lambda i: (0, 0)),
        ],
        out_specs=[pl.BlockSpec((BM, D // 2), lambda i: (i, 0)),
                   pl.BlockSpec((BM, D), lambda i: (i, 0))],
        out_shape=[jax.ShapeDtypeStruct((NP, D // 2), jnp.float32),
                   jax.ShapeDtypeStruct((NP, D), jnp.float32)],
    )(xp, W_lo, W_hi, W_root, regp, region_emb, bias2)


def _stage_b(pos8, src2, dst2, NP, EP, CPW):
    mesh = plsc.VectorSubcoreMesh(core_axis_name="c", subcore_axis_name="s")
    slab = NP // NS

    @functools.partial(
        pl.kernel,
        out_type=(
            jax.ShapeDtypeStruct((EP, 16), jnp.float32),
            jax.ShapeDtypeStruct((NP, 16), jnp.float32),
            jax.ShapeDtypeStruct((NP, 16), jnp.float32),
        ),
        mesh=mesh,
        scratch_types=[
            pltpu.VMEM((CPW, CH), jnp.int32),
            pltpu.VMEM((CPW, CH), jnp.int32),
            pltpu.VMEM((2, CH, 16), jnp.float32),
            pltpu.VMEM((2, CH, 16), jnp.float32),
            pltpu.VMEM((CH, 16), jnp.float32),
            pltpu.VMEM_SHARED((NP, 16), jnp.float32),
            pltpu.SemaphoreType.DMA((2,)),
            pltpu.SemaphoreType.DMA((2,)),
        ],
        compiler_params=pltpu.CompilerParams(use_tc_tiling_on_sc=False,
                                            needs_layout_passes=False),
    )
    def body(pos8_h, src_h, dst_h, rel8_h, deg0_h, deg1_h,
             sidx2, didx2, ps2, pd2, ones_v, deg_sh, sem_s, sem_d):
        c = lax.axis_index("c")
        s = lax.axis_index("s")
        wid = c * NS + s
        pltpu.sync_copy(src_h.at[pl.ds(wid * CPW, CPW)], sidx2)
        pltpu.sync_copy(dst_h.at[pl.ds(wid * CPW, CPW)], didx2)

        def _fill(i, carry):
            ones_v[i, :] = jnp.ones((16,), jnp.float32)
            ps2[0, i, :] = jnp.zeros((16,), jnp.float32)
            return carry

        lax.fori_loop(0, CH, _fill, 0)

        def _zero(b, carry):
            pltpu.sync_copy(ps2.at[0], deg_sh.at[pl.ds(s * slab + b * CH, CH)])
            return carry

        lax.fori_loop(0, slab // CH, _zero, 0)
        plsc.subcore_barrier()

        def _issue(j):
            b = lax.rem(j, 2)
            pltpu.async_copy(pos8_h.at[sidx2.at[j]], ps2.at[b], sem_s.at[b])
            pltpu.async_copy(pos8_h.at[didx2.at[j]], pd2.at[b], sem_d.at[b])

        _issue(0)

        def _chunk(j, carry):
            b = lax.rem(j, 2)
            base = (wid * CPW + j) * CH

            @pl.when(j + 1 < CPW)
            def _():
                _issue(j + 1)

            pltpu.make_async_copy(pos8_h.at[sidx2.at[j]], ps2.at[b],
                                  sem_s.at[b]).wait()
            pltpu.make_async_copy(pos8_h.at[didx2.at[j]], pd2.at[b],
                                  sem_d.at[b]).wait()

            def _sub(r, carry2):
                ps2[b, r, :] = ps2[b, r, :] - pd2[b, r, :]
                return carry2

            lax.fori_loop(0, CH, _sub, 0)
            pltpu.sync_copy(ps2.at[b], rel8_h.at[pl.ds(base, CH)])
            pltpu.sync_copy(ones_v, deg_sh.at[didx2.at[j]], add=True)
            return carry

        lax.fori_loop(0, CPW, _chunk, 0)
        plsc.subcore_barrier()

        @pl.when(c == 0)
        def _():
            pltpu.sync_copy(deg_sh.at[pl.ds(s * slab, slab)],
                            deg0_h.at[pl.ds(s * slab, slab)])

        @pl.when(c == 1)
        def _():
            pltpu.sync_copy(deg_sh.at[pl.ds(s * slab, slab)],
                            deg1_h.at[pl.ds(s * slab, slab)])

    return body(pos8, src2, dst2)


def _stage_c(rel8, w1x, w1y, b1r, W2lo, W2hi, b2lo, b2hi, EP, D):
    BE2 = 1024
    EPH = EP // 2

    def half(rel, w1x_ref, w1y_ref, b1_ref, w2lo_ref, w2hi_ref,
             b2lo_ref, b2hi_ref):
        h = jnp.maximum(
            rel[:, 0:1] * w1x_ref[...] + rel[:, 1:2] * w1y_ref[...] + b1_ref[...],
            0.0).astype(jnp.bfloat16)
        lo = (jnp.dot(h, w2lo_ref[...], preferred_element_type=jnp.float32)
              + b2lo_ref[...]).astype(jnp.bfloat16)
        hi = (jnp.dot(h, w2hi_ref[...], preferred_element_type=jnp.float32)
              + b2hi_ref[...]).astype(jnp.bfloat16)
        return _pack_pairs(lo, hi)

    def body(relA_ref, relB_ref, w1x_ref, w1y_ref, b1_ref, w2lo_ref,
             w2hi_ref, b2lo_ref, b2hi_ref, ew_ref):
        pa = half(relA_ref[...], w1x_ref, w1y_ref, b1_ref, w2lo_ref,
                  w2hi_ref, b2lo_ref, b2hi_ref)
        pb = half(relB_ref[...], w1x_ref, w1y_ref, b1_ref, w2lo_ref,
                  w2hi_ref, b2lo_ref, b2hi_ref)
        ew_ref[...] = jnp.concatenate([pa, pb], axis=1)

    return pl.pallas_call(
        body,
        grid=(EPH // BE2,),
        in_specs=[
            pl.BlockSpec((BE2, 16), lambda i: (2 * i, 0)),
            pl.BlockSpec((BE2, 16), lambda i: (2 * i + 1, 0)),
            pl.BlockSpec((1, D), lambda i: (0, 0)),
            pl.BlockSpec((1, D), lambda i: (0, 0)),
            pl.BlockSpec((1, D), lambda i: (0, 0)),
            pl.BlockSpec((D, D // 2), lambda i: (0, 0)),
            pl.BlockSpec((D, D // 2), lambda i: (0, 0)),
            pl.BlockSpec((1, D // 2), lambda i: (0, 0)),
            pl.BlockSpec((1, D // 2), lambda i: (0, 0)),
        ],
        out_specs=pl.BlockSpec((BE2, D), lambda i: (i, 0)),
        out_shape=jax.ShapeDtypeStruct((EPH, D), jnp.float32),
    )(rel8, rel8, w1x, w1y, b1r, W2lo, W2hi, b2lo, b2hi)


def _stage_d(xw, srcA2, dstA2, srcB2, dstB2, ewp, NP, EPH, D):
    mesh = plsc.VectorSubcoreMesh(core_axis_name="c", subcore_axis_name="s")
    slab = NP // NS
    CHW = 32
    GS = 32
    WE = EPH // (NC * NS)
    NCH = WE // CHW
    NG = NCH // GS
    IRW = WE // 128
    IRG = IRW // NG

    @functools.partial(
        pl.kernel,
        out_type=(
            jax.ShapeDtypeStruct((NP, D), jnp.float32),
            jax.ShapeDtypeStruct((NP, D), jnp.float32),
        ),
        mesh=mesh,
        scratch_types=[
            pltpu.VMEM((2, IRG, 128), jnp.int32),
            pltpu.VMEM((2, IRG, 128), jnp.int32),
            pltpu.VMEM((2, IRG, 128), jnp.int32),
            pltpu.VMEM((2, IRG, 128), jnp.int32),
            pltpu.VMEM((2, CHW, D // 2), jnp.float32),
            pltpu.VMEM((2, CHW, D // 2), jnp.float32),
            pltpu.VMEM((2, CHW, D), jnp.float32),
            pltpu.VMEM((CHW, D), jnp.float32),
            pltpu.VMEM((CHW, D), jnp.float32),
            pltpu.VMEM_SHARED((NP, D), jnp.float32),
            pltpu.SemaphoreType.DMA((2,)),
            pltpu.SemaphoreType.DMA((2,)),
            pltpu.SemaphoreType.DMA((2,)),
            pltpu.SemaphoreType.DMA((2,)),
        ],
        compiler_params=pltpu.CompilerParams(use_tc_tiling_on_sc=False,
                                            needs_layout_passes=False),
    )
    def body(xw_h, srcA_h, dstA_h, srcB_h, dstB_h, ew_h, agg0_h, agg1_h,
             sidxA, didxA, sidxB, didxB, xsA2, xsB2, ew2, msgA, msgB,
             agg_sh, gsem, hsem, esem, isem):
        c = lax.axis_index("c")
        s = lax.axis_index("s")
        wid = c * NS + s

        def _zr(r, carry):
            for k in range(D // 16):
                msgA[r, pl.ds(k * 16, 16)] = jnp.zeros((16,), jnp.float32)
            return carry

        lax.fori_loop(0, CHW, _zr, 0)

        def _zero(b, carry):
            pltpu.sync_copy(msgA, agg_sh.at[pl.ds(s * slab + b * CHW, CHW)])
            return carry

        lax.fori_loop(0, slab // CHW, _zero, 0)
        plsc.subcore_barrier()

        def _idx_pairs(g, bg):
            row = wid * IRW + g * IRG
            return [
                (srcA_h.at[pl.ds(row, IRG)], sidxA.at[bg]),
                (dstA_h.at[pl.ds(row, IRG)], didxA.at[bg]),
                (srcB_h.at[pl.ds(row, IRG)], sidxB.at[bg]),
                (dstB_h.at[pl.ds(row, IRG)], didxB.at[bg]),
            ]

        def _issue_idx(g):
            bg = lax.rem(g, 2)
            for src, dst in _idx_pairs(g, bg):
                pltpu.async_copy(src, dst, isem.at[bg])

        def _wait_idx(g):
            bg = lax.rem(g, 2)
            for src, dst in _idx_pairs(g, bg):
                pltpu.make_async_copy(src, dst, isem.at[bg]).wait()

        def _slices(j):
            g = lax.div(j, GS)
            l = lax.rem(j, GS)
            return lax.rem(g, 2), lax.div(l, 4), lax.rem(l, 4) * CHW

        def _issue_gather(j):
            b = lax.rem(j, 2)
            bg, lr, lo = _slices(j)
            pr = wid * WE + j * CHW
            pltpu.async_copy(xw_h.at[sidxA.at[bg, lr, pl.ds(lo, CHW)]],
                             xsA2.at[b], gsem.at[b])
            pltpu.async_copy(xw_h.at[sidxB.at[bg, lr, pl.ds(lo, CHW)]],
                             xsB2.at[b], hsem.at[b])
            pltpu.async_copy(ew_h.at[pl.ds(pr, CHW)], ew2.at[b], esem.at[b])

        _issue_idx(0)
        _wait_idx(0)
        _issue_gather(0)

        def _chunk(j, carry):
            b = lax.rem(j, 2)
            g = lax.div(j, GS)
            bg, lr, lo = _slices(j)
            pr = wid * WE + j * CHW

            @pl.when(jnp.logical_and(lax.rem(j, GS) == 0, g + 1 < NG))
            def _():
                _issue_idx(g + 1)

            @pl.when(j + 1 < NCH)
            def _():
                @pl.when(lax.rem(j + 1, GS) == 0)
                def _():
                    _wait_idx(g + 1)

                _issue_gather(j + 1)

            pltpu.make_async_copy(xw_h.at[sidxA.at[bg, lr, pl.ds(lo, CHW)]],
                                  xsA2.at[b], gsem.at[b]).wait()
            pltpu.make_async_copy(xw_h.at[sidxB.at[bg, lr, pl.ds(lo, CHW)]],
                                  xsB2.at[b], hsem.at[b]).wait()
            pltpu.make_async_copy(ew_h.at[pl.ds(pr, CHW)], ew2.at[b],
                                  esem.at[b]).wait()

            def _mul(r, carry2):
                for k in range(D // 32):
                    slw = pl.ds(k * 16, 16)
                    slw2 = pl.ds(D // 2 + k * 16, 16)
                    sl0 = pl.ds(k * 32, 16)
                    sl1 = pl.ds(k * 32 + 16, 16)
                    xalo, xahi = plsc.unpack(
                        plsc.bitcast(xsA2[b, r, slw], jnp.bfloat16),
                        format=plsc.PackFormat.INTERLEAVED)
                    ealo, eahi = plsc.unpack(
                        plsc.bitcast(ew2[b, r, slw], jnp.bfloat16),
                        format=plsc.PackFormat.INTERLEAVED)
                    msgA[r, sl0] = xalo * ealo
                    msgA[r, sl1] = xahi * eahi
                    xblo, xbhi = plsc.unpack(
                        plsc.bitcast(xsB2[b, r, slw], jnp.bfloat16),
                        format=plsc.PackFormat.INTERLEAVED)
                    eblo, ebhi = plsc.unpack(
                        plsc.bitcast(ew2[b, r, slw2], jnp.bfloat16),
                        format=plsc.PackFormat.INTERLEAVED)
                    msgB[r, sl0] = xblo * eblo
                    msgB[r, sl1] = xbhi * ebhi
                return carry2

            lax.fori_loop(0, CHW, _mul, 0)
            pltpu.sync_copy(msgA,
                            agg_sh.at[didxA.at[bg, lr, pl.ds(lo, CHW)]],
                            add=True)
            pltpu.sync_copy(msgB,
                            agg_sh.at[didxB.at[bg, lr, pl.ds(lo, CHW)]],
                            add=True)
            return carry

        lax.fori_loop(0, NCH, _chunk, 0)
        plsc.subcore_barrier()

        @pl.when(c == 0)
        def _():
            pltpu.sync_copy(agg_sh.at[pl.ds(s * slab, slab)],
                            agg0_h.at[pl.ds(s * slab, slab)])

        @pl.when(c == 1)
        def _():
            pltpu.sync_copy(agg_sh.at[pl.ds(s * slab, slab)],
                            agg1_h.at[pl.ds(s * slab, slab)])

    return body(xw, srcA2, dstA2, srcB2, dstB2, ewp)


def _stage_e(pre, agg0, agg1, deg0, deg1, NP, D):
    BM = 1024

    def body(pre_ref, a0_ref, a1_ref, d0_ref, d1_ref, out_ref):
        deg = d0_ref[...][:, 0:1] + d1_ref[...][:, 0:1]
        r = 1.0 / jnp.maximum(deg, 1.0)
        out_ref[...] = jnp.maximum(
            pre_ref[...] + (a0_ref[...] + a1_ref[...]) * r, 0.0)

    return pl.pallas_call(
        body,
        grid=(NP // BM,),
        in_specs=[
            pl.BlockSpec((BM, D), lambda i: (i, 0)),
            pl.BlockSpec((BM, D), lambda i: (i, 0)),
            pl.BlockSpec((BM, D), lambda i: (i, 0)),
            pl.BlockSpec((BM, 16), lambda i: (i, 0)),
            pl.BlockSpec((BM, 16), lambda i: (i, 0)),
        ],
        out_specs=pl.BlockSpec((BM, D), lambda i: (i, 0)),
        out_shape=jax.ShapeDtypeStruct((NP, D), jnp.float32),
    )(pre, agg0, agg1, deg0, deg1)


def kernel(x, edge_index, pos, region, W_lin, W1, b1, W2, b2, W_root, bias,
           region_emb):
    N, D = x.shape
    E = edge_index.shape[1]
    NREG = region_emb.shape[0]

    NP = -(-(N + 1) // (NS * CH)) * (NS * CH)
    unit = NC * NS * 32 * 32
    EPH = -(-E // (2 * unit)) * unit
    EP = 2 * EPH
    CPWB = EP // (NC * NS * CH)
    BE2 = 1024

    srcf = jnp.pad(edge_index[0].astype(jnp.int32), (0, EP - E))
    dstf = jnp.pad(edge_index[1].astype(jnp.int32), (0, EP - E),
                   constant_values=N)
    sv = srcf.reshape(EP // BE2, BE2)
    dv = dstf.reshape(EP // BE2, BE2)
    srcA2 = sv[0::2].reshape(EPH // 128, 128)
    srcB2 = sv[1::2].reshape(EPH // 128, 128)
    dstA2 = dv[0::2].reshape(EPH // 128, 128)
    dstB2 = dv[1::2].reshape(EPH // 128, 128)
    pos8 = jnp.pad(pos, ((0, NP - N), (0, 16 - pos.shape[1])))
    xp = jnp.pad(x, ((0, NP - N), (0, 0)))
    regp = jnp.pad(region.astype(jnp.int32), (0, NP - N)).reshape(NP, 1)
    bias2 = bias.reshape(1, D)

    lo_idx = np.concatenate([np.arange(g * 32, g * 32 + 16)
                             for g in range(D // 32)])
    hi_idx = lo_idx + 16
    W_lo = W_lin[:, jnp.asarray(lo_idx)]
    W_hi = W_lin[:, jnp.asarray(hi_idx)]

    xw, pre = _stage_a(xp, W_lo, W_hi, W_root, regp, region_emb, bias2, NP, D,
                       NREG)
    rel8, deg0, deg1 = _stage_b(pos8, srcf.reshape(EP // CH, CH),
                                dstf.reshape(EP // CH, CH), NP, EP, CPWB)
    ewp = _stage_c(rel8,
                   W1[0].reshape(1, D), W1[1].reshape(1, D), b1.reshape(1, D),
                   W2[:, jnp.asarray(lo_idx)].astype(jnp.bfloat16),
                   W2[:, jnp.asarray(hi_idx)].astype(jnp.bfloat16),
                   b2[jnp.asarray(lo_idx)].reshape(1, D // 2),
                   b2[jnp.asarray(hi_idx)].reshape(1, D // 2), EP, D)
    agg0, agg1 = _stage_d(xw, srcA2, dstA2, srcB2, dstB2, ewp, NP, EPH, D)
    outp = _stage_e(pre, agg0, agg1, deg0, deg1, NP, D)
    return outp[:N]

# --- scband reference (transcript-rebuilt; emitter-appended) ---
"""Pipeline reference for scband-gnnencoder-2-71107478553040 (READ-ONLY COPY).

The authoritative reference and input builder live on the scoring server;
editing this copy changes nothing except your own understanding.
"""

import jax, jax.numpy as jnp
import numpy as np

N = 10000
E = 320000
D = 128
COORS = 2
NREG = 16


def setup_inputs(seed: int = 0) -> dict:
    key = jax.random.key(seed)
    ks = jax.random.split(key, 10)
    x = jax.random.normal(ks[0], (N, D), dtype=jnp.float32)
    edge_index = jax.random.randint(ks[1], (2, E), 0, N, dtype=jnp.int64)
    pos = jax.random.uniform(ks[2], (N, COORS), dtype=jnp.float32)
    region = jax.random.randint(ks[3], (N,), 0, NREG, dtype=jnp.int64)
    s = 1.0 / np.sqrt(D)
    # RSGCNLayer parameters: node linear, spatial MLP (coors -> hidden -> out),
    # root/self transform, region embedding, output bias.
    W_lin = jax.random.normal(ks[4], (D, D), dtype=jnp.float32) * s
    W1 = jax.random.normal(ks[5], (COORS, D), dtype=jnp.float32) * (1.0 / np.sqrt(COORS))
    b1 = jnp.zeros((D,), dtype=jnp.float32)
    W2 = jax.random.normal(ks[6], (D, D), dtype=jnp.float32) * s
    b2 = jnp.zeros((D,), dtype=jnp.float32)
    W_root = jax.random.normal(ks[7], (D, D), dtype=jnp.float32) * s
    bias = jnp.zeros((D,), dtype=jnp.float32)
    region_emb = jax.random.normal(ks[8], (NREG, D), dtype=jnp.float32) * 0.02
    return {
        "x": x,
        "edge_index": edge_index,
        "pos": pos,
        "region": region,
        "W_lin": W_lin,
        "W1": W1,
        "b1": b1,
        "W2": W2,
        "b2": b2,
        "W_root": W_root,
        "bias": bias,
        "region_emb": region_emb,
    }


def reference(x, edge_index, pos, region, W_lin, W1, b1, W2, b2, W_root, bias, region_emb):
    # Relative-Spatial GCN layer (RSGCNLayer):
    #   message_ij = (x_j @ W_lin) * MLP(pos_j - pos_i)
    #   aggregate  = mean over incoming edges (scatter-add / degree)
    #   out_i      = relu(x_i @ W_root + agg_i + region_emb[region_i] + bias)
    # dropout(p=0.5) is an inference no-op (eval mode).
    src = edge_index[0]
    dst = edge_index[1]
    rel = pos[src] - pos[dst]                      # [E, COORS] gather
    h = jax.nn.relu(rel @ W1 + b1)                 # [E, D]
    edge_w = h @ W2 + b2                           # [E, D]
    msg = (x[src] @ W_lin) * edge_w                # gather + modulate
    agg = jax.ops.segment_sum(msg, dst, num_segments=N)   # scatter-add
    deg = jax.ops.segment_sum(jnp.ones((E,), dtype=jnp.float32), dst, num_segments=N)
    agg = agg / jnp.maximum(deg, 1.0)[:, None]     # mean aggregation
    out = jax.nn.relu(x @ W_root + agg + jnp.take(region_emb, region, axis=0) + bias)
    return out

if __name__ == "__main__":
    import jax
    _d = setup_inputs()
    print(jax.jit(kernel)(*tuple(_d.values())))

</pallas_src>

<mosaic_0001>
#map = affine_map<(d0, d1) -> (0, 0)>
module attributes {stable_mosaic.version = 14 : i64} {
  func.func @body(%arg0: i32, %arg1: i32, %arg2: memref<10240x64xf32, #tpu.memory_space<hbm>>, %arg3: memref<1280x128xi32, #tpu.memory_space<hbm>>, %arg4: memref<1280x128xi32, #tpu.memory_space<hbm>>, %arg5: memref<1280x128xi32, #tpu.memory_space<hbm>>, %arg6: memref<1280x128xi32, #tpu.memory_space<hbm>>, %arg7: memref<163840x128xf32, #tpu.memory_space<hbm>>, %arg8: memref<10240x128xf32, #tpu.memory_space<hbm>>, %arg9: memref<10240x128xf32, #tpu.memory_space<hbm>>, %arg10: memref<2x8x128xi32, #tpu.memory_space<vmem>>, %arg11: memref<2x8x128xi32, #tpu.memory_space<vmem>>, %arg12: memref<2x8x128xi32, #tpu.memory_space<vmem>>, %arg13: memref<2x8x128xi32, #tpu.memory_space<vmem>>, %arg14: memref<2x32x64xf32, #tpu.memory_space<vmem>>, %arg15: memref<2x32x64xf32, #tpu.memory_space<vmem>>, %arg16: memref<2x32x128xf32, #tpu.memory_space<vmem>>, %arg17: memref<32x128xf32, #tpu.memory_space<vmem>>, %arg18: memref<32x128xf32, #tpu.memory_space<vmem>>, %arg19: memref<10240x128xf32, #tpu.memory_space<vmem_shared>>, %arg20: memref<2x!tpu.dma_semaphore, #tpu.memory_space<semaphore_mem>>, %arg21: memref<2x!tpu.dma_semaphore, #tpu.memory_space<semaphore_mem>>, %arg22: memref<2x!tpu.dma_semaphore, #tpu.memory_space<semaphore_mem>>, %arg23: memref<2x!tpu.dma_semaphore, #tpu.memory_space<semaphore_mem>>) attributes {dimension_semantics = [#tpu.dimension_semantics<core_parallel>, #tpu.dimension_semantics<subcore_parallel>], iteration_bounds = array<i64: 2, 16>, scalar_prefetch = 0 : i64, scratch_operands = 14 : i64, tpu.core_type = #tpu.core_type<sc_vector_subcore>, window_params = [{transform_indices = #map}, {transform_indices = #map}, {transform_indices = #map}, {transform_indices = #map}, {transform_indices = #map}, {transform_indices = #map}, {transform_indices = #map}, {transform_indices = #map}]} {
    %mul3A = arith.constant 16 : i32
    %mul3A_0 = arith.muli %arg0, %mul3A : i32
    %add3A = arith.addi %mul3A_0, %arg1 : i32
    %scan3A = arith.constant 0 : i32
    %scan3A_1 = arith.constant 0 : i32
    %scan3A_2 = arith.constant 32 : i32
    %scan3A_3 = arith.addi %scan3A_1, %scan3A_2 : i32
    %scan3A_4 = arith.constant 1 : i32
    scf.for %scan3A_205 = %scan3A_1 to %scan3A_3 step %scan3A_4  : i32 {
      %broadcast_in_dim3A = arith.constant 0.000000e+00 : f32
      %broadcast_in_dim3A_206 = vector.broadcast %broadcast_in_dim3A : f32 to vector<16xf32>
      %swap3A = arith.index_cast %scan3A_205 : i32 to index
      %swap3A_207 = arith.constant 0 : index
      %swap3A_208 = tpu.vector_load %arg17[%swap3A, %swap3A_207] {strides = array<i32>} : memref<32x128xf32, #tpu.memory_space<vmem>>, vector<16xf32>,
      tpu.vector_store %arg17[%swap3A, %swap3A_207], %broadcast_in_dim3A_206 {strides = array<i32>} : memref<32x128xf32, #tpu.memory_space<vmem>>, vector<16xf32>,
      %broadcast_in_dim3A_209 = arith.constant 0.000000e+00 : f32
      %broadcast_in_dim3A_210 = vector.broadcast %broadcast_in_dim3A_209 : f32 to vector<16xf32>
      %swap3A_211 = arith.index_cast %scan3A_205 : i32 to index
      %swap3A_212 = arith.constant 16 : index
      %swap3A_213 = tpu.vector_load %arg17[%swap3A_211, %swap3A_212] {strides = array<i32>} : memref<32x128xf32, #tpu.memory_space<vmem>>, vector<16xf32>,
      tpu.vector_store %arg17[%swap3A_211, %swap3A_212], %broadcast_in_dim3A_210 {strides = array<i32>} : memref<32x128xf32, #tpu.memory_space<vmem>>, vector<16xf32>,
      %broadcast_in_dim3A_214 = arith.constant 0.000000e+00 : f32
      %broadcast_in_dim3A_215 = vector.broadcast %broadcast_in_dim3A_214 : f32 to vector<16xf32>
      %swap3A_216 = arith.index_cast %scan3A_205 : i32 to index
      %swap3A_217 = arith.constant 32 : index
      %swap3A_218 = tpu.vector_load %arg17[%swap3A_216, %swap3A_217] {strides = array<i32>} : memref<32x128xf32, #tpu.memory_space<vmem>>, vector<16xf32>,
      tpu.vector_store %arg17[%swap3A_216, %swap3A_217], %broadcast_in_dim3A_215 {strides = array<i32>} : memref<32x128xf32, #tpu.memory_space<vmem>>, vector<16xf32>,
      %broadcast_in_dim3A_219 = arith.constant 0.000000e+00 : f32
      %broadcast_in_dim3A_220 = vector.broadcast %broadcast_in_dim3A_219 : f32 to vector<16xf32>
      %swap3A_221 = arith.index_cast %scan3A_205 : i32 to index
      %swap3A_222 = arith.constant 48 : index
      %swap3A_223 = tpu.vector_load %arg17[%swap3A_221, %swap3A_222] {strides = array<i32>} : memref<32x128xf32, #tpu.memory_space<vmem>>, vector<16xf32>,
      tpu.vector_store %arg17[%swap3A_221, %swap3A_222], %broadcast_in_dim3A_220 {strides = array<i32>} : memref<32x128xf32, #tpu.memory_space<vmem>>, vector<16xf32>,
      %broadcast_in_dim3A_224 = arith.constant 0.000000e+00 : f32
      %broadcast_in_dim3A_225 = vector.broadcast %broadcast_in_dim3A_224 : f32 to vector<16xf32>
      %swap3A_226 = arith.index_cast %scan3A_205 : i32 to index
      %swap3A_227 = arith.constant 64 : index
      %swap3A_228 = tpu.vector_load %arg17[%swap3A_226, %swap3A_227] {strides = array<i32>} : memref<32x128xf32, #tpu.memory_space<vmem>>, vector<16xf32>,
      tpu.vector_store %arg17[%swap3A_226, %swap3A_227], %broadcast_in_dim3A_225 {strides = array<i32>} : memref<32x128xf32, #tpu.memory_space<vmem>>, vector<16xf32>,
      %broadcast_in_dim3A_229 = arith.constant 0.000000e+00 : f32
      %broadcast_in_dim3A_230 = vector.broadcast %broadcast_in_dim3A_229 : f32 to vector<16xf32>
      %swap3A_231 = arith.index_cast %scan3A_205 : i32 to index
      %swap3A_232 = arith.constant 80 : index
      %swap3A_233 = tpu.vector_load %arg17[%swap3A_231, %swap3A_232] {strides = array<i32>} : memref<32x128xf32, #tpu.memory_space<vmem>>, vector<16xf32>,
      tpu.vector_store %arg17[%swap3A_231, %swap3A_232], %broadcast_in_dim3A_230 {strides = array<i32>} : memref<32x128xf32, #tpu.memory_space<vmem>>, vector<16xf32>,
      %broadcast_in_dim3A_234 = arith.constant 0.000000e+00 : f32
      %broadcast_in_dim3A_235 = vector.broadcast %broadcast_in_dim3A_234 : f32 to vector<16xf32>
      %swap3A_236 = arith.index_cast %scan3A_205 : i32 to index
      %swap3A_237 = arith.constant 96 : index
      %swap3A_238 = tpu.vector_load %arg17[%swap3A_236, %swap3A_237] {strides = array<i32>} : memref<32x128xf32, #tpu.memory_space<vmem>>, vector<16xf32>,
      tpu.vector_store %arg17[%swap3A_236, %swap3A_237], %broadcast_in_dim3A_235 {strides = array<i32>} : memref<32x128xf32, #tpu.memory_space<vmem>>, vector<16xf32>,
      %broadcast_in_dim3A_239 = arith.constant 0.000000e+00 : f32
      %broadcast_in_dim3A_240 = vector.broadcast %broadcast_in_dim3A_239 : f32 to vector<16xf32>
      %swap3A_241 = arith.index_cast %scan3A_205 : i32 to index
      %swap3A_242 = arith.constant 112 : index
      %swap3A_243 = tpu.vector_load %arg17[%swap3A_241, %swap3A_242] {strides = array<i32>} : memref<32x128xf32, #tpu.memory_space<vmem>>, vector<16xf32>,
      tpu.vector_store %arg17[%swap3A_241, %swap3A_242], %broadcast_in_dim3A_240 {strides = array<i32>} : memref<32x128xf32, #tpu.memory_space<vmem>>, vector<16xf32>,
    }
    %scan3A_5 = arith.constant 32 : i32
    %scan3A_6 = arith.constant 0 : i32
    %scan3A_7 = arith.constant 0 : i32
    %scan3A_8 = arith.constant 20 : i32
    %scan3A_9 = arith.addi %scan3A_7, %scan3A_8 : i32
    %scan3A_10 = arith.constant 1 : i32
    scf.for %scan3A_205 = %scan3A_7 to %scan3A_9 step %scan3A_10  : i32 {
      %mul3A_206 = arith.constant 640 : i32
      %mul3A_207 = arith.muli %arg1, %mul3A_206 : i32
      %mul3A_208 = arith.constant 32 : i32
      %mul3A_209 = arith.muli %scan3A_205, %mul3A_208 : i32
      %add3A_210 = arith.addi %mul3A_207, %mul3A_209 : i32
      "tpu.region"() ({
        %run_scoped3A = tpu.sem_alloc : memref<!tpu.dma_semaphore, #tpu.memory_space<semaphore_mem>>
        %dma_start3A_211 = arith.constant 0 : i32
        %dma_start3A_212 = tpu.memref_slice %arg19[%add3A_210, %dma_start3A_211] : memref<10240x128xf32, #tpu.memory_space<vmem_shared>> -> memref<32x128xf32, #tpu.memory_space<vmem_shared>>
        %dma_start3A_213 = arith.constant 0 : i32
        %dma_start3A_214 = tpu.memref_slice %arg19[%add3A_210, %dma_start3A_213] : memref<10240x128xf32, #tpu.memory_space<vmem_shared>> -> memref<32x128xf32, #tpu.memory_space<vmem_shared>>
        tpu.enqueue_dma source(%arg17 : memref<32x128xf32, #tpu.memory_space<vmem>>) target(%dma_start3A_214 : memref<32x128xf32, #tpu.memory_space<vmem_shared>>) target_semaphore(%run_scoped3A : memref<!tpu.dma_semaphore, #tpu.memory_space<semaphore_mem>>)
        %dma_wait3A_215 = arith.constant 0 : i32
        %dma_wait3A_216 = tpu.memref_slice %arg19[%add3A_210, %dma_wait3A_215] : memref<10240x128xf32, #tpu.memory_space<vmem_shared>> -> memref<32x128xf32, #tpu.memory_space<vmem_shared>>
        %dma_wait3A_217 = arith.constant 0 : i32
        %dma_wait3A_218 = tpu.memref_slice %arg19[%add3A_210, %dma_wait3A_217] : memref<10240x128xf32, #tpu.memory_space<vmem_shared>> -> memref<32x128xf32, #tpu.memory_space<vmem_shared>>
        tpu.wait_dma2 semaphore(%run_scoped3A : memref<!tpu.dma_semaphore, #tpu.memory_space<semaphore_mem>>) src(%arg17 : memref<32x128xf32, #tpu.memory_space<vmem>>) dst(%dma_wait3A_218 : memref<32x128xf32, #tpu.memory_space<vmem_shared>>)
        tpu.yield
      }) : () -> ()
    }
    %scan3A_11 = arith.constant 20 : i32
    %barrier3A = arith.constant 0 : index
    tpu.barrier barrier_id(%barrier3A)
    %rem3A = arith.constant 0 : i32
    %rem3A_12 = arith.constant 2 : i32
    %rem3A_13 = arith.remsi %rem3A, %rem3A_12 : i32
    %mul3A_14 = arith.constant 40 : i32
    %mul3A_15 = arith.muli %add3A, %mul3A_14 : i32
    %add3A_16 = arith.constant 0 : i32
    %add3A_17 = arith.addi %mul3A_15, %add3A_16 : i32
    %dma_start3A = arith.constant 0 : i32
    %dma_start3A_18 = arith.constant 0 : i32
    %dma_start3A_19 = tpu.memref_slice %arg10[%rem3A_13, %dma_start3A, %dma_start3A_18] : memref<2x8x128xi32, #tpu.memory_space<vmem>> -> memref<1x8x128xi32, #tpu.memory_space<vmem>>
    %dma_start3A_20 = tpu.memref_squeeze %dma_start3A_19 : memref<1x8x128xi32, #tpu.memory_space<vmem>> -> memref<8x128xi32, #tpu.memory_space<vmem>>
    %dma_start3A_21 = arith.constant 0 : i32
    %dma_start3A_22 = tpu.memref_slice %arg3[%add3A_17, %dma_start3A_21] : memref<1280x128xi32, #tpu.memory_space<hbm>> -> memref<8x128xi32, #tpu.memory_space<hbm>>
    %dma_start3A_23 = tpu.memref_slice %arg23[%rem3A_13] : memref<2x!tpu.dma_semaphore, #tpu.memory_space<semaphore_mem>> -> memref<1x!tpu.dma_semaphore, #tpu.memory_space<semaphore_mem>>
    %dma_start3A_24 = tpu.memref_squeeze %dma_start3A_23 : memref<1x!tpu.dma_semaphore, #tpu.memory_space<semaphore_mem>> -> memref<!tpu.dma_semaphore, #tpu.memory_space<semaphore_mem>>
    %dma_start3A_25 = arith.constant 0 : i32
    %dma_start3A_26 = arith.constant 0 : i32
    %dma_start3A_27 = tpu.memref_slice %arg10[%rem3A_13, %dma_start3A_25, %dma_start3A_26] : memref<2x8x128xi32, #tpu.memory_space<vmem>> -> memref<1x8x128xi32, #tpu.memory_space<vmem>>
    %dma_start3A_28 = tpu.memref_squeeze %dma_start3A_27 : memref<1x8x128xi32, #tpu.memory_space<vmem>> -> memref<8x128xi32, #tpu.memory_space<vmem>>
    %dma_start3A_29 = arith.constant 0 : i32
    %dma_start3A_30 = tpu.memref_slice %arg3[%add3A_17, %dma_start3A_29] : memref<1280x128xi32, #tpu.memory_space<hbm>> -> memref<8x128xi32, #tpu.memory_space<hbm>>
    tpu.enqueue_dma source(%dma_start3A_30 : memref<8x128xi32, #tpu.memory_space<hbm>>) target(%dma_start3A_28 : memref<8x128xi32, #tpu.memory_space<vmem>>) target_semaphore(%dma_start3A_24 : memref<!tpu.dma_semaphore, #tpu.memory_space<semaphore_mem>>)
    %dma_start3A_31 = arith.constant 0 : i32
    %dma_start3A_32 = arith.constant 0 : i32
    %dma_start3A_33 = tpu.memref_slice %arg11[%rem3A_13, %dma_start3A_31, %dma_start3A_32] : memref<2x8x128xi32, #tpu.memory_space<vmem>> -> memref<1x8x128xi32, #tpu.memory_space<vmem>>
    %dma_start3A_34 = tpu.memref_squeeze %dma_start3A_33 : memref<1x8x128xi32, #tpu.memory_space<vmem>> -> memref<8x128xi32, #tpu.memory_space<vmem>>
    %dma_start3A_35 = arith.constant 0 : i32
    %dma_start3A_36 = tpu.memref_slice %arg4[%add3A_17, %dma_start3A_35] : memref<1280x128xi32, #tpu.memory_space<hbm>> -> memref<8x128xi32, #tpu.memory_space<hbm>>
    %dma_start3A_37 = tpu.memref_slice %arg23[%rem3A_13] : memref<2x!tpu.dma_semaphore, #tpu.memory_space<semaphore_mem>> -> memref<1x!tpu.dma_semaphore, #tpu.memory_space<semaphore_mem>>
    %dma_start3A_38 = tpu.memref_squeeze %dma_start3A_37 : memref<1x!tpu.dma_semaphore, #tpu.memory_space<semaphore_mem>> -> memref<!tpu.dma_semaphore, #tpu.memory_space<semaphore_mem>>
    %dma_start3A_39 = arith.constant 0 : i32
    %dma_start3A_40 = arith.constant 0 : i32
    %dma_start3A_41 = tpu.memref_slice %arg11[%rem3A_13, %dma_start3A_39, %dma_start3A_40] : memref<2x8x128xi32, #tpu.memory_space<vmem>> -> memref<1x8x128xi32, #tpu.memory_space<vmem>>
    %dma_start3A_42 = tpu.memref_squeeze %dma_start3A_41 : memref<1x8x128xi32, #tpu.memory_space<vmem>> -> memref<8x128xi32, #tpu.memory_space<vmem>>
    %dma_start3A_43 = arith.constant 0 : i32
    %dma_start3A_44 = tpu.memref_slice %arg4[%add3A_17, %dma_start3A_43] : memref<1280x128xi32, #tpu.memory_space<hbm>> -> memref<8x128xi32, #tpu.memory_space<hbm>>
    tpu.enqueue_dma source(%dma_start3A_44 : memref<8x128xi32, #tpu.memory_space<hbm>>) target(%dma_start3A_42 : memref<8x128xi32, #tpu.memory_space<vmem>>) target_semaphore(%dma_start3A_38 : memref<!tpu.dma_semaphore, #tpu.memory_space<semaphore_mem>>)
    %dma_start3A_45 = arith.constant 0 : i32
    %dma_start3A_46 = arith.constant 0 : i32
    %dma_start3A_47 = tpu.memref_slice %arg12[%rem3A_13, %dma_start3A_45, %dma_start3A_46] : memref<2x8x128xi32, #tpu.memory_space<vmem>> -> memref<1x8x128xi32, #tpu.memory_space<vmem>>
    %dma_start3A_48 = tpu.memref_squeeze %dma_start3A_47 : memref<1x8x128xi32, #tpu.memory_space<vmem>> -> memref<8x128xi32, #tpu.memory_space<vmem>>
    %dma_start3A_49 = arith.constant 0 : i32
    %dma_start3A_50 = tpu.memref_slice %arg5[%add3A_17, %dma_start3A_49] : memref<1280x128xi32, #tpu.memory_space<hbm>> -> memref<8x128xi32, #tpu.memory_space<hbm>>
    %dma_start3A_51 = tpu.memref_slice %arg23[%rem3A_13] : memref<2x!tpu.dma_semaphore, #tpu.memory_space<semaphore_mem>> -> memref<1x!tpu.dma_semaphore, #tpu.memory_space<semaphore_mem>>
    %dma_start3A_52 = tpu.memref_squeeze %dma_start3A_51 : memref<1x!tpu.dma_semaphore, #tpu.memory_space<semaphore_mem>> -> memref<!tpu.dma_semaphore, #tpu.memory_space<semaphore_mem>>
    %dma_start3A_53 = arith.constant 0 : i32
    %dma_start3A_54 = arith.constant 0 : i32
    %dma_start3A_55 = tpu.memref_slice %arg12[%rem3A_13, %dma_start3A_53, %dma_start3A_54] : memref<2x8x128xi32, #tpu.memory_space<vmem>> -> memref<1x8x128xi32, #tpu.memory_space<vmem>>
    %dma_start3A_56 = tpu.memref_squeeze %dma_start3A_55 : memref<1x8x128xi32, #tpu.memory_space<vmem>> -> memref<8x128xi32, #tpu.memory_space<vmem>>
    %dma_start3A_57 = arith.constant 0 : i32
    %dma_start3A_58 = tpu.memref_slice %arg5[%add3A_17, %dma_start3A_57] : memref<1280x128xi32, #tpu.memory_space<hbm>> -> memref<8x128xi32, #tpu.memory_space<hbm>>
    tpu.enqueue_dma source(%dma_start3A_58 : memref<8x128xi32, #tpu.memory_space<hbm>>) target(%dma_start3A_56 : memref<8x128xi32, #tpu.memory_space<vmem>>) target_semaphore(%dma_start3A_52 : memref<!tpu.dma_semaphore, #tpu.memory_space<semaphore_mem>>)
    %dma_start3A_59 = arith.constant 0 : i32
    %dma_start3A_60 = arith.constant 0 : i32
    %dma_start3A_61 = tpu.memref_slice %arg13[%rem3A_13, %dma_start3A_59, %dma_start3A_60] : memref<2x8x128xi32, #tpu.memory_space<vmem>> -> memref<1x8x128xi32, #tpu.memory_space<vmem>>
    %dma_start3A_62 = tpu.memref_squeeze %dma_start3A_61 : memref<1x8x128xi32, #tpu.memory_space<vmem>> -> memref<8x128xi32, #tpu.memory_space<vmem>>
    %dma_start3A_63 = arith.constant 0 : i32
    %dma_start3A_64 = tpu.memref_slice %arg6[%add3A_17, %dma_start3A_63] : memref<1280x128xi32, #tpu.memory_space<hbm>> -> memref<8x128xi32, #tpu.memory_space<hbm>>
    %dma_start3A_65 = tpu.memref_slice %arg23[%rem3A_13] : memref<2x!tpu.dma_semaphore, #tpu.memory_space<semaphore_mem>> -> memref<1x!tpu.dma_semaphore, #tpu.memory_space<semaphore_mem>>
    %dma_start3A_66 = tpu.memref_squeeze %dma_start3A_65 : memref<1x!tpu.dma_semaphore, #tpu.memory_space<semaphore_mem>> -> memref<!tpu.dma_semaphore, #tpu.memory_space<semaphore_mem>>
    %dma_start3A_67 = arith.constant 0 : i32
    %dma_start3A_68 = arith.constant 0 : i32
    %dma_start3A_69 = tpu.memref_slice %arg13[%rem3A_13, %dma_start3A_67, %dma_start3A_68] : memref<2x8x128xi32, #tpu.memory_space<vmem>> -> memref<1x8x128xi32, #tpu.memory_space<vmem>>
    %dma_start3A_70 = tpu.memref_squeeze %dma_start3A_69 : memref<1x8x128xi32, #tpu.memory_space<vmem>> -> memref<8x128xi32, #tpu.memory_space<vmem>>
    %dma_start3A_71 = arith.constant 0 : i32
    %dma_start3A_72 = tpu.memref_slice %arg6[%add3A_17, %dma_start3A_71] : memref<1280x128xi32, #tpu.memory_space<hbm>> -> memref<8x128xi32, #tpu.memory_space<hbm>>
    tpu.enqueue_dma source(%dma_start3A_72 : memref<8x128xi32, #tpu.memory_space<hbm>>) target(%dma_start3A_70 : memref<8x128xi32, #tpu.memory_space<vmem>>) target_semaphore(%dma_start3A_66 : memref<!tpu.dma_semaphore, #tpu.memory_space<semaphore_mem>>)
    %rem3A_73 = arith.constant 0 : i32
    %rem3A_74 = arith.constant 2 : i32
    %rem3A_75 = arith.remsi %rem3A_73, %rem3A_74 : i32
    %mul3A_76 = arith.constant 40 : i32
    %mul3A_77 = arith.muli %add3A, %mul3A_76 : i32
    %add3A_78 = arith.constant 0 : i32
    %add3A_79 = arith.addi %mul3A_77, %add3A_78 : i32
    %dma_wait3A = arith.constant 0 : i32
    %dma_wait3A_80 = arith.constant 0 : i32
    %dma_wait3A_81 = tpu.memref_slice %arg10[%rem3A_75, %dma_wait3A, %dma_wait3A_80] : memref<2x8x128xi32, #tpu.memory_space<vmem>> -> memref<1x8x128xi32, #tpu.memory_space<vmem>>
    %dma_wait3A_82 = tpu.memref_squeeze %dma_wait3A_81 : memref<1x8x128xi32, #tpu.memory_space<vmem>> -> memref<8x128xi32, #tpu.memory_space<vmem>>
    %dma_wait3A_83 = arith.constant 0 : i32
    %dma_wait3A_84 = tpu.memref_slice %arg3[%add3A_79, %dma_wait3A_83] : memref<1280x128xi32, #tpu.memory_space<hbm>> -> memref<8x128xi32, #tpu.memory_space<hbm>>
    %dma_wait3A_85 = tpu.memref_slice %arg23[%rem3A_75] : memref<2x!tpu.dma_semaphore, #tpu.memory_space<semaphore_mem>> -> memref<1x!tpu.dma_semaphore, #tpu.memory_space<semaphore_mem>>
    %dma_wait3A_86 = tpu.memref_squeeze %dma_wait3A_85 : memref<1x!tpu.dma_semaphore, #tpu.memory_space<semaphore_mem>> -> memref<!tpu.dma_semaphore, #tpu.memory_space<semaphore_mem>>
    %dma_wait3A_87 = arith.constant 0 : i32
    %dma_wait3A_88 = arith.constant 0 : i32
    %dma_wait3A_89 = tpu.memref_slice %arg10[%rem3A_75, %dma_wait3A_87, %dma_wait3A_88] : memref<2x8x128xi32, #tpu.memory_space<vmem>> -> memref<1x8x128xi32, #tpu.memory_space<vmem>>
    %dma_wait3A_90 = tpu.memref_squeeze %dma_wait3A_89 : memref<1x8x128xi32, #tpu.memory_space<vmem>> -> memref<8x128xi32, #tpu.memory_space<vmem>>
    %dma_wait3A_91 = arith.constant 0 : i32
    %dma_wait3A_92 = tpu.memref_slice %arg3[%add3A_79, %dma_wait3A_91] : memref<1280x128xi32, #tpu.memory_space<hbm>> -> memref<8x128xi32, #tpu.memory_space<hbm>>
    tpu.wait_dma2 semaphore(%dma_wait3A_86 : memref<!tpu.dma_semaphore, #tpu.memory_space<semaphore_mem>>) src(%dma_wait3A_92 : memref<8x128xi32, #tpu.memory_space<hbm>>) dst(%dma_wait3A_90 : memref<8x128xi32, #tpu.memory_space<vmem>>)
    %dma_wait3A_93 = arith.constant 0 : i32
    %dma_wait3A_94 = arith.constant 0 : i32
    %dma_wait3A_95 = tpu.memref_slice %arg11[%rem3A_75, %dma_wait3A_93, %dma_wait3A_94] : memref<2x8x128xi32, #tpu.memory_space<vmem>> -> memref<1x8x128xi32, #tpu.memory_space<vmem>>
    %dma_wait3A_96 = tpu.memref_squeeze %dma_wait3A_95 : memref<1x8x128xi32, #tpu.memory_space<vmem>> -> memref<8x128xi32, #tpu.memory_space<vmem>>
    %dma_wait3A_97 = arith.constant 0 : i32
    %dma_wait3A_98 = tpu.memref_slice %arg4[%add3A_79, %dma_wait3A_97] : memref<1280x128xi32, #tpu.memory_space<hbm>> -> memref<8x128xi32, #tpu.memory_space<hbm>>
    %dma_wait3A_99 = tpu.memref_slice %arg23[%rem3A_75] : memref<2x!tpu.dma_semaphore, #tpu.memory_space<semaphore_mem>> -> memref<1x!tpu.dma_semaphore, #tpu.memory_space<semaphore_mem>>
    %dma_wait3A_100 = tpu.memref_squeeze %dma_wait3A_99 : memref<1x!tpu.dma_semaphore, #tpu.memory_space<semaphore_mem>> -> memref<!tpu.dma_semaphore, #tpu.memory_space<semaphore_mem>>
    %dma_wait3A_101 = arith.constant 0 : i32
    %dma_wait3A_102 = arith.constant 0 : i32
    %dma_wait3A_103 = tpu.memref_slice %arg11[%rem3A_75, %dma_wait3A_101, %dma_wait3A_102] : memref<2x8x128xi32, #tpu.memory_space<vmem>> -> memref<1x8x128xi32, #tpu.memory_space<vmem>>
    %dma_wait3A_104 = tpu.memref_squeeze %dma_wait3A_103 : memref<1x8x128xi32, #tpu.memory_space<vmem>> -> memref<8x128xi32, #tpu.memory_space<vmem>>
    %dma_wait3A_105 = arith.constant 0 : i32
    %dma_wait3A_106 = tpu.memref_slice %arg4[%add3A_79, %dma_wait3A_105] : memref<1280x128xi32, #tpu.memory_space<hbm>> -> memref<8x128xi32, #tpu.memory_space<hbm>>
    tpu.wait_dma2 semaphore(%dma_wait3A_100 : memref<!tpu.dma_semaphore, #tpu.memory_space<semaphore_mem>>) src(%dma_wait3A_106 : memref<8x128xi32, #tpu.memory_space<hbm>>) dst(%dma_wait3A_104 : memref<8x128xi32, #tpu.memory_space<vmem>>)
    %dma_wait3A_107 = arith.constant 0 : i32
    %dma_wait3A_108 = arith.constant 0 : i32
    %dma_wait3A_109 = tpu.memref_slice %arg12[%rem3A_75, %dma_wait3A_107, %dma_wait3A_108] : memref<2x8x128xi32, #tpu.memory_space<vmem>> -> memref<1x8x128xi32, #tpu.memory_space<vmem>>
    %dma_wait3A_110 = tpu.memref_squeeze %dma_wait3A_109 : memref<1x8x128xi32, #tpu.memory_space<vmem>> -> memref<8x128xi32, #tpu.memory_space<vmem>>
    %dma_wait3A_111 = arith.constant 0 : i32
    %dma_wait3A_112 = tpu.memref_slice %arg5[%add3A_79, %dma_wait3A_111] : memref<1280x128xi32, #tpu.memory_space<hbm>> -> memref<8x128xi32, #tpu.memory_space<hbm>>
    %dma_wait3A_113 = tpu.memref_slice %arg23[%rem3A_75] : memref<2x!tpu.dma_semaphore, #tpu.memory_space<semaphore_mem>> -> memref<1x!tpu.dma_semaphore, #tpu.memory_space<semaphore_mem>>
    %dma_wait3A_114 = tpu.memref_squeeze %dma_wait3A_113 : memref<1x!tpu.dma_semaphore, #tpu.memory_space<semaphore_mem>> -> memref<!tpu.dma_semaphore, #tpu.memory_space<semaphore_mem>>
    %dma_wait3A_115 = arith.constant 0 : i32
    %dma_wait3A_116 = arith.constant 0 : i32
    %dma_wait3A_117 = tpu.memref_slice %arg12[%rem3A_75, %dma_wait3A_115, %dma_wait3A_116] : memref<2x8x128xi32, #tpu.memory_space<vmem>> -> memref<1x8x128xi32, #tpu.memory_space<vmem>>
    %dma_wait3A_118 = tpu.memref_squeeze %dma_wait3A_117 : memref<1x8x128xi32, #tpu.memory_space<vmem>> -> memref<8x128xi32, #tpu.memory_space<vmem>>
    %dma_wait3A_119 = arith.constant 0 : i32
    %dma_wait3A_120 = tpu.memref_slice %arg5[%add3A_79, %dma_wait3A_119] : memref<1280x128xi32, #tpu.memory_space<hbm>> -> memref<8x128xi32, #tpu.memory_space<hbm>>
    tpu.wait_dma2 semaphore(%dma_wait3A_114 : memref<!tpu.dma_semaphore, #tpu.memory_space<semaphore_mem>>) src(%dma_wait3A_120 : memref<8x128xi32, #tpu.memory_space<hbm>>) dst(%dma_wait3A_118 : memref<8x128xi32, #tpu.memory_space<vmem>>)
    %dma_wait3A_121 = arith.constant 0 : i32
    %dma_wait3A_122 = arith.constant 0 : i32
    %dma_wait3A_123 = tpu.memref_slice %arg13[%rem3A_75, %dma_wait3A_121, %dma_wait3A_122] : memref<2x8x128xi32, #tpu.memory_space<vmem>> -> memref<1x8x128xi32, #tpu.memory_space<vmem>>
    %dma_wait3A_124 = tpu.memref_squeeze %dma_wait3A_123 : memref<1x8x128xi32, #tpu.memory_space<vmem>> -> memref<8x128xi32, #tpu.memory_space<vmem>>
    %dma_wait3A_125 = arith.constant 0 : i32
    %dma_wait3A_126 = tpu.memref_slice %arg6[%add3A_79, %dma_wait3A_125] : memref<1280x128xi32, #tpu.memory_space<hbm>> -> memref<8x128xi32, #tpu.memory_space<hbm>>
    %dma_wait3A_127 = tpu.memref_slice %arg23[%rem3A_75] : memref<2x!tpu.dma_semaphore, #tpu.memory_space<semaphore_mem>> -> memref<1x!tpu.dma_semaphore, #tpu.memory_space<semaphore_mem>>
    %dma_wait3A_128 = tpu.memref_squeeze %dma_wait3A_127 : memref<1x!tpu.dma_semaphore, #tpu.memory_space<semaphore_mem>> -> memref<!tpu.dma_semaphore, #tpu.memory_space<semaphore_mem>>
    %dma_wait3A_129 = arith.constant 0 : i32
    %dma_wait3A_130 = arith.constant 0 : i32
    %dma_wait3A_131 = tpu.memref_slice %arg13[%rem3A_75, %dma_wait3A_129, %dma_wait3A_130] : memref<2x8x128xi32, #tpu.memory_space<vmem>> -> memref<1x8x128xi32, #tpu.memory_space<vmem>>
    %dma_wait3A_132 = tpu.memref_squeeze %dma_wait3A_131 : memref<1x8x128xi32, #tpu.memory_space<vmem>> -> memref<8x128xi32, #tpu.memory_space<vmem>>
    %dma_wait3A_133 = arith.constant 0 : i32
    %dma_wait3A_134 = tpu.memref_slice %arg6[%add3A_79, %dma_wait3A_133] : memref<1280x128xi32, #tpu.memory_space<hbm>> -> memref<8x128xi32, #tpu.memory_space<hbm>>
    tpu.wait_dma2 semaphore(%dma_wait3A_128 : memref<!tpu.dma_semaphore, #tpu.memory_space<semaphore_mem>>) src(%dma_wait3A_134 : memref<8x128xi32, #tpu.memory_space<hbm>>) dst(%dma_wait3A_132 : memref<8x128xi32, #tpu.memory_space<vmem>>)
    %rem3A_135 = arith.constant 0 : i32
    %rem3A_136 = arith.constant 2 : i32
    %rem3A_137 = arith.remsi %rem3A_135, %rem3A_136 : i32
    %div3A = arith.constant 0 : i32
    %div3A_138 = arith.constant 32 : i32
    %div3A_139 = arith.divsi %div3A, %div3A_138 : i32
    %rem3A_140 = arith.constant 0 : i32
    %rem3A_141 = arith.constant 32 : i32
    %rem3A_142 = arith.remsi %rem3A_140, %rem3A_141 : i32
    %rem3A_143 = arith.constant 2 : i32
    %rem3A_144 = arith.remsi %div3A_139, %rem3A_143 : i32
    %div3A_145 = arith.constant 4 : i32
    %div3A_146 = arith.divsi %rem3A_142, %div3A_145 : i32
    %rem3A_147 = arith.constant 4 : i32
    %rem3A_148 = arith.remsi %rem3A_142, %rem3A_147 : i32
    %mul3A_149 = arith.constant 32 : i32
    %mul3A_150 = arith.muli %rem3A_148, %mul3A_149 : i32
    %mul3A_151 = arith.constant 5120 : i32
    %mul3A_152 = arith.muli %add3A, %mul3A_151 : i32
    %add3A_153 = arith.constant 0 : i32
    %add3A_154 = arith.addi %mul3A_152, %add3A_153 : i32
    %dma_start3A_155 = arith.constant 0 : i32
    %dma_start3A_156 = arith.constant 0 : i32
    %dma_start3A_157 = tpu.memref_slice %arg14[%rem3A_137, %dma_start3A_155, %dma_start3A_156] : memref<2x32x64xf32, #tpu.memory_space<vmem>> -> memref<1x32x64xf32, #tpu.memory_space<vmem>>
    %dma_start3A_158 = tpu.memref_squeeze %dma_start3A_157 : memref<1x32x64xf32, #tpu.memory_space<vmem>> -> memref<32x64xf32, #tpu.memory_space<vmem>>
    %dma_start3A_159 = tpu.memref_slice %arg10[%rem3A_144, %div3A_146, %mul3A_150] : memref<2x8x128xi32, #tpu.memory_space<vmem>> -> memref<1x1x32xi32, #tpu.memory_space<vmem>>
    %dma_start3A_160 = tpu.memref_squeeze %dma_start3A_159 : memref<1x1x32xi32, #tpu.memory_space<vmem>> -> memref<32xi32, #tpu.memory_space<vmem>>
    %dma_start3A_161 = arith.constant 0 : i32
    %dma_start3A_162 = arith.constant 0 : i32
    %dma_start3A_163 = tpu.memref_slice %arg2[%dma_start3A_161, %dma_start3A_162] : memref<10240x64xf32, #tpu.memory_space<hbm>> -> memref<10240x64xf32, #tpu.memory_space<hbm>>
    %dma_start3A_164 = tpu.memref_slice %arg20[%rem3A_137] : memref<2x!tpu.dma_semaphore, #tpu.memory_space<semaphore_mem>> -> memref<1x!tpu.dma_semaphore, #tpu.memory_space<semaphore_mem>>
    %dma_start3A_165 = tpu.memref_squeeze %dma_start3A_164 : memref<1x!tpu.dma_semaphore, #tpu.memory_space<semaphore_mem>> -> memref<!tpu.dma_semaphore, #tpu.memory_space<semaphore_mem>>
    tpu.enqueue_indirect_dma source(%dma_start3A_163 : memref<10240x64xf32, #tpu.memory_space<hbm>>) target(%dma_start3A_158 : memref<32x64xf32, #tpu.memory_space<vmem>>) offsets(%dma_start3A_160 : memref<32xi32, #tpu.memory_space<vmem>>) semaphore(%dma_start3A_165 : memref<!tpu.dma_semaphore, #tpu.memory_space<semaphore_mem>>)
    %dma_start3A_166 = arith.constant 0 : i32
    %dma_start3A_167 = arith.constant 0 : i32
    %dma_start3A_168 = tpu.memref_slice %arg15[%rem3A_137, %dma_start3A_166, %dma_start3A_167] : memref<2x32x64xf32, #tpu.memory_space<vmem>> -> memref<1x32x64xf32, #tpu.memory_space<vmem>>
    %dma_start3A_169 = tpu.memref_squeeze %dma_start3A_168 : memref<1x32x64xf32, #tpu.memory_space<vmem>> -> memref<32x64xf32, #tpu.memory_space<vmem>>
    %dma_start3A_170 = tpu.memref_slice %arg12[%rem3A_144, %div3A_146, %mul3A_150] : memref<2x8x128xi32, #tpu.memory_space<vmem>> -> memref<1x1x32xi32, #tpu.memory_space<vmem>>
    %dma_start3A_171 = tpu.memref_squeeze %dma_start3A_170 : memref<1x1x32xi32, #tpu.memory_space<vmem>> -> memref<32xi32, #tpu.memory_space<vmem>>
    %dma_start3A_172 = arith.constant 0 : i32
    %dma_start3A_173 = arith.constant 0 : i32
    %dma_start3A_174 = tpu.memref_slice %arg2[%dma_start3A_172, %dma_start3A_173] : memref<10240x64xf32, #tpu.memory_space<hbm>> -> memref<10240x64xf32, #tpu.memory_space<hbm>>
    %dma_start3A_175 = tpu.memref_slice %arg21[%rem3A_137] : memref<2x!tpu.dma_semaphore, #tpu.memory_space<semaphore_mem>> -> memref<1x!tpu.dma_semaphore, #tpu.memory_space<semaphore_mem>>
    %dma_start3A_176 = tpu.memref_squeeze %dma_start3A_175 : memref<1x!tpu.dma_semaphore, #tpu.memory_space<semaphore_mem>> -> memref<!tpu.dma_semaphore, #tpu.memory_space<semaphore_mem>>
    tpu.enqueue_indirect_dma source(%dma_start3A_174 : memref<10240x64xf32, #tpu.memory_space<hbm>>) target(%dma_start3A_169 : memref<32x64xf32, #tpu.memory_space<vmem>>) offsets(%dma_start3A_171 : memref<32xi32, #tpu.memory_space<vmem>>) semaphore(%dma_start3A_176 : memref<!tpu.dma_semaphore, #tpu.memory_space<semaphore_mem>>)
    %dma_start3A_177 = arith.constant 0 : i32
    %dma_start3A_178 = arith.constant 0 : i32
    %dma_start3A_179 = tpu.memref_slice %arg16[%rem3A_137, %dma_start3A_177, %dma_start3A_178] : memref<2x32x128xf32, #tpu.memory_space<vmem>> -> memref<1x32x128xf32, #tpu.memory_space<vmem>>
    %dma_start3A_180 = tpu.memref_squeeze %dma_start3A_179 : memref<1x32x128xf32, #tpu.memory_space<vmem>> -> memref<32x128xf32, #tpu.memory_space<vmem>>
    %dma_start3A_181 = arith.constant 0 : i32
    %dma_start3A_182 = tpu.memref_slice %arg7[%add3A_154, %dma_start3A_181] : memref<163840x128xf32, #tpu.memory_space<hbm>> -> memref<32x128xf32, #tpu.memory_space<hbm>>
    %dma_start3A_183 = tpu.memref_slice %arg22[%rem3A_137] : memref<2x!tpu.dma_semaphore, #tpu.memory_space<semaphore_mem>> -> memref<1x!tpu.dma_semaphore, #tpu.memory_space<semaphore_mem>>
    %dma_start3A_184 = tpu.memref_squeeze %dma_start3A_183 : memref<1x!tpu.dma_semaphore, #tpu.memory_space<semaphore_mem>> -> memref<!tpu.dma_semaphore, #tpu.memory_space<semaphore_mem>>
    %dma_start3A_185 = arith.constant 0 : i32
    %dma_start3A_186 = arith.constant 0 : i32
    %dma_start3A_187 = tpu.memref_slice %arg16[%rem3A_137, %dma_start3A_185, %dma_start3A_186] : memref<2x32x128xf32, #tpu.memory_space<vmem>> -> memref<1x32x128xf32, #tpu.memory_space<vmem>>
    %dma_start3A_188 = tpu.memref_squeeze %dma_start3A_187 : memref<1x32x128xf32, #tpu.memory_space<vmem>> -> memref<32x128xf32, #tpu.memory_space<vmem>>
    %dma_start3A_189 = arith.constant 0 : i32
    %dma_start3A_190 = tpu.memref_slice %arg7[%add3A_154, %dma_start3A_189] : memref<163840x128xf32, #tpu.memory_space<hbm>> -> memref<32x128xf32, #tpu.memory_space<hbm>>
    tpu.enqueue_dma source(%dma_start3A_190 : memref<32x128xf32, #tpu.memory_space<hbm>>) target(%dma_start3A_188 : memref<32x128xf32, #tpu.memory_space<vmem>>) target_semaphore(%dma_start3A_184 : memref<!tpu.dma_semaphore, #tpu.memory_space<semaphore_mem>>)
    %scan3A_191 = arith.constant 0 : i32
    %scan3A_192 = arith.constant 0 : i32
    %scan3A_193 = arith.constant 160 : i32
    %scan3A_194 = arith.addi %scan3A_192, %scan3A_193 : i32
    %scan3A_195 = arith.constant 1 : i32
    scf.for %scan3A_205 = %scan3A_192 to %scan3A_194 step %scan3A_195  : i32 {
      %rem3A_206 = arith.constant 2 : i32
      %rem3A_207 = arith.remsi %scan3A_205, %rem3A_206 : i32
      %div3A_208 = arith.constant 32 : i32
      %div3A_209 = arith.divsi %scan3A_205, %div3A_208 : i32
      %div3A_210 = arith.constant 32 : i32
      %div3A_211 = arith.divsi %scan3A_205, %div3A_210 : i32
      %rem3A_212 = arith.constant 32 : i32
      %rem3A_213 = arith.remsi %scan3A_205, %rem3A_212 : i32
      %rem3A_214 = arith.constant 2 : i32
      %rem3A_215 = arith.remsi %div3A_211, %rem3A_214 : i32
      %div3A_216 = arith.constant 4 : i32
      %div3A_217 = arith.divsi %rem3A_213, %div3A_216 : i32
      %rem3A_218 = arith.constant 4 : i32
      %rem3A_219 = arith.remsi %rem3A_213, %rem3A_218 : i32
      %mul3A_220 = arith.constant 32 : i32
      %mul3A_221 = arith.muli %rem3A_219, %mul3A_220 : i32
      %mul3A_222 = arith.constant 5120 : i32
      %mul3A_223 = arith.muli %add3A, %mul3A_222 : i32
      %mul3A_224 = arith.constant 32 : i32
      %mul3A_225 = arith.muli %scan3A_205, %mul3A_224 : i32
      %add3A_226 = arith.addi %mul3A_223, %mul3A_225 : i32
      %rem3A_227 = arith.constant 32 : i32
      %rem3A_228 = arith.remsi %scan3A_205, %rem3A_227 : i32
      %eq3A_229 = arith.constant 0 : i32
      %eq3A_230 = arith.cmpi eq, %rem3A_228, %eq3A_229 : i32
      %add3A_231 = arith.constant 1 : i32
      %add3A_232 = arith.addi %div3A_209, %add3A_231 : i32
      %lt3A = arith.constant 5 : i32
      %lt3A_233 = arith.cmpi slt, %add3A_232, %lt3A : i32
      %and3A = arith.andi %eq3A_230, %lt3A_233 : i1
      %convert_element_type3A_234 = arith.extui %and3A : i1 to i32
      %cond3A_235 = arith.constant 0 : i32
      %cond3A_236 = arith.cmpi ne, %convert_element_type3A_234, %cond3A_235 : i32
      scf.if %cond3A_236 {
        %add3A_286 = arith.constant 1 : i32
        %add3A_287 = arith.addi %div3A_209, %add3A_286 : i32
        %rem3A_288 = arith.constant 2 : i32
        %rem3A_289 = arith.remsi %add3A_287, %rem3A_288 : i32
        %mul3A_290 = arith.constant 40 : i32
        %mul3A_291 = arith.muli %add3A, %mul3A_290 : i32
        %mul3A_292 = arith.constant 8 : i32
        %mul3A_293 = arith.muli %add3A_287, %mul3A_292 : i32
        %add3A_294 = arith.addi %mul3A_291, %mul3A_293 : i32
        %dma_start3A_295 = arith.constant 0 : i32
        %dma_start3A_296 = arith.constant 0 : i32
        %dma_start3A_297 = tpu.memref_slice %arg10[%rem3A_289, %dma_start3A_295, %dma_start3A_296] : memref<2x8x128xi32, #tpu.memory_space<vmem>> -> memref<1x8x128xi32, #tpu.memory_space<vmem>>
        %dma_start3A_298 = tpu.memref_squeeze %dma_start3A_297 : memref<1x8x128xi32, #tpu.memory_space<vmem>> -> memref<8x128xi32, #tpu.memory_space<vmem>>
        %dma_start3A_299 = arith.constant 0 : i32
        %dma_start3A_300 = tpu.memref_slice %arg3[%add3A_294, %dma_start3A_299] : memref<1280x128xi32, #tpu.memory_space<hbm>> -> memref<8x128xi32, #tpu.memory_space<hbm>>
        %dma_start3A_301 = tpu.memref_slice %arg23[%rem3A_289] : memref<2x!tpu.dma_semaphore, #tpu.memory_space<semaphore_mem>> -> memref<1x!tpu.dma_semaphore, #tpu.memory_space<semaphore_mem>>
        %dma_start3A_302 = tpu.memref_squeeze %dma_start3A_301 : memref<1x!tpu.dma_semaphore, #tpu.memory_space<semaphore_mem>> -> memref<!tpu.dma_semaphore, #tpu.memory_space<semaphore_mem>>
        %dma_start3A_303 = arith.constant 0 : i32
        %dma_start3A_304 = arith.constant 0 : i32
        %dma_start3A_305 = tpu.memref_slice %arg10[%rem3A_289, %dma_start3A_303, %dma_start3A_304] : memref<2x8x128xi32, #tpu.memory_space<vmem>> -> memref<1x8x128xi32, #tpu.memory_space<vmem>>
        %dma_start3A_306 = tpu.memref_squeeze %dma_start3A_305 : memref<1x8x128xi32, #tpu.memory_space<vmem>> -> memref<8x128xi32, #tpu.memory_space<vmem>>
        %dma_start3A_307 = arith.constant 0 : i32
        %dma_start3A_308 = tpu.memref_slice %arg3[%add3A_294, %dma_start3A_307] : memref<1280x128xi32, #tpu.memory_space<hbm>> -> memref<8x128xi32, #tpu.memory_space<hbm>>
        tpu.enqueue_dma source(%dma_start3A_308 : memref<8x128xi32, #tpu.memory_space<hbm>>) target(%dma_start3A_306 : memref<8x128xi32, #tpu.memory_space<vmem>>) target_semaphore(%dma_start3A_302 : memref<!tpu.dma_semaphore, #tpu.memory_space<semaphore_mem>>)
        %dma_start3A_309 = arith.constant 0 : i32
        %dma_start3A_310 = arith.constant 0 : i32
        %dma_start3A_311 = tpu.memref_slice %arg11[%rem3A_289, %dma_start3A_309, %dma_start3A_310] : memref<2x8x128xi32, #tpu.memory_space<vmem>> -> memref<1x8x128xi32, #tpu.memory_space<vmem>>
        %dma_start3A_312 = tpu.memref_squeeze %dma_start3A_311 : memref<1x8x128xi32, #tpu.memory_space<vmem>> -> memref<8x128xi32, #tpu.memory_space<vmem>>
        %dma_start3A_313 = arith.constant 0 : i32
        %dma_start3A_314 = tpu.memref_slice %arg4[%add3A_294, %dma_start3A_313] : memref<1280x128xi32, #tpu.memory_space<hbm>> -> memref<8x128xi32, #tpu.memory_space<hbm>>
        %dma_start3A_315 = tpu.memref_slice %arg23[%rem3A_289] : memref<2x!tpu.dma_semaphore, #tpu.memory_space<semaphore_mem>> -> memref<1x!tpu.dma_semaphore, #tpu.memory_space<semaphore_mem>>
        %dma_start3A_316 = tpu.memref_squeeze %dma_start3A_315 : memref<1x!tpu.dma_semaphore, #tpu.memory_space<semaphore_mem>> -> memref<!tpu.dma_semaphore, #tpu.memory_space<semaphore_mem>>
        %dma_start3A_317 = arith.constant 0 : i32
        %dma_start3A_318 = arith.constant 0 : i32
        %dma_start3A_319 = tpu.memref_slice %arg11[%rem3A_289, %dma_start3A_317, %dma_start3A_318] : memref<2x8x128xi32, #tpu.memory_space<vmem>> -> memref<1x8x128xi32, #tpu.memory_space<vmem>>
        %dma_start3A_320 = tpu.memref_squeeze %dma_start3A_319 : memref<1x8x128xi32, #tpu.memory_space<vmem>> -> memref<8x128xi32, #tpu.memory_space<vmem>>
        %dma_start3A_321 = arith.constant 0 : i32
        %dma_start3A_322 = tpu.memref_slice %arg4[%add3A_294, %dma_start3A_321] : memref<1280x128xi32, #tpu.memory_space<hbm>> -> memref<8x128xi32, #tpu.memory_space<hbm>>
        tpu.enqueue_dma source(%dma_start3A_322 : memref<8x128xi32, #tpu.memory_space<hbm>>) target(%dma_start3A_320 : memref<8x128xi32, #tpu.memory_space<vmem>>) target_semaphore(%dma_start3A_316 : memref<!tpu.dma_semaphore, #tpu.memory_space<semaphore_mem>>)
        %dma_start3A_323 = arith.constant 0 : i32
        %dma_start3A_324 = arith.constant 0 : i32
        %dma_start3A_325 = tpu.memref_slice %arg12[%rem3A_289, %dma_start3A_323, %dma_start3A_324] : memref<2x8x128xi32, #tpu.memory_space<vmem>> -> memref<1x8x128xi32, #tpu.memory_space<vmem>>
        %dma_start3A_326 = tpu.memref_squeeze %dma_start3A_325 : memref<1x8x128xi32, #tpu.memory_space<vmem>> -> memref<8x128xi32, #tpu.memory_space<vmem>>
        %dma_start3A_327 = arith.constant 0 : i32
        %dma_start3A_328 = tpu.memref_slice %arg5[%add3A_294, %dma_start3A_327] : memref<1280x128xi32, #tpu.memory_space<hbm>> -> memref<8x128xi32, #tpu.memory_space<hbm>>
        %dma_start3A_329 = tpu.memref_slice %arg23[%rem3A_289] : memref<2x!tpu.dma_semaphore, #tpu.memory_space<semaphore_mem>> -> memref<1x!tpu.dma_semaphore, #tpu.memory_space<semaphore_mem>>
        %dma_start3A_330 = tpu.memref_squeeze %dma_start3A_329 : memref<1x!tpu.dma_semaphore, #tpu.memory_space<semaphore_mem>> -> memref<!tpu.dma_semaphore, #tpu.memory_space<semaphore_mem>>
        %dma_start3A_331 = arith.constant 0 : i32
        %dma_start3A_332 = arith.constant 0 : i32
        %dma_start3A_333 = tpu.memref_slice %arg12[%rem3A_289, %dma_start3A_331, %dma_start3A_332] : memref<2x8x128xi32, #tpu.memory_space<vmem>> -> memref<1x8x128xi32, #tpu.memory_space<vmem>>
        %dma_start3A_334 = tpu.memref_squeeze %dma_start3A_333 : memref<1x8x128xi32, #tpu.memory_space<vmem>> -> memref<8x128xi32, #tpu.memory_space<vmem>>
        %dma_start3A_335 = arith.constant 0 : i32
        %dma_start3A_336 = tpu.memref_slice %arg5[%add3A_294, %dma_start3A_335] : memref<1280x128xi32, #tpu.memory_space<hbm>> -> memref<8x128xi32, #tpu.memory_space<hbm>>
        tpu.enqueue_dma source(%dma_start3A_336 : memref<8x128xi32, #tpu.memory_space<hbm>>) target(%dma_start3A_334 : memref<8x128xi32, #tpu.memory_space<vmem>>) target_semaphore(%dma_start3A_330 : memref<!tpu.dma_semaphore, #tpu.memory_space<semaphore_mem>>)
        %dma_start3A_337 = arith.constant 0 : i32
        %dma_start3A_338 = arith.constant 0 : i32
        %dma_start3A_339 = tpu.memref_slice %arg13[%rem3A_289, %dma_start3A_337, %dma_start3A_338] : memref<2x8x128xi32, #tpu.memory_space<vmem>> -> memref<1x8x128xi32, #tpu.memory_space<vmem>>
        %dma_start3A_340 = tpu.memref_squeeze %dma_start3A_339 : memref<1x8x128xi32, #tpu.memory_space<vmem>> -> memref<8x128xi32, #tpu.memory_space<vmem>>
        %dma_start3A_341 = arith.constant 0 : i32
        %dma_start3A_342 = tpu.memref_slice %arg6[%add3A_294, %dma_start3A_341] : memref<1280x128xi32, #tpu.memory_space<hbm>> -> memref<8x128xi32, #tpu.memory_space<hbm>>
        %dma_start3A_343 = tpu.memref_slice %arg23[%rem3A_289] : memref<2x!tpu.dma_semaphore, #tpu.memory_space<semaphore_mem>> -> memref<1x!tpu.dma_semaphore, #tpu.memory_space<semaphore_mem>>
        %dma_start3A_344 = tpu.memref_squeeze %dma_start3A_343 : memref<1x!tpu.dma_semaphore, #tpu.memory_space<semaphore_mem>> -> memref<!tpu.dma_semaphore, #tpu.memory_space<semaphore_mem>>
        %dma_start3A_345 = arith.constant 0 : i32
        %dma_start3A_346 = arith.constant 0 : i32
        %dma_start3A_347 = tpu.memref_slice %arg13[%rem3A_289, %dma_start3A_345, %dma_start3A_346] : memref<2x8x128xi32, #tpu.memory_space<vmem>> -> memref<1x8x128xi32, #tpu.memory_space<vmem>>
        %dma_start3A_348 = tpu.memref_squeeze %dma_start3A_347 : memref<1x8x128xi32, #tpu.memory_space<vmem>> -> memref<8x128xi32, #tpu.memory_space<vmem>>
        %dma_start3A_349 = arith.constant 0 : i32
        %dma_start3A_350 = tpu.memref_slice %arg6[%add3A_294, %dma_start3A_349] : memref<1280x128xi32, #tpu.memory_space<hbm>> -> memref<8x128xi32, #tpu.memory_space<hbm>>
        tpu.enqueue_dma source(%dma_start3A_350 : memref<8x128xi32, #tpu.memory_space<hbm>>) target(%dma_start3A_348 : memref<8x128xi32, #tpu.memory_space<vmem>>) target_semaphore(%dma_start3A_344 : memref<!tpu.dma_semaphore, #tpu.memory_space<semaphore_mem>>)
      } else {
      }
      %add3A_237 = arith.constant 1 : i32
      %add3A_238 = arith.addi %scan3A_205, %add3A_237 : i32
      %lt3A_239 = arith.constant 160 : i32
      %lt3A_240 = arith.cmpi slt, %add3A_238, %lt3A_239 : i32
      %convert_element_type3A_241 = arith.extui %lt3A_240 : i1 to i32
      %cond3A_242 = arith.constant 0 : i32
      %cond3A_243 = arith.cmpi ne, %convert_element_type3A_241, %cond3A_242 : i32
      scf.if %cond3A_243 {
        %add3A_286 = arith.constant 1 : i32
        %add3A_287 = arith.addi %scan3A_205, %add3A_286 : i32
        %rem3A_288 = arith.constant 32 : i32
        %rem3A_289 = arith.remsi %add3A_287, %rem3A_288 : i32
        %eq3A_290 = arith.constant 0 : i32
        %eq3A_291 = arith.cmpi eq, %rem3A_289, %eq3A_290 : i32
        %convert_element_type3A_292 = arith.extui %eq3A_291 : i1 to i32
        %cond3A_293 = arith.constant 0 : i32
        %cond3A_294 = arith.cmpi ne, %convert_element_type3A_292, %cond3A_293 : i32
        scf.if %cond3A_294 {
          %add3A_352 = arith.constant 1 : i32
          %add3A_353 = arith.addi %div3A_209, %add3A_352 : i32
          %rem3A_354 = arith.constant 2 : i32
          %rem3A_355 = arith.remsi %add3A_353, %rem3A_354 : i32
          %mul3A_356 = arith.constant 40 : i32
          %mul3A_357 = arith.muli %add3A, %mul3A_356 : i32
          %mul3A_358 = arith.constant 8 : i32
          %mul3A_359 = arith.muli %add3A_353, %mul3A_358 : i32
          %add3A_360 = arith.addi %mul3A_357, %mul3A_359 : i32
          %dma_wait3A_361 = arith.constant 0 : i32
          %dma_wait3A_362 = arith.constant 0 : i32
          %dma_wait3A_363 = tpu.memref_slice %arg10[%rem3A_355, %dma_wait3A_361, %dma_wait3A_362] : memref<2x8x128xi32, #tpu.memory_space<vmem>> -> memref<1x8x128xi32, #tpu.memory_space<vmem>>
          %dma_wait3A_364 = tpu.memref_squeeze %dma_wait3A_363 : memref<1x8x128xi32, #tpu.memory_space<vmem>> -> memref<8x128xi32, #tpu.memory_space<vmem>>
          %dma_wait3A_365 = arith.constant 0 : i32
          %dma_wait3A_366 = tpu.memref_slice %arg3[%add3A_360, %dma_wait3A_365] : memref<1280x128xi32, #tpu.memory_space<hbm>> -> memref<8x128xi32, #tpu.memory_space<hbm>>
          %dma_wait3A_367 = tpu.memref_slice %arg23[%rem3A_355] : memref<2x!tpu.dma_semaphore, #tpu.memory_space<semaphore_mem>> -> memref<1x!tpu.dma_semaphore, #tpu.memory_space<semaphore_mem>>
          %dma_wait3A_368 = tpu.memref_squeeze %dma_wait3A_367 : memref<1x!tpu.dma_semaphore, #tpu.memory_space<semaphore_mem>> -> memref<!tpu.dma_semaphore, #tpu.memory_space<semaphore_mem>>
          %dma_wait3A_369 = arith.constant 0 : i32
          %dma_wait3A_370 = arith.constant 0 : i32
          %dma_wait3A_371 = tpu.memref_slice %arg10[%rem3A_355, %dma_wait3A_369, %dma_wait3A_370] : memref<2x8x128xi32, #tpu.memory_space<vmem>> -> memref<1x8x128xi32, #tpu.memory_space<vmem>>
          %dma_wait3A_372 = tpu.memref_squeeze %dma_wait3A_371 : memref<1x8x128xi32, #tpu.memory_space<vmem>> -> memref<8x128xi32, #tpu.memory_space<vmem>>
          %dma_wait3A_373 = arith.constant 0 : i32
          %dma_wait3A_374 = tpu.memref_slice %arg3[%add3A_360, %dma_wait3A_373] : memref<1280x128xi32, #tpu.memory_space<hbm>> -> memref<8x128xi32, #tpu.memory_space<hbm>>
          tpu.wait_dma2 semaphore(%dma_wait3A_368 : memref<!tpu.dma_semaphore, #tpu.memory_space<semaphore_mem>>) src(%dma_wait3A_374 : memref<8x128xi32, #tpu.memory_space<hbm>>) dst(%dma_wait3A_372 : memref<8x128xi32, #tpu.memory_space<vmem>>)
          %dma_wait3A_375 = arith.constant 0 : i32
          %dma_wait3A_376 = arith.constant 0 : i32
          %dma_wait3A_377 = tpu.memref_slice %arg11[%rem3A_355, %dma_wait3A_375, %dma_wait3A_376] : memref<2x8x128xi32, #tpu.memory_space<vmem>> -> memref<1x8x128xi32, #tpu.memory_space<vmem>>
          %dma_wait3A_378 = tpu.memref_squeeze %dma_wait3A_377 : memref<1x8x128xi32, #tpu.memory_space<vmem>> -> memref<8x128xi32, #tpu.memory_space<vmem>>
          %dma_wait3A_379 = arith.constant 0 : i32
          %dma_wait3A_380 = tpu.memref_slice %arg4[%add3A_360, %dma_wait3A_379] : memref<1280x128xi32, #tpu.memory_space<hbm>> -> memref<8x128xi32, #tpu.memory_space<hbm>>
          %dma_wait3A_381 = tpu.memref_slice %arg23[%rem3A_355] : memref<2x!tpu.dma_semaphore, #tpu.memory_space<semaphore_mem>> -> memref<1x!tpu.dma_semaphore, #tpu.memory_space<semaphore_mem>>
          %dma_wait3A_382 = tpu.memref_squeeze %dma_wait3A_381 : memref<1x!tpu.dma_semaphore, #tpu.memory_space<semaphore_mem>> -> memref<!tpu.dma_semaphore, #tpu.memory_space<semaphore_mem>>
          %dma_wait3A_383 = arith.constant 0 : i32
          %dma_wait3A_384 = arith.constant 0 : i32
          %dma_wait3A_385 = tpu.memref_slice %arg11[%rem3A_355, %dma_wait3A_383, %dma_wait3A_384] : memref<2x8x128xi32, #tpu.memory_space<vmem>> -> memref<1x8x128xi32, #tpu.memory_space<vmem>>
          %dma_wait3A_386 = tpu.memref_squeeze %dma_wait3A_385 : memref<1x8x128xi32, #tpu.memory_space<vmem>> -> memref<8x128xi32, #tpu.memory_space<vmem>>
          %dma_wait3A_387 = arith.constant 0 : i32
          %dma_wait3A_388 = tpu.memref_slice %arg4[%add3A_360, %dma_wait3A_387] : memref<1280x128xi32, #tpu.memory_space<hbm>> -> memref<8x128xi32, #tpu.memory_space<hbm>>
          tpu.wait_dma2 semaphore(%dma_wait3A_382 : memref<!tpu.dma_semaphore, #tpu.memory_space<semaphore_mem>>) src(%dma_wait3A_388 : memref<8x128xi32, #tpu.memory_space<hbm>>) dst(%dma_wait3A_386 : memref<8x128xi32, #tpu.memory_space<vmem>>)
          %dma_wait3A_389 = arith.constant 0 : i32
          %dma_wait3A_390 = arith.constant 0 : i32
          %dma_wait3A_391 = tpu.memref_slice %arg12[%rem3A_355, %dma_wait3A_389, %dma_wait3A_390] : memref<2x8x128xi32, #tpu.memory_space<vmem>> -> memref<1x8x128xi32, #tpu.memory_space<vmem>>
          %dma_wait3A_392 = tpu.memref_squeeze %dma_wait3A_391 : memref<1x8x128xi32, #tpu.memory_space<vmem>> -> memref<8x128xi32, #tpu.memory_space<vmem>>
          %dma_wait3A_393 = arith.constant 0 : i32
          %dma_wait3A_394 = tpu.memref_slice %arg5[%add3A_360, %dma_wait3A_393] : memref<1280x128xi32, #tpu.memory_space<hbm>> -> memref<8x128xi32, #tpu.memory_space<hbm>>
          %dma_wait3A_395 = tpu.memref_slice %arg23[%rem3A_355] : memref<2x!tpu.dma_semaphore, #tpu.memory_space<semaphore_mem>> -> memref<1x!tpu.dma_semaphore, #tpu.memory_space<semaphore_mem>>
          %dma_wait3A_396 = tpu.memref_squeeze %dma_wait3A_395 : memref<1x!tpu.dma_semaphore, #tpu.memory_space<semaphore_mem>> -> memref<!tpu.dma_semaphore, #tpu.memory_space<semaphore_mem>>
          %dma_wait3A_397 = arith.constant 0 : i32
          %dma_wait3A_398 = arith.constant 0 : i32
          %dma_wait3A_399 = tpu.memref_slice %arg12[%rem3A_355, %dma_wait3A_397, %dma_wait3A_398] : memref<2x8x128xi32, #tpu.memory_space<vmem>> -> memref<1x8x128xi32, #tpu.memory_space<vmem>>
          %dma_wait3A_400 = tpu.memref_squeeze %dma_wait3A_399 : memref<1x8x128xi32, #tpu.memory_space<vmem>> -> memref<8x128xi32, #tpu.memory_space<vmem>>
          %dma_wait3A_401 = arith.constant 0 : i32
          %dma_wait3A_402 = tpu.memref_slice %arg5[%add3A_360, %dma_wait3A_401] : memref<1280x128xi32, #tpu.memory_space<hbm>> -> memref<8x128xi32, #tpu.memory_space<hbm>>
          tpu.wait_dma2 semaphore(%dma_wait3A_396 : memref<!tpu.dma_semaphore, #tpu.memory_space<semaphore_mem>>) src(%dma_wait3A_402 : memref<8x128xi32, #tpu.memory_space<hbm>>) dst(%dma_wait3A_400 : memref<8x128xi32, #tpu.memory_space<vmem>>)
          %dma_wait3A_403 = arith.constant 0 : i32
          %dma_wait3A_404 = arith.constant 0 : i32
          %dma_wait3A_405 = tpu.memref_slice %arg13[%rem3A_355, %dma_wait3A_403, %dma_wait3A_404] : memref<2x8x128xi32, #tpu.memory_space<vmem>> -> memref<1x8x128xi32, #tpu.memory_space<vmem>>
          %dma_wait3A_406 = tpu.memref_squeeze %dma_wait3A_405 : memref<1x8x128xi32, #tpu.memory_space<vmem>> -> memref<8x128xi32, #tpu.memory_space<vmem>>
          %dma_wait3A_407 = arith.constant 0 : i32
          %dma_wait3A_408 = tpu.memref_slice %arg6[%add3A_360, %dma_wait3A_407] : memref<1280x128xi32, #tpu.memory_space<hbm>> -> memref<8x128xi32, #tpu.memory_space<hbm>>
          %dma_wait3A_409 = tpu.memref_slice %arg23[%rem3A_355] : memref<2x!tpu.dma_semaphore, #tpu.memory_space<semaphore_mem>> -> memref<1x!tpu.dma_semaphore, #tpu.memory_space<semaphore_mem>>
          %dma_wait3A_410 = tpu.memref_squeeze %dma_wait3A_409 : memref<1x!tpu.dma_semaphore, #tpu.memory_space<semaphore_mem>> -> memref<!tpu.dma_semaphore, #tpu.memory_space<semaphore_mem>>
          %dma_wait3A_411 = arith.constant 0 : i32
          %dma_wait3A_412 = arith.constant 0 : i32
          %dma_wait3A_413 = tpu.memref_slice %arg13[%rem3A_355, %dma_wait3A_411, %dma_wait3A_412] : memref<2x8x128xi32, #tpu.memory_space<vmem>> -> memref<1x8x128xi32, #tpu.memory_space<vmem>>
          %dma_wait3A_414 = tpu.memref_squeeze %dma_wait3A_413 : memref<1x8x128xi32, #tpu.memory_space<vmem>> -> memref<8x128xi32, #tpu.memory_space<vmem>>
          %dma_wait3A_415 = arith.constant 0 : i32
          %dma_wait3A_416 = tpu.memref_slice %arg6[%add3A_360, %dma_wait3A_415] : memref<1280x128xi32, #tpu.memory_space<hbm>> -> memref<8x128xi32, #tpu.memory_space<hbm>>
          tpu.wait_dma2 semaphore(%dma_wait3A_410 : memref<!tpu.dma_semaphore, #tpu.memory_space<semaphore_mem>>) src(%dma_wait3A_416 : memref<8x128xi32, #tpu.memory_space<hbm>>) dst(%dma_wait3A_414 : memref<8x128xi32, #tpu.memory_space<vmem>>)
        } else {
        }
        %add3A_295 = arith.constant 1 : i32
        %add3A_296 = arith.addi %scan3A_205, %add3A_295 : i32
        %rem3A_297 = arith.constant 2 : i32
        %rem3A_298 = arith.remsi %add3A_296, %rem3A_297 : i32
        %div3A_299 = arith.constant 32 : i32
        %div3A_300 = arith.divsi %add3A_296, %div3A_299 : i32
        %rem3A_301 = arith.constant 32 : i32
        %rem3A_302 = arith.remsi %add3A_296, %rem3A_301 : i32
        %rem3A_303 = arith.constant 2 : i32
        %rem3A_304 = arith.remsi %div3A_300, %rem3A_303 : i32
        %div3A_305 = arith.constant 4 : i32
        %div3A_306 = arith.divsi %rem3A_302, %div3A_305 : i32
        %rem3A_307 = arith.constant 4 : i32
        %rem3A_308 = arith.remsi %rem3A_302, %rem3A_307 : i32
        %mul3A_309 = arith.constant 32 : i32
        %mul3A_310 = arith.muli %rem3A_308, %mul3A_309 : i32
        %mul3A_311 = arith.constant 5120 : i32
        %mul3A_312 = arith.muli %add3A, %mul3A_311 : i32
        %mul3A_313 = arith.constant 32 : i32
        %mul3A_314 = arith.muli %add3A_296, %mul3A_313 : i32
        %add3A_315 = arith.addi %mul3A_312, %mul3A_314 : i32
        %dma_start3A_316 = arith.constant 0 : i32
        %dma_start3A_317 = arith.constant 0 : i32
        %dma_start3A_318 = tpu.memref_slice %arg14[%rem3A_298, %dma_start3A_316, %dma_start3A_317] : memref<2x32x64xf32, #tpu.memory_space<vmem>> -> memref<1x32x64xf32, #tpu.memory_space<vmem>>
        %dma_start3A_319 = tpu.memref_squeeze %dma_start3A_318 : memref<1x32x64xf32, #tpu.memory_space<vmem>> -> memref<32x64xf32, #tpu.memory_space<vmem>>
        %dma_start3A_320 = tpu.memref_slice %arg10[%rem3A_304, %div3A_306, %mul3A_310] : memref<2x8x128xi32, #tpu.memory_space<vmem>> -> memref<1x1x32xi32, #tpu.memory_space<vmem>>
        %dma_start3A_321 = tpu.memref_squeeze %dma_start3A_320 : memref<1x1x32xi32, #tpu.memory_space<vmem>> -> memref<32xi32, #tpu.memory_space<vmem>>
        %dma_start3A_322 = arith.constant 0 : i32
        %dma_start3A_323 = arith.constant 0 : i32
        %dma_start3A_324 = tpu.memref_slice %arg2[%dma_start3A_322, %dma_start3A_323] : memref<10240x64xf32, #tpu.memory_space<hbm>> -> memref<10240x64xf32, #tpu.memory_space<hbm>>
        %dma_start3A_325 = tpu.memref_slice %arg20[%rem3A_298] : memref<2x!tpu.dma_semaphore, #tpu.memory_space<semaphore_mem>> -> memref<1x!tpu.dma_semaphore, #tpu.memory_space<semaphore_mem>>
        %dma_start3A_326 = tpu.memref_squeeze %dma_start3A_325 : memref<1x!tpu.dma_semaphore, #tpu.memory_space<semaphore_mem>> -> memref<!tpu.dma_semaphore, #tpu.memory_space<semaphore_mem>>
        tpu.enqueue_indirect_dma source(%dma_start3A_324 : memref<10240x64xf32, #tpu.memory_space<hbm>>) target(%dma_start3A_319 : memref<32x64xf32, #tpu.memory_space<vmem>>) offsets(%dma_start3A_321 : memref<32xi32, #tpu.memory_space<vmem>>) semaphore(%dma_start3A_326 : memref<!tpu.dma_semaphore, #tpu.memory_space<semaphore_mem>>)
        %dma_start3A_327 = arith.constant 0 : i32
        %dma_start3A_328 = arith.constant 0 : i32
        %dma_start3A_329 = tpu.memref_slice %arg15[%rem3A_298, %dma_start3A_327, %dma_start3A_328] : memref<2x32x64xf32, #tpu.memory_space<vmem>> -> memref<1x32x64xf32, #tpu.memory_space<vmem>>
        %dma_start3A_330 = tpu.memref_squeeze %dma_start3A_329 : memref<1x32x64xf32, #tpu.memory_space<vmem>> -> memref<32x64xf32, #tpu.memory_space<vmem>>
        %dma_start3A_331 = tpu.memref_slice %arg12[%rem3A_304, %div3A_306, %mul3A_310] : memref<2x8x128xi32, #tpu.memory_space<vmem>> -> memref<1x1x32xi32, #tpu.memory_space<vmem>>
        %dma_start3A_332 = tpu.memref_squeeze %dma_start3A_331 : memref<1x1x32xi32, #tpu.memory_space<vmem>> -> memref<32xi32, #tpu.memory_space<vmem>>
        %dma_start3A_333 = arith.constant 0 : i32
        %dma_start3A_334 = arith.constant 0 : i32
        %dma_start3A_335 = tpu.memref_slice %arg2[%dma_start3A_333, %dma_start3A_334] : memref<10240x64xf32, #tpu.memory_space<hbm>> -> memref<10240x64xf32, #tpu.memory_space<hbm>>
        %dma_start3A_336 = tpu.memref_slice %arg21[%rem3A_298] : memref<2x!tpu.dma_semaphore, #tpu.memory_space<semaphore_mem>> -> memref<1x!tpu.dma_semaphore, #tpu.memory_space<semaphore_mem>>
        %dma_start3A_337 = tpu.memref_squeeze %dma_start3A_336 : memref<1x!tpu.dma_semaphore, #tpu.memory_space<semaphore_mem>> -> memref<!tpu.dma_semaphore, #tpu.memory_space<semaphore_mem>>
        tpu.enqueue_indirect_dma source(%dma_start3A_335 : memref<10240x64xf32, #tpu.memory_space<hbm>>) target(%dma_start3A_330 : memref<32x64xf32, #tpu.memory_space<vmem>>) offsets(%dma_start3A_332 : memref<32xi32, #tpu.memory_space<vmem>>) semaphore(%dma_start3A_337 : memref<!tpu.dma_semaphore, #tpu.memory_space<semaphore_mem>>)
        %dma_start3A_338 = arith.constant 0 : i32
        %dma_start3A_339 = arith.constant 0 : i32
        %dma_start3A_340 = tpu.memref_slice %arg16[%rem3A_298, %dma_start3A_338, %dma_start3A_339] : memref<2x32x128xf32, #tpu.memory_space<vmem>> -> memref<1x32x128xf32, #tpu.memory_space<vmem>>
        %dma_start3A_341 = tpu.memref_squeeze %dma_start3A_340 : memref<1x32x128xf32, #tpu.memory_space<vmem>> -> memref<32x128xf32, #tpu.memory_space<vmem>>
        %dma_start3A_342 = arith.constant 0 : i32
        %dma_start3A_343 = tpu.memref_slice %arg7[%add3A_315, %dma_start3A_342] : memref<163840x128xf32, #tpu.memory_space<hbm>> -> memref<32x128xf32, #tpu.memory_space<hbm>>
        %dma_start3A_344 = tpu.memref_slice %arg22[%rem3A_298] : memref<2x!tpu.dma_semaphore, #tpu.memory_space<semaphore_mem>> -> memref<1x!tpu.dma_semaphore, #tpu.memory_space<semaphore_mem>>
        %dma_start3A_345 = tpu.memref_squeeze %dma_start3A_344 : memref<1x!tpu.dma_semaphore, #tpu.memory_space<semaphore_mem>> -> memref<!tpu.dma_semaphore, #tpu.memory_space<semaphore_mem>>
        %dma_start3A_346 = arith.constant 0 : i32
        %dma_start3A_347 = arith.constant 0 : i32
        %dma_start3A_348 = tpu.memref_slice %arg16[%rem3A_298, %dma_start3A_346, %dma_start3A_347] : memref<2x32x128xf32, #tpu.memory_space<vmem>> -> memref<1x32x128xf32, #tpu.memory_space<vmem>>
        %dma_start3A_349 = tpu.memref_squeeze %dma_start3A_348 : memref<1x32x128xf32, #tpu.memory_space<vmem>> -> memref<32x128xf32, #tpu.memory_space<vmem>>
        %dma_start3A_350 = arith.constant 0 : i32
        %dma_start3A_351 = tpu.memref_slice %arg7[%add3A_315, %dma_start3A_350] : memref<163840x128xf32, #tpu.memory_space<hbm>> -> memref<32x128xf32, #tpu.memory_space<hbm>>
        tpu.enqueue_dma source(%dma_start3A_351 : memref<32x128xf32, #tpu.memory_space<hbm>>) target(%dma_start3A_349 : memref<32x128xf32, #tpu.memory_space<vmem>>) target_semaphore(%dma_start3A_345 : memref<!tpu.dma_semaphore, #tpu.memory_space<semaphore_mem>>)
      } else {
      }
      %dma_wait3A_244 = arith.constant 0 : i32
      %dma_wait3A_245 = arith.constant 0 : i32
      %dma_wait3A_246 = tpu.memref_slice %arg14[%rem3A_207, %dma_wait3A_244, %dma_wait3A_245] : memref<2x32x64xf32, #tpu.memory_space<vmem>> -> memref<1x32x64xf32, #tpu.memory_space<vmem>>
      %dma_wait3A_247 = tpu.memref_squeeze %dma_wait3A_246 : memref<1x32x64xf32, #tpu.memory_space<vmem>> -> memref<32x64xf32, #tpu.memory_space<vmem>>
      %dma_wait3A_248 = tpu.memref_slice %arg10[%rem3A_215, %div3A_217, %mul3A_221] : memref<2x8x128xi32, #tpu.memory_space<vmem>> -> memref<1x1x32xi32, #tpu.memory_space<vmem>>
      %dma_wait3A_249 = tpu.memref_squeeze %dma_wait3A_248 : memref<1x1x32xi32, #tpu.memory_space<vmem>> -> memref<32xi32, #tpu.memory_space<vmem>>
      %dma_wait3A_250 = arith.constant 0 : i32
      %dma_wait3A_251 = arith.constant 0 : i32
      %dma_wait3A_252 = tpu.memref_slice %arg2[%dma_wait3A_250, %dma_wait3A_251] : memref<10240x64xf32, #tpu.memory_space<hbm>> -> memref<10240x64xf32, #tpu.memory_space<hbm>>
      %dma_wait3A_253 = tpu.memref_slice %arg20[%rem3A_207] : memref<2x!tpu.dma_semaphore, #tpu.memory_space<semaphore_mem>> -> memref<1x!tpu.dma_semaphore, #tpu.memory_space<semaphore_mem>>
      %dma_wait3A_254 = tpu.memref_squeeze %dma_wait3A_253 : memref<1x!tpu.dma_semaphore, #tpu.memory_space<semaphore_mem>> -> memref<!tpu.dma_semaphore, #tpu.memory_space<semaphore_mem>>
      tpu.wait_indirect_dma semaphore(%dma_wait3A_254 : memref<!tpu.dma_semaphore, #tpu.memory_space<semaphore_mem>>) src(%dma_wait3A_252 : memref<10240x64xf32, #tpu.memory_space<hbm>>) dst(%dma_wait3A_247 : memref<32x64xf32, #tpu.memory_space<vmem>>)
      %dma_wait3A_255 = arith.constant 0 : i32
      %dma_wait3A_256 = arith.constant 0 : i32
      %dma_wait3A_257 = tpu.memref_slice %arg15[%rem3A_207, %dma_wait3A_255, %dma_wait3A_256] : memref<2x32x64xf32, #tpu.memory_space<vmem>> -> memref<1x32x64xf32, #tpu.memory_space<vmem>>
      %dma_wait3A_258 = tpu.memref_squeeze %dma_wait3A_257 : memref<1x32x64xf32, #tpu.memory_space<vmem>> -> memref<32x64xf32, #tpu.memory_space<vmem>>
      %dma_wait3A_259 = tpu.memref_slice %arg12[%rem3A_215, %div3A_217, %mul3A_221] : memref<2x8x128xi32, #tpu.memory_space<vmem>> -> memref<1x1x32xi32, #tpu.memory_space<vmem>>
      %dma_wait3A_260 = tpu.memref_squeeze %dma_wait3A_259 : memref<1x1x32xi32, #tpu.memory_space<vmem>> -> memref<32xi32, #tpu.memory_space<vmem>>
      %dma_wait3A_261 = arith.constant 0 : i32
      %dma_wait3A_262 = arith.constant 0 : i32
      %dma_wait3A_263 = tpu.memref_slice %arg2[%dma_wait3A_261, %dma_wait3A_262] : memref<10240x64xf32, #tpu.memory_space<hbm>> -> memref<10240x64xf32, #tpu.memory_space<hbm>>
      %dma_wait3A_264 = tpu.memref_slice %arg21[%rem3A_207] : memref<2x!tpu.dma_semaphore, #tpu.memory_space<semaphore_mem>> -> memref<1x!tpu.dma_semaphore, #tpu.memory_space<semaphore_mem>>
      %dma_wait3A_265 = tpu.memref_squeeze %dma_wait3A_264 : memref<1x!tpu.dma_semaphore, #tpu.memory_space<semaphore_mem>> -> memref<!tpu.dma_semaphore, #tpu.memory_space<semaphore_mem>>
      tpu.wait_indirect_dma semaphore(%dma_wait3A_265 : memref<!tpu.dma_semaphore, #tpu.memory_space<semaphore_mem>>) src(%dma_wait3A_263 : memref<10240x64xf32, #tpu.memory_space<hbm>>) dst(%dma_wait3A_258 : memref<32x64xf32, #tpu.memory_space<vmem>>)
      %dma_wait3A_266 = arith.constant 0 : i32
      %dma_wait3A_267 = arith.constant 0 : i32
      %dma_wait3A_268 = tpu.memref_slice %arg16[%rem3A_207, %dma_wait3A_266, %dma_wait3A_267] : memref<2x32x128xf32, #tpu.memory_space<vmem>> -> memref<1x32x128xf32, #tpu.memory_space<vmem>>
      %dma_wait3A_269 = tpu.memref_squeeze %dma_wait3A_268 : memref<1x32x128xf32, #tpu.memory_space<vmem>> -> memref<32x128xf32, #tpu.memory_space<vmem>>
      %dma_wait3A_270 = arith.constant 0 : i32
      %dma_wait3A_271 = tpu.memref_slice %arg7[%add3A_226, %dma_wait3A_270] : memref<163840x128xf32, #tpu.memory_space<hbm>> -> memref<32x128xf32, #tpu.memory_space<hbm>>
      %dma_wait3A_272 = tpu.memref_slice %arg22[%rem3A_207] : memref<2x!tpu.dma_semaphore, #tpu.memory_space<semaphore_mem>> -> memref<1x!tpu.dma_semaphore, #tpu.memory_space<semaphore_mem>>
      %dma_wait3A_273 = tpu.memref_squeeze %dma_wait3A_272 : memref<1x!tpu.dma_semaphore, #tpu.memory_space<semaphore_mem>> -> memref<!tpu.dma_semaphore, #tpu.memory_space<semaphore_mem>>
      %dma_wait3A_274 = arith.constant 0 : i32
      %dma_wait3A_275 = arith.constant 0 : i32
      %dma_wait3A_276 = tpu.memref_slice %arg16[%rem3A_207, %dma_wait3A_274, %dma_wait3A_275] : memref<2x32x128xf32, #tpu.memory_space<vmem>> -> memref<1x32x128xf32, #tpu.memory_space<vmem>>
      %dma_wait3A_277 = tpu.memref_squeeze %dma_wait3A_276 : memref<1x32x128xf32, #tpu.memory_space<vmem>> -> memref<32x128xf32, #tpu.memory_space<vmem>>
      %dma_wait3A_278 = arith.constant 0 : i32
      %dma_wait3A_279 = tpu.memref_slice %arg7[%add3A_226, %dma_wait3A_278] : memref<163840x128xf32, #tpu.memory_space<hbm>> -> memref<32x128xf32, #tpu.memory_space<hbm>>
      tpu.wait_dma2 semaphore(%dma_wait3A_273 : memref<!tpu.dma_semaphore, #tpu.memory_space<semaphore_mem>>) src(%dma_wait3A_279 : memref<32x128xf32, #tpu.memory_space<hbm>>) dst(%dma_wait3A_277 : memref<32x128xf32, #tpu.memory_space<vmem>>)
      %scan3A_280 = arith.constant 0 : i32
      %scan3A_281 = arith.constant 0 : i32
      %scan3A_282 = arith.constant 32 : i32
      %scan3A_283 = arith.addi %scan3A_281, %scan3A_282 : i32
      %scan3A_284 = arith.constant 1 : i32
      scf.for %scan3A_286 = %scan3A_281 to %scan3A_283 step %scan3A_284  : i32 {
        %get3A = arith.index_cast %rem3A_207 : i32 to index
        %get3A_287 = arith.index_cast %scan3A_286 : i32 to index
        %get3A_288 = arith.constant 0 : index
        %get3A_289 = tpu.vector_load %arg14[%get3A, %get3A_287, %get3A_288] {strides = array<i32>} : memref<2x32x64xf32, #tpu.memory_space<vmem>>, vector<16xf32>,
        %bitcast3A = vector.bitcast %get3A_289 : vector<16xf32> to vector<32xbf16>
        %unpack3A = tpu.unpack_subelements %bitcast3A, 0 {pack_format = #tpu.pack_format<interleaved>} : vector<32xbf16> -> vector<16xf32>
        %unpack3A_290 = tpu.unpack_subelements %bitcast3A, 1 {pack_format = #tpu.pack_format<interleaved>} : vector<32xbf16> -> vector<16xf32>
        %get3A_291 = arith.index_cast %rem3A_207 : i32 to index
        %get3A_292 = arith.index_cast %scan3A_286 : i32 to index
        %get3A_293 = arith.constant 0 : index
        %get3A_294 = tpu.vector_load %arg16[%get3A_291, %get3A_292, %get3A_293] {strides = array<i32>} : memref<2x32x128xf32, #tpu.memory_space<vmem>>, vector<16xf32>,
        %bitcast3A_295 = vector.bitcast %get3A_294 : vector<16xf32> to vector<32xbf16>
        %unpack3A_296 = tpu.unpack_subelements %bitcast3A_295, 0 {pack_format = #tpu.pack_format<interleaved>} : vector<32xbf16> -> vector<16xf32>
        %unpack3A_297 = tpu.unpack_subelements %bitcast3A_295, 1 {pack_format = #tpu.pack_format<interleaved>} : vector<32xbf16> -> vector<16xf32>
        %mul3A_298 = arith.mulf %unpack3A, %unpack3A_296 : vector<16xf32>
        %swap3A = arith.index_cast %scan3A_286 : i32 to index
        %swap3A_299 = arith.constant 0 : index
        %swap3A_300 = tpu.vector_load %arg17[%swap3A, %swap3A_299] {strides = array<i32>} : memref<32x128xf32, #tpu.memory_space<vmem>>, vector<16xf32>,
        tpu.vector_store %arg17[%swap3A, %swap3A_299], %mul3A_298 {strides = array<i32>} : memref<32x128xf32, #tpu.memory_space<vmem>>, vector<16xf32>,
        %mul3A_301 = arith.mulf %unpack3A_290, %unpack3A_297 : vector<16xf32>
        %swap3A_302 = arith.index_cast %scan3A_286 : i32 to index
        %swap3A_303 = arith.constant 16 : index
        %swap3A_304 = tpu.vector_load %arg17[%swap3A_302, %swap3A_303] {strides = array<i32>} : memref<32x128xf32, #tpu.memory_space<vmem>>, vector<16xf32>,
        tpu.vector_store %arg17[%swap3A_302, %swap3A_303], %mul3A_301 {strides = array<i32>} : memref<32x128xf32, #tpu.memory_space<vmem>>, vector<16xf32>,
        %get3A_305 = arith.index_cast %rem3A_207 : i32 to index
        %get3A_306 = arith.index_cast %scan3A_286 : i32 to index
        %get3A_307 = arith.constant 0 : index
        %get3A_308 = tpu.vector_load %arg15[%get3A_305, %get3A_306, %get3A_307] {strides = array<i32>} : memref<2x32x64xf32, #tpu.memory_space<vmem>>, vector<16xf32>,
        %bitcast3A_309 = vector.bitcast %get3A_308 : vector<16xf32> to vector<32xbf16>
        %unpack3A_310 = tpu.unpack_subelements %bitcast3A_309, 0 {pack_format = #tpu.pack_format<interleaved>} : vector<32xbf16> -> vector<16xf32>
        %unpack3A_311 = tpu.unpack_subelements %bitcast3A_309, 1 {pack_format = #tpu.pack_format<interleaved>} : vector<32xbf16> -> vector<16xf32>
        %get3A_312 = arith.index_cast %rem3A_207 : i32 to index
        %get3A_313 = arith.index_cast %scan3A_286 : i32 to index
        %get3A_314 = arith.constant 64 : index
        %get3A_315 = tpu.vector_load %arg16[%get3A_312, %get3A_313, %get3A_314] {strides = array<i32>} : memref<2x32x128xf32, #tpu.memory_space<vmem>>, vector<16xf32>,
        %bitcast3A_316 = vector.bitcast %get3A_315 : vector<16xf32> to vector<32xbf16>
        %unpack3A_317 = tpu.unpack_subelements %bitcast3A_316, 0 {pack_format = #tpu.pack_format<interleaved>} : vector<32xbf16> -> vector<16xf32>
        %unpack3A_318 = tpu.unpack_subelements %bitcast3A_316, 1 {pack_format = #tpu.pack_format<interleaved>} : vector<32xbf16> -> vector<16xf32>
        %mul3A_319 = arith.mulf %unpack3A_310, %unpack3A_317 : vector<16xf32>
        %swap3A_320 = arith.index_cast %scan3A_286 : i32 to index
        %swap3A_321 = arith.constant 0 : index
        %swap3A_322 = tpu.vector_load %arg18[%swap3A_320, %swap3A_321] {strides = array<i32>} : memref<32x128xf32, #tpu.memory_space<vmem>>, vector<16xf32>,
        tpu.vector_store %arg18[%swap3A_320, %swap3A_321], %mul3A_319 {strides = array<i32>} : memref<32x128xf32, #tpu.memory_space<vmem>>, vector<16xf32>,
        %mul3A_323 = arith.mulf %unpack3A_311, %unpack3A_318 : vector<16xf32>
        %swap3A_324 = arith.index_cast %scan3A_286 : i32 to index
        %swap3A_325 = arith.constant 16 : index
        %swap3A_326 = tpu.vector_load %arg18[%swap3A_324, %swap3A_325] {strides = array<i32>} : memref<32x128xf32, #tpu.memory_space<vmem>>, vector<16xf32>,
        tpu.vector_store %arg18[%swap3A_324, %swap3A_325], %mul3A_323 {strides = array<i32>} : memref<32x128xf32, #tpu.memory_space<vmem>>, vector<16xf32>,
        %get3A_327 = arith.index_cast %rem3A_207 : i32 to index
        %get3A_328 = arith.index_cast %scan3A_286 : i32 to index
        %get3A_329 = arith.constant 16 : index
        %get3A_330 = tpu.vector_load %arg14[%get3A_327, %get3A_328, %get3A_329] {strides = array<i32>} : memref<2x32x64xf32, #tpu.memory_space<vmem>>, vector<16xf32>,
        %bitcast3A_331 = vector.bitcast %get3A_330 : vector<16xf32> to vector<32xbf16>
        %unpack3A_332 = tpu.unpack_subelements %bitcast3A_331, 0 {pack_format = #tpu.pack_format<interleaved>} : vector<32xbf16> -> vector<16xf32>
        %unpack3A_333 = tpu.unpack_subelements %bitcast3A_331, 1 {pack_format = #tpu.pack_format<interleaved>} : vector<32xbf16> -> vector<16xf32>
        %get3A_334 = arith.index_cast %rem3A_207 : i32 to index
        %get3A_335 = arith.index_cast %scan3A_286 : i32 to index
        %get3A_336 = arith.constant 16 : index
        %get3A_337 = tpu.vector_load %arg16[%get3A_334, %get3A_335, %get3A_336] {strides = array<i32>} : memref<2x32x128xf32, #tpu.memory_space<vmem>>, vector<16xf32>,
        %bitcast3A_338 = vector.bitcast %get3A_337 : vector<16xf32> to vector<32xbf16>
        %unpack3A_339 = tpu.unpack_subelements %bitcast3A_338, 0 {pack_format = #tpu.pack_format<interleaved>} : vector<32xbf16> -> vector<16xf32>
        %unpack3A_340 = tpu.unpack_subelements %bitcast3A_338, 1 {pack_format = #tpu.pack_format<interleaved>} : vector<32xbf16> -> vector<16xf32>
        %mul3A_341 = arith.mulf %unpack3A_332, %unpack3A_339 : vector<16xf32>
        %swap3A_342 = arith.index_cast %scan3A_286 : i32 to index
        %swap3A_343 = arith.constant 32 : index
        %swap3A_344 = tpu.vector_load %arg17[%swap3A_342, %swap3A_343] {strides = array<i32>} : memref<32x128xf32, #tpu.memory_space<vmem>>, vector<16xf32>,
        tpu.vector_store %arg17[%swap3A_342, %swap3A_343], %mul3A_341 {strides = array<i32>} : memref<32x128xf32, #tpu.memory_space<vmem>>, vector<16xf32>,
        %mul3A_345 = arith.mulf %unpack3A_333, %unpack3A_340 : vector<16xf32>
        %swap3A_346 = arith.index_cast %scan3A_286 : i32 to index
        %swap3A_347 = arith.constant 48 : index
        %swap3A_348 = tpu.vector_load %arg17[%swap3A_346, %swap3A_347] {strides = array<i32>} : memref<32x128xf32, #tpu.memory_space<vmem>>, vector<16xf32>,
        tpu.vector_store %arg17[%swap3A_346, %swap3A_347], %mul3A_345 {strides = array<i32>} : memref<32x128xf32, #tpu.memory_space<vmem>>, vector<16xf32>,
        %get3A_349 = arith.index_cast %rem3A_207 : i32 to index
        %get3A_350 = arith.index_cast %scan3A_286 : i32 to index
        %get3A_351 = arith.constant 16 : index
        %get3A_352 = tpu.vector_load %arg15[%get3A_349, %get3A_350, %get3A_351] {strides = array<i32>} : memref<2x32x64xf32, #tpu.memory_space<vmem>>, vector<16xf32>,
        %bitcast3A_353 = vector.bitcast %get3A_352 : vector<16xf32> to vector<32xbf16>
        %unpack3A_354 = tpu.unpack_subelements %bitcast3A_353, 0 {pack_format = #tpu.pack_format<interleaved>} : vector<32xbf16> -> vector<16xf32>
        %unpack3A_355 = tpu.unpack_subelements %bitcast3A_353, 1 {pack_format = #tpu.pack_format<interleaved>} : vector<32xbf16> -> vector<16xf32>
        %get3A_356 = arith.index_cast %rem3A_207 : i32 to index
        %get3A_357 = arith.index_cast %scan3A_286 : i32 to index
        %get3A_358 = arith.constant 80 : index
        %get3A_359 = tpu.vector_load %arg16[%get3A_356, %get3A_357, %get3A_358] {strides = array<i32>} : memref<2x32x128xf32, #tpu.memory_space<vmem>>, vector<16xf32>,
        %bitcast3A_360 = vector.bitcast %get3A_359 : vector<16xf32> to vector<32xbf16>
        %unpack3A_361 = tpu.unpack_subelements %bitcast3A_360, 0 {pack_format = #tpu.pack_format<interleaved>} : vector<32xbf16> -> vector<16xf32>
        %unpack3A_362 = tpu.unpack_subelements %bitcast3A_360, 1 {pack_format = #tpu.pack_format<interleaved>} : vector<32xbf16> -> vector<16xf32>
        %mul3A_363 = arith.mulf %unpack3A_354, %unpack3A_361 : vector<16xf32>
        %swap3A_364 = arith.index_cast %scan3A_286 : i32 to index
        %swap3A_365 = arith.constant 32 : index
        %swap3A_366 = tpu.vector_load %arg18[%swap3A_364, %swap3A_365] {strides = array<i32>} : memref<32x128xf32, #tpu.memory_space<vmem>>, vector<16xf32>,
        tpu.vector_store %arg18[%swap3A_364, %swap3A_365], %mul3A_363 {strides = array<i32>} : memref<32x128xf32, #tpu.memory_space<vmem>>, vector<16xf32>,
        %mul3A_367 = arith.mulf %unpack3A_355, %unpack3A_362 : vector<16xf32>
        %swap3A_368 = arith.index_cast %scan3A_286 : i32 to index
        %swap3A_369 = arith.constant 48 : index
        %swap3A_370 = tpu.vector_load %arg18[%swap3A_368, %swap3A_369] {strides = array<i32>} : memref<32x128xf32, #tpu.memory_space<vmem>>, vector<16xf32>,
        tpu.vector_store %arg18[%swap3A_368, %swap3A_369], %mul3A_367 {strides = array<i32>} : memref<32x128xf32, #tpu.memory_space<vmem>>, vector<16xf32>,
        %get3A_371 = arith.index_cast %rem3A_207 : i32 to index
        %get3A_372 = arith.index_cast %scan3A_286 : i32 to index
        %get3A_373 = arith.constant 32 : index
        %get3A_374 = tpu.vector_load %arg14[%get3A_371, %get3A_372, %get3A_373] {strides = array<i32>} : memref<2x32x64xf32, #tpu.memory_space<vmem>>, vector<16xf32>,
        %bitcast3A_375 = vector.bitcast %get3A_374 : vector<16xf32> to vector<32xbf16>
        %unpack3A_376 = tpu.unpack_subelements %bitcast3A_375, 0 {pack_format = #tpu.pack_format<interleaved>} : vector<32xbf16> -> vector<16xf32>
        %unpack3A_377 = tpu.unpack_subelements %bitcast3A_375, 1 {pack_format = #tpu.pack_format<interleaved>} : vector<32xbf16> -> vector<16xf32>
        %get3A_378 = arith.index_cast %rem3A_207 : i32 to index
        %get3A_379 = arith.index_cast %scan3A_286 : i32 to index
        %get3A_380 = arith.constant 32 : index
        %get3A_381 = tpu.vector_load %arg16[%get3A_378, %get3A_379, %get3A_380] {strides = array<i32>} : memref<2x32x128xf32, #tpu.memory_space<vmem>>, vector<16xf32>,
        %bitcast3A_382 = vector.bitcast %get3A_381 : vector<16xf32> to vector<32xbf16>
        %unpack3A_383 = tpu.unpack_subelements %bitcast3A_382, 0 {pack_format = #tpu.pack_format<interleaved>} : vector<32xbf16> -> vector<16xf32>
        %unpack3A_384 = tpu.unpack_subelements %bitcast3A_382, 1 {pack_format = #tpu.pack_format<interleaved>} : vector<32xbf16> -> vector<16xf32>
        %mul3A_385 = arith.mulf %unpack3A_376, %unpack3A_383 : vector<16xf32>
        %swap3A_386 = arith.index_cast %scan3A_286 : i32 to index
        %swap3A_387 = arith.constant 64 : index
        %swap3A_388 = tpu.vector_load %arg17[%swap3A_386, %swap3A_387] {strides = array<i32>} : memref<32x128xf32, #tpu.memory_space<vmem>>, vector<16xf32>,
        tpu.vector_store %arg17[%swap3A_386, %swap3A_387], %mul3A_385 {strides = array<i32>} : memref<32x128xf32, #tpu.memory_space<vmem>>, vector<16xf32>,
        %mul3A_389 = arith.mulf %unpack3A_377, %unpack3A_384 : vector<16xf32>
        %swap3A_390 = arith.index_cast %scan3A_286 : i32 to index
        %swap3A_391 = arith.constant 80 : index
        %swap3A_392 = tpu.vector_load %arg17[%swap3A_390, %swap3A_391] {strides = array<i32>} : memref<32x128xf32, #tpu.memory_space<vmem>>, vector<16xf32>,
        tpu.vector_store %arg17[%swap3A_390, %swap3A_391], %mul3A_389 {strides = array<i32>} : memref<32x128xf32, #tpu.memory_space<vmem>>, vector<16xf32>,
        %get3A_393 = arith.index_cast %rem3A_207 : i32 to index
        %get3A_394 = arith.index_cast %scan3A_286 : i32 to index
        %get3A_395 = arith.constant 32 : index
        %get3A_396 = tpu.vector_load %arg15[%get3A_393, %get3A_394, %get3A_395] {strides = array<i32>} : memref<2x32x64xf32, #tpu.memory_space<vmem>>, vector<16xf32>,
        %bitcast3A_397 = vector.bitcast %get3A_396 : vector<16xf32> to vector<32xbf16>
        %unpack3A_398 = tpu.unpack_subelements %bitcast3A_397, 0 {pack_format = #tpu.pack_format<interleaved>} : vector<32xbf16> -> vector<16xf32>
        %unpack3A_399 = tpu.unpack_subelements %bitcast3A_397, 1 {pack_format = #tpu.pack_format<interleaved>} : vector<32xbf16> -> vector<16xf32>
        %get3A_400 = arith.index_cast %rem3A_207 : i32 to index
        %get3A_401 = arith.index_cast %scan3A_286 : i32 to index
        %get3A_402 = arith.constant 96 : index
        %get3A_403 = tpu.vector_load %arg16[%get3A_400, %get3A_401, %get3A_402] {strides = array<i32>} : memref<2x32x128xf32, #tpu.memory_space<vmem>>, vector<16xf32>,
        %bitcast3A_404 = vector.bitcast %get3A_403 : vector<16xf32> to vector<32xbf16>
        %unpack3A_405 = tpu.unpack_subelements %bitcast3A_404, 0 {pack_format = #tpu.pack_format<interleaved>} : vector<32xbf16> -> vector<16xf32>
        %unpack3A_406 = tpu.unpack_subelements %bitcast3A_404, 1 {pack_format = #tpu.pack_format<interleaved>} : vector<32xbf16> -> vector<16xf32>
        %mul3A_407 = arith.mulf %unpack3A_398, %unpack3A_405 : vector<16xf32>
        %swap3A_408 = arith.index_cast %scan3A_286 : i32 to index
        %swap3A_409 = arith.constant 64 : index
        %swap3A_410 = tpu.vector_load %arg18[%swap3A_408, %swap3A_409] {strides = array<i32>} : memref<32x128xf32, #tpu.memory_space<vmem>>, vector<16xf32>,
        tpu.vector_store %arg18[%swap3A_408, %swap3A_409], %mul3A_407 {strides = array<i32>} : memref<32x128xf32, #tpu.memory_space<vmem>>, vector<16xf32>,
        %mul3A_411 = arith.mulf %unpack3A_399, %unpack3A_406 : vector<16xf32>
        %swap3A_412 = arith.index_cast %scan3A_286 : i32 to index
        %swap3A_413 = arith.constant 80 : index
        %swap3A_414 = tpu.vector_load %arg18[%swap3A_412, %swap3A_413] {strides = array<i32>} : memref<32x128xf32, #tpu.memory_space<vmem>>, vector<16xf32>,
        tpu.vector_store %arg18[%swap3A_412, %swap3A_413], %mul3A_411 {strides = array<i32>} : memref<32x128xf32, #tpu.memory_space<vmem>>, vector<16xf32>,
        %get3A_415 = arith.index_cast %rem3A_207 : i32 to index
        %get3A_416 = arith.index_cast %scan3A_286 : i32 to index
        %get3A_417 = arith.constant 48 : index
        %get3A_418 = tpu.vector_load %arg14[%get3A_415, %get3A_416, %get3A_417] {strides = array<i32>} : memref<2x32x64xf32, #tpu.memory_space<vmem>>, vector<16xf32>,
        %bitcast3A_419 = vector.bitcast %get3A_418 : vector<16xf32> to vector<32xbf16>
        %unpack3A_420 = tpu.unpack_subelements %bitcast3A_419, 0 {pack_format = #tpu.pack_format<interleaved>} : vector<32xbf16> -> vector<16xf32>
        %unpack3A_421 = tpu.unpack_subelements %bitcast3A_419, 1 {pack_format = #tpu.pack_format<interleaved>} : vector<32xbf16> -> vector<16xf32>
        %get3A_422 = arith.index_cast %rem3A_207 : i32 to index
        %get3A_423 = arith.index_cast %scan3A_286 : i32 to index
        %get3A_424 = arith.constant 48 : index
        %get3A_425 = tpu.vector_load %arg16[%get3A_422, %get3A_423, %get3A_424] {strides = array<i32>} : memref<2x32x128xf32, #tpu.memory_space<vmem>>, vector<16xf32>,
        %bitcast3A_426 = vector.bitcast %get3A_425 : vector<16xf32> to vector<32xbf16>
        %unpack3A_427 = tpu.unpack_subelements %bitcast3A_426, 0 {pack_format = #tpu.pack_format<interleaved>} : vector<32xbf16> -> vector<16xf32>
        %unpack3A_428 = tpu.unpack_subelements %bitcast3A_426, 1 {pack_format = #tpu.pack_format<interleaved>} : vector<32xbf16> -> vector<16xf32>
        %mul3A_429 = arith.mulf %unpack3A_420, %unpack3A_427 : vector<16xf32>
        %swap3A_430 = arith.index_cast %scan3A_286 : i32 to index
        %swap3A_431 = arith.constant 96 : index
        %swap3A_432 = tpu.vector_load %arg17[%swap3A_430, %swap3A_431] {strides = array<i32>} : memref<32x128xf32, #tpu.memory_space<vmem>>, vector<16xf32>,
        tpu.vector_store %arg17[%swap3A_430, %swap3A_431], %mul3A_429 {strides = array<i32>} : memref<32x128xf32, #tpu.memory_space<vmem>>, vector<16xf32>,
        %mul3A_433 = arith.mulf %unpack3A_421, %unpack3A_428 : vector<16xf32>
        %swap3A_434 = arith.index_cast %scan3A_286 : i32 to index
        %swap3A_435 = arith.constant 112 : index
        %swap3A_436 = tpu.vector_load %arg17[%swap3A_434, %swap3A_435] {strides = array<i32>} : memref<32x128xf32, #tpu.memory_space<vmem>>, vector<16xf32>,
        tpu.vector_store %arg17[%swap3A_434, %swap3A_435], %mul3A_433 {strides = array<i32>} : memref<32x128xf32, #tpu.memory_space<vmem>>, vector<16xf32>,
        %get3A_437 = arith.index_cast %rem3A_207 : i32 to index
        %get3A_438 = arith.index_cast %scan3A_286 : i32 to index
        %get3A_439 = arith.constant 48 : index
        %get3A_440 = tpu.vector_load %arg15[%get3A_437, %get3A_438, %get3A_439] {strides = array<i32>} : memref<2x32x64xf32, #tpu.memory_space<vmem>>, vector<16xf32>,
        %bitcast3A_441 = vector.bitcast %get3A_440 : vector<16xf32> to vector<32xbf16>
        %unpack3A_442 = tpu.unpack_subelements %bitcast3A_441, 0 {pack_format = #tpu.pack_format<interleaved>} : vector<32xbf16> -> vector<16xf32>
        %unpack3A_443 = tpu.unpack_subelements %bitcast3A_441, 1 {pack_format = #tpu.pack_format<interleaved>} : vector<32xbf16> -> vector<16xf32>
        %get3A_444 = arith.index_cast %rem3A_207 : i32 to index
        %get3A_445 = arith.index_cast %scan3A_286 : i32 to index
        %get3A_446 = arith.constant 112 : index
        %get3A_447 = tpu.vector_load %arg16[%get3A_444, %get3A_445, %get3A_446] {strides = array<i32>} : memref<2x32x128xf32, #tpu.memory_space<vmem>>, vector<16xf32>,
        %bitcast3A_448 = vector.bitcast %get3A_447 : vector<16xf32> to vector<32xbf16>
        %unpack3A_449 = tpu.unpack_subelements %bitcast3A_448, 0 {pack_format = #tpu.pack_format<interleaved>} : vector<32xbf16> -> vector<16xf32>
        %unpack3A_450 = tpu.unpack_subelements %bitcast3A_448, 1 {pack_format = #tpu.pack_format<interleaved>} : vector<32xbf16> -> vector<16xf32>
        %mul3A_451 = arith.mulf %unpack3A_442, %unpack3A_449 : vector<16xf32>
        %swap3A_452 = arith.index_cast %scan3A_286 : i32 to index
        %swap3A_453 = arith.constant 96 : index
        %swap3A_454 = tpu.vector_load %arg18[%swap3A_452, %swap3A_453] {strides = array<i32>} : memref<32x128xf32, #tpu.memory_space<vmem>>, vector<16xf32>,
        tpu.vector_store %arg18[%swap3A_452, %swap3A_453], %mul3A_451 {strides = array<i32>} : memref<32x128xf32, #tpu.memory_space<vmem>>, vector<16xf32>,
        %mul3A_455 = arith.mulf %unpack3A_443, %unpack3A_450 : vector<16xf32>
        %swap3A_456 = arith.index_cast %scan3A_286 : i32 to index
        %swap3A_457 = arith.constant 112 : index
        %swap3A_458 = tpu.vector_load %arg18[%swap3A_456, %swap3A_457] {strides = array<i32>} : memref<32x128xf32, #tpu.memory_space<vmem>>, vector<16xf32>,
        tpu.vector_store %arg18[%swap3A_456, %swap3A_457], %mul3A_455 {strides = array<i32>} : memref<32x128xf32, #tpu.memory_space<vmem>>, vector<16xf32>,
      }
      %scan3A_285 = arith.constant 32 : i32
      "tpu.region"() ({
        %run_scoped3A = tpu.sem_alloc : memref<!tpu.dma_semaphore, #tpu.memory_space<semaphore_mem>>
        %dma_start3A_286 = tpu.memref_slice %arg11[%rem3A_215, %div3A_217, %mul3A_221] : memref<2x8x128xi32, #tpu.memory_space<vmem>> -> memref<1x1x32xi32, #tpu.memory_space<vmem>>
        %dma_start3A_287 = tpu.memref_squeeze %dma_start3A_286 : memref<1x1x32xi32, #tpu.memory_space<vmem>> -> memref<32xi32, #tpu.memory_space<vmem>>
        %dma_start3A_288 = arith.constant 0 : i32
        %dma_start3A_289 = arith.constant 0 : i32
        %dma_start3A_290 = tpu.memref_slice %arg19[%dma_start3A_288, %dma_start3A_289] : memref<10240x128xf32, #tpu.memory_space<vmem_shared>> -> memref<10240x128xf32, #tpu.memory_space<vmem_shared>>
        tpu.enqueue_indirect_dma source(%arg17 : memref<32x128xf32, #tpu.memory_space<vmem>>) target(%dma_start3A_290 : memref<10240x128xf32, #tpu.memory_space<vmem_shared>>) offsets(%dma_start3A_287 : memref<32xi32, #tpu.memory_space<vmem>>) semaphore(%run_scoped3A : memref<!tpu.dma_semaphore, #tpu.memory_space<semaphore_mem>>) {add = true}
        %dma_wait3A_291 = tpu.memref_slice %arg11[%rem3A_215, %div3A_217, %mul3A_221] : memref<2x8x128xi32, #tpu.memory_space<vmem>> -> memref<1x1x32xi32, #tpu.memory_space<vmem>>
        %dma_wait3A_292 = tpu.memref_squeeze %dma_wait3A_291 : memref<1x1x32xi32, #tpu.memory_space<vmem>> -> memref<32xi32, #tpu.memory_space<vmem>>
        %dma_wait3A_293 = arith.constant 0 : i32
        %dma_wait3A_294 = arith.constant 0 : i32
        %dma_wait3A_295 = tpu.memref_slice %arg19[%dma_wait3A_293, %dma_wait3A_294] : memref<10240x128xf32, #tpu.memory_space<vmem_shared>> -> memref<10240x128xf32, #tpu.memory_space<vmem_shared>>
        tpu.wait_indirect_dma semaphore(%run_scoped3A : memref<!tpu.dma_semaphore, #tpu.memory_space<semaphore_mem>>) src(%arg17 : memref<32x128xf32, #tpu.memory_space<vmem>>) dst(%dma_wait3A_295 : memref<10240x128xf32, #tpu.memory_space<vmem_shared>>)
        tpu.yield
      }) : () -> ()
      "tpu.region"() ({
        %run_scoped3A = tpu.sem_alloc : memref<!tpu.dma_semaphore, #tpu.memory_space<semaphore_mem>>
        %dma_start3A_286 = tpu.memref_slice %arg13[%rem3A_215, %div3A_217, %mul3A_221] : memref<2x8x128xi32, #tpu.memory_space<vmem>> -> memref<1x1x32xi32, #tpu.memory_space<vmem>>
        %dma_start3A_287 = tpu.memref_squeeze %dma_start3A_286 : memref<1x1x32xi32, #tpu.memory_space<vmem>> -> memref<32xi32, #tpu.memory_space<vmem>>
        %dma_start3A_288 = arith.constant 0 : i32
        %dma_start3A_289 = arith.constant 0 : i32
        %dma_start3A_290 = tpu.memref_slice %arg19[%dma_start3A_288, %dma_start3A_289] : memref<10240x128xf32, #tpu.memory_space<vmem_shared>> -> memref<10240x128xf32, #tpu.memory_space<vmem_shared>>
        tpu.enqueue_indirect_dma source(%arg18 : memref<32x128xf32, #tpu.memory_space<vmem>>) target(%dma_start3A_290 : memref<10240x128xf32, #tpu.memory_space<vmem_shared>>) offsets(%dma_start3A_287 : memref<32xi32, #tpu.memory_space<vmem>>) semaphore(%run_scoped3A : memref<!tpu.dma_semaphore, #tpu.memory_space<semaphore_mem>>) {add = true}
        %dma_wait3A_291 = tpu.memref_slice %arg13[%rem3A_215, %div3A_217, %mul3A_221] : memref<2x8x128xi32, #tpu.memory_space<vmem>> -> memref<1x1x32xi32, #tpu.memory_space<vmem>>
        %dma_wait3A_292 = tpu.memref_squeeze %dma_wait3A_291 : memref<1x1x32xi32, #tpu.memory_space<vmem>> -> memref<32xi32, #tpu.memory_space<vmem>>
        %dma_wait3A_293 = arith.constant 0 : i32
        %dma_wait3A_294 = arith.constant 0 : i32
        %dma_wait3A_295 = tpu.memref_slice %arg19[%dma_wait3A_293, %dma_wait3A_294] : memref<10240x128xf32, #tpu.memory_space<vmem_shared>> -> memref<10240x128xf32, #tpu.memory_space<vmem_shared>>
        tpu.wait_indirect_dma semaphore(%run_scoped3A : memref<!tpu.dma_semaphore, #tpu.memory_space<semaphore_mem>>) src(%arg18 : memref<32x128xf32, #tpu.memory_space<vmem>>) dst(%dma_wait3A_295 : memref<10240x128xf32, #tpu.memory_space<vmem_shared>>)
        tpu.yield
      }) : () -> ()
    }
    %scan3A_196 = arith.constant 160 : i32
    %barrier3A_197 = arith.constant 0 : index
    tpu.barrier barrier_id(%barrier3A_197)
    %eq3A = arith.constant 0 : i32
    %eq3A_198 = arith.cmpi eq, %arg0, %eq3A : i32
    %convert_element_type3A = arith.extui %eq3A_198 : i1 to i32
    %cond3A = arith.constant 0 : i32
    %cond3A_199 = arith.cmpi ne, %convert_element_type3A, %cond3A : i32
    scf.if %cond3A_199 {
      %mul3A_205 = arith.constant 640 : i32
      %mul3A_206 = arith.muli %arg1, %mul3A_205 : i32
      %mul3A_207 = arith.constant 640 : i32
      %mul3A_208 = arith.muli %arg1, %mul3A_207 : i32
      "tpu.region"() ({
        %run_scoped3A = tpu.sem_alloc : memref<!tpu.dma_semaphore, #tpu.memory_space<semaphore_mem>>
        %dma_start3A_209 = arith.constant 0 : i32
        %dma_start3A_210 = tpu.memref_slice %arg8[%mul3A_208, %dma_start3A_209] : memref<10240x128xf32, #tpu.memory_space<hbm>> -> memref<640x128xf32, #tpu.memory_space<hbm>>
        %dma_start3A_211 = arith.constant 0 : i32
        %dma_start3A_212 = tpu.memref_slice %arg19[%mul3A_206, %dma_start3A_211] : memref<10240x128xf32, #tpu.memory_space<vmem_shared>> -> memref<640x128xf32, #tpu.memory_space<vmem_shared>>
        tpu.enqueue_dma source(%dma_start3A_212 : memref<640x128xf32, #tpu.memory_space<vmem_shared>>) target(%dma_start3A_210 : memref<640x128xf32, #tpu.memory_space<hbm>>) target_semaphore(%run_scoped3A : memref<!tpu.dma_semaphore, #tpu.memory_space<semaphore_mem>>)
        %dma_wait3A_213 = arith.constant 0 : i32
        %dma_wait3A_214 = tpu.memref_slice %arg8[%mul3A_208, %dma_wait3A_213] : memref<10240x128xf32, #tpu.memory_space<hbm>> -> memref<640x128xf32, #tpu.memory_space<hbm>>
        %dma_wait3A_215 = arith.constant 0 : i32
        %dma_wait3A_216 = tpu.memref_slice %arg19[%mul3A_206, %dma_wait3A_215] : memref<10240x128xf32, #tpu.memory_space<vmem_shared>> -> memref<640x128xf32, #tpu.memory_space<vmem_shared>>
        tpu.wait_dma2 semaphore(%run_scoped3A : memref<!tpu.dma_semaphore, #tpu.memory_space<semaphore_mem>>) src(%dma_wait3A_216 : memref<640x128xf32, #tpu.memory_space<vmem_shared>>) dst(%dma_wait3A_214 : memref<640x128xf32, #tpu.memory_space<hbm>>)
        tpu.yield
      }) : () -> ()
    } else {
    }
    %eq3A_200 = arith.constant 1 : i32
    %eq3A_201 = arith.cmpi eq, %arg0, %eq3A_200 : i32
    %convert_element_type3A_202 = arith.extui %eq3A_201 : i1 to i32
    %cond3A_203 = arith.constant 0 : i32
    %cond3A_204 = arith.cmpi ne, %convert_element_type3A_202, %cond3A_203 : i32
    scf.if %cond3A_204 {
      %mul3A_205 = arith.constant 640 : i32
      %mul3A_206 = arith.muli %arg1, %mul3A_205 : i32
      %mul3A_207 = arith.constant 640 : i32
      %mul3A_208 = arith.muli %arg1, %mul3A_207 : i32
      "tpu.region"() ({
        %run_scoped3A = tpu.sem_alloc : memref<!tpu.dma_semaphore, #tpu.memory_space<semaphore_mem>>
        %dma_start3A_209 = arith.constant 0 : i32
        %dma_start3A_210 = tpu.memref_slice %arg9[%mul3A_208, %dma_start3A_209] : memref<10240x128xf32, #tpu.memory_space<hbm>> -> memref<640x128xf32, #tpu.memory_space<hbm>>
        %dma_start3A_211 = arith.constant 0 : i32
        %dma_start3A_212 = tpu.memref_slice %arg19[%mul3A_206, %dma_start3A_211] : memref<10240x128xf32, #tpu.memory_space<vmem_shared>> -> memref<640x128xf32, #tpu.memory_space<vmem_shared>>
        tpu.enqueue_dma source(%dma_start3A_212 : memref<640x128xf32, #tpu.memory_space<vmem_shared>>) target(%dma_start3A_210 : memref<640x128xf32, #tpu.memory_space<hbm>>) target_semaphore(%run_scoped3A : memref<!tpu.dma_semaphore, #tpu.memory_space<semaphore_mem>>)
        %dma_wait3A_213 = arith.constant 0 : i32
        %dma_wait3A_214 = tpu.memref_slice %arg9[%mul3A_208, %dma_wait3A_213] : memref<10240x128xf32, #tpu.memory_space<hbm>> -> memref<640x128xf32, #tpu.memory_space<hbm>>
        %dma_wait3A_215 = arith.constant 0 : i32
        %dma_wait3A_216 = tpu.memref_slice %arg19[%mul3A_206, %dma_wait3A_215] : memref<10240x128xf32, #tpu.memory_space<vmem_shared>> -> memref<640x128xf32, #tpu.memory_space<vmem_shared>>
        tpu.wait_dma2 semaphore(%run_scoped3A : memref<!tpu.dma_semaphore, #tpu.memory_space<semaphore_mem>>) src(%dma_wait3A_216 : memref<640x128xf32, #tpu.memory_space<vmem_shared>>) dst(%dma_wait3A_214 : memref<640x128xf32, #tpu.memory_space<hbm>>)
        tpu.yield
      }) : () -> ()
    } else {
    }
    return
  }
}

#map = affine_map<(d0, d1) -> (0, 0)>
module attributes {stable_mosaic.version = 14 : i64} {
  func.func @body(%arg0: i32, %arg1: i32, %arg2: memref<10240x16xf32, #tpu.memory_space<hbm>>, %arg3: memref<2560x128xi32, #tpu.memory_space<hbm>>, %arg4: memref<2560x128xi32, #tpu.memory_space<hbm>>, %arg5: memref<327680x16xf32, #tpu.memory_space<hbm>>, %arg6: memref<10240x16xf32, #tpu.memory_space<hbm>>, %arg7: memref<10240x16xf32, #tpu.memory_space<hbm>>, %arg8: memref<80x128xi32, #tpu.memory_space<vmem>>, %arg9: memref<80x128xi32, #tpu.memory_space<vmem>>, %arg10: memref<2x128x16xf32, #tpu.memory_space<vmem>>, %arg11: memref<2x128x16xf32, #tpu.memory_space<vmem>>, %arg12: memref<128x16xf32, #tpu.memory_space<vmem>>, %arg13: memref<10240x16xf32, #tpu.memory_space<vmem_shared>>, %arg14: memref<2x!tpu.dma_semaphore, #tpu.memory_space<semaphore_mem>>, %arg15: memref<2x!tpu.dma_semaphore, #tpu.memory_space<semaphore_mem>>) attributes {dimension_semantics = [#tpu.dimension_semantics<core_parallel>, #tpu.dimension_semantics<subcore_parallel>], iteration_bounds = array<i64: 2, 16>, scalar_prefetch = 0 : i64, scratch_operands = 8 : i64, tpu.core_type = #tpu.core_type<sc_vector_subcore>, window_params = [{transform_indices = #map}, {transform_indices = #map}, {transform_indices = #map}, {transform_indices = #map}, {transform_indices = #map}, {transform_indices = #map}]} {
    %mul3A = arith.constant 16 : i32
    %mul3A_0 = arith.muli %arg0, %mul3A : i32
    %add3A = arith.addi %mul3A_0, %arg1 : i32
    %mul3A_1 = arith.constant 80 : i32
    %mul3A_2 = arith.muli %add3A, %mul3A_1 : i32
    "tpu.region"() ({
      %run_scoped3A = tpu.sem_alloc : memref<!tpu.dma_semaphore, #tpu.memory_space<semaphore_mem>>
      %dma_start3A_57 = arith.constant 0 : i32
      %dma_start3A_58 = tpu.memref_slice %arg3[%mul3A_2, %dma_start3A_57] : memref<2560x128xi32, #tpu.memory_space<hbm>> -> memref<80x128xi32, #tpu.memory_space<hbm>>
      %dma_start3A_59 = arith.constant 0 : i32
      %dma_start3A_60 = tpu.memref_slice %arg3[%mul3A_2, %dma_start3A_59] : memref<2560x128xi32, #tpu.memory_space<hbm>> -> memref<80x128xi32, #tpu.memory_space<hbm>>
      tpu.enqueue_dma source(%dma_start3A_60 : memref<80x128xi32, #tpu.memory_space<hbm>>) target(%arg8 : memref<80x128xi32, #tpu.memory_space<vmem>>) target_semaphore(%run_scoped3A : memref<!tpu.dma_semaphore, #tpu.memory_space<semaphore_mem>>)
      %dma_wait3A = arith.constant 0 : i32
      %dma_wait3A_61 = tpu.memref_slice %arg3[%mul3A_2, %dma_wait3A] : memref<2560x128xi32, #tpu.memory_space<hbm>> -> memref<80x128xi32, #tpu.memory_space<hbm>>
      %dma_wait3A_62 = arith.constant 0 : i32
      %dma_wait3A_63 = tpu.memref_slice %arg3[%mul3A_2, %dma_wait3A_62] : memref<2560x128xi32, #tpu.memory_space<hbm>> -> memref<80x128xi32, #tpu.memory_space<hbm>>
      tpu.wait_dma2 semaphore(%run_scoped3A : memref<!tpu.dma_semaphore, #tpu.memory_space<semaphore_mem>>) src(%dma_wait3A_63 : memref<80x128xi32, #tpu.memory_space<hbm>>) dst(%arg8 : memref<80x128xi32, #tpu.memory_space<vmem>>)
      tpu.yield
    }) : () -> ()
    %mul3A_3 = arith.constant 80 : i32
    %mul3A_4 = arith.muli %add3A, %mul3A_3 : i32
    "tpu.region"() ({
      %run_scoped3A = tpu.sem_alloc : memref<!tpu.dma_semaphore, #tpu.memory_space<semaphore_mem>>
      %dma_start3A_57 = arith.constant 0 : i32
      %dma_start3A_58 = tpu.memref_slice %arg4[%mul3A_4, %dma_start3A_57] : memref<2560x128xi32, #tpu.memory_space<hbm>> -> memref<80x128xi32, #tpu.memory_space<hbm>>
      %dma_start3A_59 = arith.constant 0 : i32
      %dma_start3A_60 = tpu.memref_slice %arg4[%mul3A_4, %dma_start3A_59] : memref<2560x128xi32, #tpu.memory_space<hbm>> -> memref<80x128xi32, #tpu.memory_space<hbm>>
      tpu.enqueue_dma source(%dma_start3A_60 : memref<80x128xi32, #tpu.memory_space<hbm>>) target(%arg9 : memref<80x128xi32, #tpu.memory_space<vmem>>) target_semaphore(%run_scoped3A : memref<!tpu.dma_semaphore, #tpu.memory_space<semaphore_mem>>)
      %dma_wait3A = arith.constant 0 : i32
      %dma_wait3A_61 = tpu.memref_slice %arg4[%mul3A_4, %dma_wait3A] : memref<2560x128xi32, #tpu.memory_space<hbm>> -> memref<80x128xi32, #tpu.memory_space<hbm>>
      %dma_wait3A_62 = arith.constant 0 : i32
      %dma_wait3A_63 = tpu.memref_slice %arg4[%mul3A_4, %dma_wait3A_62] : memref<2560x128xi32, #tpu.memory_space<hbm>> -> memref<80x128xi32, #tpu.memory_space<hbm>>
      tpu.wait_dma2 semaphore(%run_scoped3A : memref<!tpu.dma_semaphore, #tpu.memory_space<semaphore_mem>>) src(%dma_wait3A_63 : memref<80x128xi32, #tpu.memory_space<hbm>>) dst(%arg9 : memref<80x128xi32, #tpu.memory_space<vmem>>)
      tpu.yield
    }) : () -> ()
    %scan3A = arith.constant 0 : i32
    %scan3A_5 = arith.constant 0 : i32
    %scan3A_6 = arith.constant 128 : i32
    %scan3A_7 = arith.addi %scan3A_5, %scan3A_6 : i32
    %scan3A_8 = arith.constant 1 : i32
    scf.for %scan3A_57 = %scan3A_5 to %scan3A_7 step %scan3A_8  : i32 {
      %broadcast_in_dim3A = arith.constant 1.000000e+00 : f32
      %broadcast_in_dim3A_58 = vector.broadcast %broadcast_in_dim3A : f32 to vector<16xf32>
      %swap3A = arith.index_cast %scan3A_57 : i32 to index
      %swap3A_59 = arith.constant 0 : index
      %swap3A_60 = tpu.vector_load %arg12[%swap3A, %swap3A_59] {strides = array<i32>} : memref<128x16xf32, #tpu.memory_space<vmem>>, vector<16xf32>,
      tpu.vector_store %arg12[%swap3A, %swap3A_59], %broadcast_in_dim3A_58 {strides = array<i32>} : memref<128x16xf32, #tpu.memory_space<vmem>>, vector<16xf32>,
      %broadcast_in_dim3A_61 = arith.constant 0.000000e+00 : f32
      %broadcast_in_dim3A_62 = vector.broadcast %broadcast_in_dim3A_61 : f32 to vector<16xf32>
      %swap3A_63 = arith.constant 0 : i32
      %swap3A_64 = arith.index_cast %swap3A_63 : i32 to index
      %swap3A_65 = arith.index_cast %scan3A_57 : i32 to index
      %swap3A_66 = arith.constant 0 : index
      %swap3A_67 = tpu.vector_load %arg10[%swap3A_64, %swap3A_65, %swap3A_66] {strides = array<i32>} : memref<2x128x16xf32, #tpu.memory_space<vmem>>, vector<16xf32>,
      tpu.vector_store %arg10[%swap3A_64, %swap3A_65, %swap3A_66], %broadcast_in_dim3A_62 {strides = array<i32>} : memref<2x128x16xf32, #tpu.memory_space<vmem>>, vector<16xf32>,
    }
    %scan3A_9 = arith.constant 128 : i32
    %scan3A_10 = arith.constant 0 : i32
    %scan3A_11 = arith.constant 0 : i32
    %scan3A_12 = arith.constant 5 : i32
    %scan3A_13 = arith.addi %scan3A_11, %scan3A_12 : i32
    %scan3A_14 = arith.constant 1 : i32
    scf.for %scan3A_57 = %scan3A_11 to %scan3A_13 step %scan3A_14  : i32 {
      %mul3A_58 = arith.constant 640 : i32
      %mul3A_59 = arith.muli %arg1, %mul3A_58 : i32
      %mul3A_60 = arith.constant 128 : i32
      %mul3A_61 = arith.muli %scan3A_57, %mul3A_60 : i32
      %add3A_62 = arith.addi %mul3A_59, %mul3A_61 : i32
      %run_scoped3A = arith.constant 0 : i32
      "tpu.region"() ({
        %run_scoped3A_63 = tpu.sem_alloc : memref<!tpu.dma_semaphore, #tpu.memory_space<semaphore_mem>>
        %dma_start3A_64 = arith.constant 0 : i32
        %dma_start3A_65 = arith.constant 0 : i32
        %dma_start3A_66 = tpu.memref_slice %arg10[%run_scoped3A, %dma_start3A_64, %dma_start3A_65] : memref<2x128x16xf32, #tpu.memory_space<vmem>> -> memref<1x128x16xf32, #tpu.memory_space<vmem>>
        %dma_start3A_67 = tpu.memref_squeeze %dma_start3A_66 : memref<1x128x16xf32, #tpu.memory_space<vmem>> -> memref<128x16xf32, #tpu.memory_space<vmem>>
        %dma_start3A_68 = arith.constant 0 : i32
        %dma_start3A_69 = tpu.memref_slice %arg13[%add3A_62, %dma_start3A_68] : memref<10240x16xf32, #tpu.memory_space<vmem_shared>> -> memref<128x16xf32, #tpu.memory_space<vmem_shared>>
        %dma_start3A_70 = arith.constant 0 : i32
        %dma_start3A_71 = tpu.memref_slice %arg13[%add3A_62, %dma_start3A_70] : memref<10240x16xf32, #tpu.memory_space<vmem_shared>> -> memref<128x16xf32, #tpu.memory_space<vmem_shared>>
        %dma_start3A_72 = arith.constant 0 : i32
        %dma_start3A_73 = arith.constant 0 : i32
        %dma_start3A_74 = tpu.memref_slice %arg10[%run_scoped3A, %dma_start3A_72, %dma_start3A_73] : memref<2x128x16xf32, #tpu.memory_space<vmem>> -> memref<1x128x16xf32, #tpu.memory_space<vmem>>
        %dma_start3A_75 = tpu.memref_squeeze %dma_start3A_74 : memref<1x128x16xf32, #tpu.memory_space<vmem>> -> memref<128x16xf32, #tpu.memory_space<vmem>>
        tpu.enqueue_dma source(%dma_start3A_75 : memref<128x16xf32, #tpu.memory_space<vmem>>) target(%dma_start3A_71 : memref<128x16xf32, #tpu.memory_space<vmem_shared>>) target_semaphore(%run_scoped3A_63 : memref<!tpu.dma_semaphore, #tpu.memory_space<semaphore_mem>>)
        %dma_wait3A = arith.constant 0 : i32
        %dma_wait3A_76 = arith.constant 0 : i32
        %dma_wait3A_77 = tpu.memref_slice %arg10[%run_scoped3A, %dma_wait3A, %dma_wait3A_76] : memref<2x128x16xf32, #tpu.memory_space<vmem>> -> memref<1x128x16xf32, #tpu.memory_space<vmem>>
        %dma_wait3A_78 = tpu.memref_squeeze %dma_wait3A_77 : memref<1x128x16xf32, #tpu.memory_space<vmem>> -> memref<128x16xf32, #tpu.memory_space<vmem>>
        %dma_wait3A_79 = arith.constant 0 : i32
        %dma_wait3A_80 = tpu.memref_slice %arg13[%add3A_62, %dma_wait3A_79] : memref<10240x16xf32, #tpu.memory_space<vmem_shared>> -> memref<128x16xf32, #tpu.memory_space<vmem_shared>>
        %dma_wait3A_81 = arith.constant 0 : i32
        %dma_wait3A_82 = tpu.memref_slice %arg13[%add3A_62, %dma_wait3A_81] : memref<10240x16xf32, #tpu.memory_space<vmem_shared>> -> memref<128x16xf32, #tpu.memory_space<vmem_shared>>
        %dma_wait3A_83 = arith.constant 0 : i32
        %dma_wait3A_84 = arith.constant 0 : i32
        %dma_wait3A_85 = tpu.memref_slice %arg10[%run_scoped3A, %dma_wait3A_83, %dma_wait3A_84] : memref<2x128x16xf32, #tpu.memory_space<vmem>> -> memref<1x128x16xf32, #tpu.memory_space<vmem>>
        %dma_wait3A_86 = tpu.memref_squeeze %dma_wait3A_85 : memref<1x128x16xf32, #tpu.memory_space<vmem>> -> memref<128x16xf32, #tpu.memory_space<vmem>>
        tpu.wait_dma2 semaphore(%run_scoped3A_63 : memref<!tpu.dma_semaphore, #tpu.memory_space<semaphore_mem>>) src(%dma_wait3A_86 : memref<128x16xf32, #tpu.memory_space<vmem>>) dst(%dma_wait3A_82 : memref<128x16xf32, #tpu.memory_space<vmem_shared>>)
        tpu.yield
      }) : () -> ()
    }
    %scan3A_15 = arith.constant 5 : i32
    %barrier3A = arith.constant 0 : index
    tpu.barrier barrier_id(%barrier3A)
    %rem3A = arith.constant 0 : i32
    %rem3A_16 = arith.constant 2 : i32
    %rem3A_17 = arith.remsi %rem3A, %rem3A_16 : i32
    %dma_start3A = arith.constant 0 : i32
    %dma_start3A_18 = arith.constant 0 : i32
    %dma_start3A_19 = arith.constant 0 : i32
    %dma_start3A_20 = tpu.memref_slice %arg10[%rem3A_17, %dma_start3A_18, %dma_start3A_19] : memref<2x128x16xf32, #tpu.memory_space<vmem>> -> memref<1x128x16xf32, #tpu.memory_space<vmem>>
    %dma_start3A_21 = tpu.memref_squeeze %dma_start3A_20 : memref<1x128x16xf32, #tpu.memory_space<vmem>> -> memref<128x16xf32, #tpu.memory_space<vmem>>
    %dma_start3A_22 = arith.constant 0 : i32
    %dma_start3A_23 = tpu.memref_slice %arg8[%dma_start3A, %dma_start3A_22] : memref<80x128xi32, #tpu.memory_space<vmem>> -> memref<1x128xi32, #tpu.memory_space<vmem>>
    %dma_start3A_24 = tpu.memref_squeeze %dma_start3A_23 : memref<1x128xi32, #tpu.memory_space<vmem>> -> memref<128xi32, #tpu.memory_space<vmem>>
    %dma_start3A_25 = arith.constant 0 : i32
    %dma_start3A_26 = arith.constant 0 : i32
    %dma_start3A_27 = tpu.memref_slice %arg2[%dma_start3A_25, %dma_start3A_26] : memref<10240x16xf32, #tpu.memory_space<hbm>> -> memref<10240x16xf32, #tpu.memory_space<hbm>>
    %dma_start3A_28 = tpu.memref_slice %arg14[%rem3A_17] : memref<2x!tpu.dma_semaphore, #tpu.memory_space<semaphore_mem>> -> memref<1x!tpu.dma_semaphore, #tpu.memory_space<semaphore_mem>>
    %dma_start3A_29 = tpu.memref_squeeze %dma_start3A_28 : memref<1x!tpu.dma_semaphore, #tpu.memory_space<semaphore_mem>> -> memref<!tpu.dma_semaphore, #tpu.memory_space<semaphore_mem>>
    tpu.enqueue_indirect_dma source(%dma_start3A_27 : memref<10240x16xf32, #tpu.memory_space<hbm>>) target(%dma_start3A_21 : memref<128x16xf32, #tpu.memory_space<vmem>>) offsets(%dma_start3A_24 : memref<128xi32, #tpu.memory_space<vmem>>) semaphore(%dma_start3A_29 : memref<!tpu.dma_semaphore, #tpu.memory_space<semaphore_mem>>)
    %dma_start3A_30 = arith.constant 0 : i32
    %dma_start3A_31 = arith.constant 0 : i32
    %dma_start3A_32 = arith.constant 0 : i32
    %dma_start3A_33 = tpu.memref_slice %arg11[%rem3A_17, %dma_start3A_31, %dma_start3A_32] : memref<2x128x16xf32, #tpu.memory_space<vmem>> -> memref<1x128x16xf32, #tpu.memory_space<vmem>>
    %dma_start3A_34 = tpu.memref_squeeze %dma_start3A_33 : memref<1x128x16xf32, #tpu.memory_space<vmem>> -> memref<128x16xf32, #tpu.memory_space<vmem>>
    %dma_start3A_35 = arith.constant 0 : i32
    %dma_start3A_36 = tpu.memref_slice %arg9[%dma_start3A_30, %dma_start3A_35] : memref<80x128xi32, #tpu.memory_space<vmem>> -> memref<1x128xi32, #tpu.memory_space<vmem>>
    %dma_start3A_37 = tpu.memref_squeeze %dma_start3A_36 : memref<1x128xi32, #tpu.memory_space<vmem>> -> memref<128xi32, #tpu.memory_space<vmem>>
    %dma_start3A_38 = arith.constant 0 : i32
    %dma_start3A_39 = arith.constant 0 : i32
    %dma_start3A_40 = tpu.memref_slice %arg2[%dma_start3A_38, %dma_start3A_39] : memref<10240x16xf32, #tpu.memory_space<hbm>> -> memref<10240x16xf32, #tpu.memory_space<hbm>>
    %dma_start3A_41 = tpu.memref_slice %arg15[%rem3A_17] : memref<2x!tpu.dma_semaphore, #tpu.memory_space<semaphore_mem>> -> memref<1x!tpu.dma_semaphore, #tpu.memory_space<semaphore_mem>>
    %dma_start3A_42 = tpu.memref_squeeze %dma_start3A_41 : memref<1x!tpu.dma_semaphore, #tpu.memory_space<semaphore_mem>> -> memref<!tpu.dma_semaphore, #tpu.memory_space<semaphore_mem>>
    tpu.enqueue_indirect_dma source(%dma_start3A_40 : memref<10240x16xf32, #tpu.memory_space<hbm>>) target(%dma_start3A_34 : memref<128x16xf32, #tpu.memory_space<vmem>>) offsets(%dma_start3A_37 : memref<128xi32, #tpu.memory_space<vmem>>) semaphore(%dma_start3A_42 : memref<!tpu.dma_semaphore, #tpu.memory_space<semaphore_mem>>)
    %scan3A_43 = arith.constant 0 : i32
    %scan3A_44 = arith.constant 0 : i32
    %scan3A_45 = arith.constant 80 : i32
    %scan3A_46 = arith.addi %scan3A_44, %scan3A_45 : i32
    %scan3A_47 = arith.constant 1 : i32
    scf.for %scan3A_57 = %scan3A_44 to %scan3A_46 step %scan3A_47  : i32 {
      %rem3A_58 = arith.constant 2 : i32
      %rem3A_59 = arith.remsi %scan3A_57, %rem3A_58 : i32
      %mul3A_60 = arith.constant 80 : i32
      %mul3A_61 = arith.muli %add3A, %mul3A_60 : i32
      %add3A_62 = arith.addi %mul3A_61, %scan3A_57 : i32
      %mul3A_63 = arith.constant 128 : i32
      %mul3A_64 = arith.muli %add3A_62, %mul3A_63 : i32
      %add3A_65 = arith.constant 1 : i32
      %add3A_66 = arith.addi %scan3A_57, %add3A_65 : i32
      %lt3A = arith.constant 80 : i32
      %lt3A_67 = arith.cmpi slt, %add3A_66, %lt3A : i32
      %convert_element_type3A_68 = arith.extui %lt3A_67 : i1 to i32
      %cond3A_69 = arith.constant 0 : i32
      %cond3A_70 = arith.cmpi ne, %convert_element_type3A_68, %cond3A_69 : i32
      scf.if %cond3A_70 {
        %add3A_100 = arith.constant 1 : i32
        %add3A_101 = arith.addi %scan3A_57, %add3A_100 : i32
        %rem3A_102 = arith.constant 2 : i32
        %rem3A_103 = arith.remsi %add3A_101, %rem3A_102 : i32
        %dma_start3A_104 = arith.constant 0 : i32
        %dma_start3A_105 = arith.constant 0 : i32
        %dma_start3A_106 = tpu.memref_slice %arg10[%rem3A_103, %dma_start3A_104, %dma_start3A_105] : memref<2x128x16xf32, #tpu.memory_space<vmem>> -> memref<1x128x16xf32, #tpu.memory_space<vmem>>
        %dma_start3A_107 = tpu.memref_squeeze %dma_start3A_106 : memref<1x128x16xf32, #tpu.memory_space<vmem>> -> memref<128x16xf32, #tpu.memory_space<vmem>>
        %dma_start3A_108 = arith.constant 0 : i32
        %dma_start3A_109 = tpu.memref_slice %arg8[%add3A_101, %dma_start3A_108] : memref<80x128xi32, #tpu.memory_space<vmem>> -> memref<1x128xi32, #tpu.memory_space<vmem>>
        %dma_start3A_110 = tpu.memref_squeeze %dma_start3A_109 : memref<1x128xi32, #tpu.memory_space<vmem>> -> memref<128xi32, #tpu.memory_space<vmem>>
        %dma_start3A_111 = arith.constant 0 : i32
        %dma_start3A_112 = arith.constant 0 : i32
        %dma_start3A_113 = tpu.memref_slice %arg2[%dma_start3A_111, %dma_start3A_112] : memref<10240x16xf32, #tpu.memory_space<hbm>> -> memref<10240x16xf32, #tpu.memory_space<hbm>>
        %dma_start3A_114 = tpu.memref_slice %arg14[%rem3A_103] : memref<2x!tpu.dma_semaphore, #tpu.memory_space<semaphore_mem>> -> memref<1x!tpu.dma_semaphore, #tpu.memory_space<semaphore_mem>>
        %dma_start3A_115 = tpu.memref_squeeze %dma_start3A_114 : memref<1x!tpu.dma_semaphore, #tpu.memory_space<semaphore_mem>> -> memref<!tpu.dma_semaphore, #tpu.memory_space<semaphore_mem>>
        tpu.enqueue_indirect_dma source(%dma_start3A_113 : memref<10240x16xf32, #tpu.memory_space<hbm>>) target(%dma_start3A_107 : memref<128x16xf32, #tpu.memory_space<vmem>>) offsets(%dma_start3A_110 : memref<128xi32, #tpu.memory_space<vmem>>) semaphore(%dma_start3A_115 : memref<!tpu.dma_semaphore, #tpu.memory_space<semaphore_mem>>)
        %dma_start3A_116 = arith.constant 0 : i32
        %dma_start3A_117 = arith.constant 0 : i32
        %dma_start3A_118 = tpu.memref_slice %arg11[%rem3A_103, %dma_start3A_116, %dma_start3A_117] : memref<2x128x16xf32, #tpu.memory_space<vmem>> -> memref<1x128x16xf32, #tpu.memory_space<vmem>>
        %dma_start3A_119 = tpu.memref_squeeze %dma_start3A_118 : memref<1x128x16xf32, #tpu.memory_space<vmem>> -> memref<128x16xf32, #tpu.memory_space<vmem>>
        %dma_start3A_120 = arith.constant 0 : i32
        %dma_start3A_121 = tpu.memref_slice %arg9[%add3A_101, %dma_start3A_120] : memref<80x128xi32, #tpu.memory_space<vmem>> -> memref<1x128xi32, #tpu.memory_space<vmem>>
        %dma_start3A_122 = tpu.memref_squeeze %dma_start3A_121 : memref<1x128xi32, #tpu.memory_space<vmem>> -> memref<128xi32, #tpu.memory_space<vmem>>
        %dma_start3A_123 = arith.constant 0 : i32
        %dma_start3A_124 = arith.constant 0 : i32
        %dma_start3A_125 = tpu.memref_slice %arg2[%dma_start3A_123, %dma_start3A_124] : memref<10240x16xf32, #tpu.memory_space<hbm>> -> memref<10240x16xf32, #tpu.memory_space<hbm>>
        %dma_start3A_126 = tpu.memref_slice %arg15[%rem3A_103] : memref<2x!tpu.dma_semaphore, #tpu.memory_space<semaphore_mem>> -> memref<1x!tpu.dma_semaphore, #tpu.memory_space<semaphore_mem>>
        %dma_start3A_127 = tpu.memref_squeeze %dma_start3A_126 : memref<1x!tpu.dma_semaphore, #tpu.memory_space<semaphore_mem>> -> memref<!tpu.dma_semaphore, #tpu.memory_space<semaphore_mem>>
        tpu.enqueue_indirect_dma source(%dma_start3A_125 : memref<10240x16xf32, #tpu.memory_space<hbm>>) target(%dma_start3A_119 : memref<128x16xf32, #tpu.memory_space<vmem>>) offsets(%dma_start3A_122 : memref<128xi32, #tpu.memory_space<vmem>>) semaphore(%dma_start3A_127 : memref<!tpu.dma_semaphore, #tpu.memory_space<semaphore_mem>>)
      } else {
      }
      %dma_wait3A = arith.constant 0 : i32
      %dma_wait3A_71 = arith.constant 0 : i32
      %dma_wait3A_72 = tpu.memref_slice %arg10[%rem3A_59, %dma_wait3A, %dma_wait3A_71] : memref<2x128x16xf32, #tpu.memory_space<vmem>> -> memref<1x128x16xf32, #tpu.memory_space<vmem>>
      %dma_wait3A_73 = tpu.memref_squeeze %dma_wait3A_72 : memref<1x128x16xf32, #tpu.memory_space<vmem>> -> memref<128x16xf32, #tpu.memory_space<vmem>>
      %dma_wait3A_74 = arith.constant 0 : i32
      %dma_wait3A_75 = tpu.memref_slice %arg8[%scan3A_57, %dma_wait3A_74] : memref<80x128xi32, #tpu.memory_space<vmem>> -> memref<1x128xi32, #tpu.memory_space<vmem>>
      %dma_wait3A_76 = tpu.memref_squeeze %dma_wait3A_75 : memref<1x128xi32, #tpu.memory_space<vmem>> -> memref<128xi32, #tpu.memory_space<vmem>>
      %dma_wait3A_77 = arith.constant 0 : i32
      %dma_wait3A_78 = arith.constant 0 : i32
      %dma_wait3A_79 = tpu.memref_slice %arg2[%dma_wait3A_77, %dma_wait3A_78] : memref<10240x16xf32, #tpu.memory_space<hbm>> -> memref<10240x16xf32, #tpu.memory_space<hbm>>
      %dma_wait3A_80 = tpu.memref_slice %arg14[%rem3A_59] : memref<2x!tpu.dma_semaphore, #tpu.memory_space<semaphore_mem>> -> memref<1x!tpu.dma_semaphore, #tpu.memory_space<semaphore_mem>>
      %dma_wait3A_81 = tpu.memref_squeeze %dma_wait3A_80 : memref<1x!tpu.dma_semaphore, #tpu.memory_space<semaphore_mem>> -> memref<!tpu.dma_semaphore, #tpu.memory_space<semaphore_mem>>
      tpu.wait_indirect_dma semaphore(%dma_wait3A_81 : memref<!tpu.dma_semaphore, #tpu.memory_space<semaphore_mem>>) src(%dma_wait3A_79 : memref<10240x16xf32, #tpu.memory_space<hbm>>) dst(%dma_wait3A_73 : memref<128x16xf32, #tpu.memory_space<vmem>>)
      %dma_wait3A_82 = arith.constant 0 : i32
      %dma_wait3A_83 = arith.constant 0 : i32
      %dma_wait3A_84 = tpu.memref_slice %arg11[%rem3A_59, %dma_wait3A_82, %dma_wait3A_83] : memref<2x128x16xf32, #tpu.memory_space<vmem>> -> memref<1x128x16xf32, #tpu.memory_space<vmem>>
      %dma_wait3A_85 = tpu.memref_squeeze %dma_wait3A_84 : memref<1x128x16xf32, #tpu.memory_space<vmem>> -> memref<128x16xf32, #tpu.memory_space<vmem>>
      %dma_wait3A_86 = arith.constant 0 : i32
      %dma_wait3A_87 = tpu.memref_slice %arg9[%scan3A_57, %dma_wait3A_86] : memref<80x128xi32, #tpu.memory_space<vmem>> -> memref<1x128xi32, #tpu.memory_space<vmem>>
      %dma_wait3A_88 = tpu.memref_squeeze %dma_wait3A_87 : memref<1x128xi32, #tpu.memory_space<vmem>> -> memref<128xi32, #tpu.memory_space<vmem>>
      %dma_wait3A_89 = arith.constant 0 : i32
      %dma_wait3A_90 = arith.constant 0 : i32
      %dma_wait3A_91 = tpu.memref_slice %arg2[%dma_wait3A_89, %dma_wait3A_90] : memref<10240x16xf32, #tpu.memory_space<hbm>> -> memref<10240x16xf32, #tpu.memory_space<hbm>>
      %dma_wait3A_92 = tpu.memref_slice %arg15[%rem3A_59] : memref<2x!tpu.dma_semaphore, #tpu.memory_space<semaphore_mem>> -> memref<1x!tpu.dma_semaphore, #tpu.memory_space<semaphore_mem>>
      %dma_wait3A_93 = tpu.memref_squeeze %dma_wait3A_92 : memref<1x!tpu.dma_semaphore, #tpu.memory_space<semaphore_mem>> -> memref<!tpu.dma_semaphore, #tpu.memory_space<semaphore_mem>>
      tpu.wait_indirect_dma semaphore(%dma_wait3A_93 : memref<!tpu.dma_semaphore, #tpu.memory_space<semaphore_mem>>) src(%dma_wait3A_91 : memref<10240x16xf32, #tpu.memory_space<hbm>>) dst(%dma_wait3A_85 : memref<128x16xf32, #tpu.memory_space<vmem>>)
      %scan3A_94 = arith.constant 0 : i32
      %scan3A_95 = arith.constant 0 : i32
      %scan3A_96 = arith.constant 128 : i32
      %scan3A_97 = arith.addi %scan3A_95, %scan3A_96 : i32
      %scan3A_98 = arith.constant 1 : i32
      scf.for %scan3A_100 = %scan3A_95 to %scan3A_97 step %scan3A_98  : i32 {
        %get3A = arith.index_cast %rem3A_59 : i32 to index
        %get3A_101 = arith.index_cast %scan3A_100 : i32 to index
        %get3A_102 = arith.constant 0 : index
        %get3A_103 = tpu.vector_load %arg10[%get3A, %get3A_101, %get3A_102] {strides = array<i32>} : memref<2x128x16xf32, #tpu.memory_space<vmem>>, vector<16xf32>,
        %get3A_104 = arith.index_cast %rem3A_59 : i32 to index
        %get3A_105 = arith.index_cast %scan3A_100 : i32 to index
        %get3A_106 = arith.constant 0 : index
        %get3A_107 = tpu.vector_load %arg11[%get3A_104, %get3A_105, %get3A_106] {strides = array<i32>} : memref<2x128x16xf32, #tpu.memory_space<vmem>>, vector<16xf32>,
        %sub3A = arith.subf %get3A_103, %get3A_107 : vector<16xf32>
        %swap3A = arith.index_cast %rem3A_59 : i32 to index
        %swap3A_108 = arith.index_cast %scan3A_100 : i32 to index
        %swap3A_109 = arith.constant 0 : index
        %swap3A_110 = tpu.vector_load %arg10[%swap3A, %swap3A_108, %swap3A_109] {strides = array<i32>} : memref<2x128x16xf32, #tpu.memory_space<vmem>>, vector<16xf32>,
        tpu.vector_store %arg10[%swap3A, %swap3A_108, %swap3A_109], %sub3A {strides = array<i32>} : memref<2x128x16xf32, #tpu.memory_space<vmem>>, vector<16xf32>,
      }
      %scan3A_99 = arith.constant 128 : i32
      "tpu.region"() ({
        %run_scoped3A = tpu.sem_alloc : memref<!tpu.dma_semaphore, #tpu.memory_space<semaphore_mem>>
        %dma_start3A_100 = arith.constant 0 : i32
        %dma_start3A_101 = arith.constant 0 : i32
        %dma_start3A_102 = tpu.memref_slice %arg10[%rem3A_59, %dma_start3A_100, %dma_start3A_101] : memref<2x128x16xf32, #tpu.memory_space<vmem>> -> memref<1x128x16xf32, #tpu.memory_space<vmem>>
        %dma_start3A_103 = tpu.memref_squeeze %dma_start3A_102 : memref<1x128x16xf32, #tpu.memory_space<vmem>> -> memref<128x16xf32, #tpu.memory_space<vmem>>
        %dma_start3A_104 = arith.constant 0 : i32
        %dma_start3A_105 = tpu.memref_slice %arg5[%mul3A_64, %dma_start3A_104] : memref<327680x16xf32, #tpu.memory_space<hbm>> -> memref<128x16xf32, #tpu.memory_space<hbm>>
        %dma_start3A_106 = arith.constant 0 : i32
        %dma_start3A_107 = tpu.memref_slice %arg5[%mul3A_64, %dma_start3A_106] : memref<327680x16xf32, #tpu.memory_space<hbm>> -> memref<128x16xf32, #tpu.memory_space<hbm>>
        %dma_start3A_108 = arith.constant 0 : i32
        %dma_start3A_109 = arith.constant 0 : i32
        %dma_start3A_110 = tpu.memref_slice %arg10[%rem3A_59, %dma_start3A_108, %dma_start3A_109] : memref<2x128x16xf32, #tpu.memory_space<vmem>> -> memref<1x128x16xf32, #tpu.memory_space<vmem>>
        %dma_start3A_111 = tpu.memref_squeeze %dma_start3A_110 : memref<1x128x16xf32, #tpu.memory_space<vmem>> -> memref<128x16xf32, #tpu.memory_space<vmem>>
        tpu.enqueue_dma source(%dma_start3A_111 : memref<128x16xf32, #tpu.memory_space<vmem>>) target(%dma_start3A_107 : memref<128x16xf32, #tpu.memory_space<hbm>>) target_semaphore(%run_scoped3A : memref<!tpu.dma_semaphore, #tpu.memory_space<semaphore_mem>>)
        %dma_wait3A_112 = arith.constant 0 : i32
        %dma_wait3A_113 = arith.constant 0 : i32
        %dma_wait3A_114 = tpu.memref_slice %arg10[%rem3A_59, %dma_wait3A_112, %dma_wait3A_113] : memref<2x128x16xf32, #tpu.memory_space<vmem>> -> memref<1x128x16xf32, #tpu.memory_space<vmem>>
        %dma_wait3A_115 = tpu.memref_squeeze %dma_wait3A_114 : memref<1x128x16xf32, #tpu.memory_space<vmem>> -> memref<128x16xf32, #tpu.memory_space<vmem>>
        %dma_wait3A_116 = arith.constant 0 : i32
        %dma_wait3A_117 = tpu.memref_slice %arg5[%mul3A_64, %dma_wait3A_116] : memref<327680x16xf32, #tpu.memory_space<hbm>> -> memref<128x16xf32, #tpu.memory_space<hbm>>
        %dma_wait3A_118 = arith.constant 0 : i32
        %dma_wait3A_119 = tpu.memref_slice %arg5[%mul3A_64, %dma_wait3A_118] : memref<327680x16xf32, #tpu.memory_space<hbm>> -> memref<128x16xf32, #tpu.memory_space<hbm>>
        %dma_wait3A_120 = arith.constant 0 : i32
        %dma_wait3A_121 = arith.constant 0 : i32
        %dma_wait3A_122 = tpu.memref_slice %arg10[%rem3A_59, %dma_wait3A_120, %dma_wait3A_121] : memref<2x128x16xf32, #tpu.memory_space<vmem>> -> memref<1x128x16xf32, #tpu.memory_space<vmem>>
        %dma_wait3A_123 = tpu.memref_squeeze %dma_wait3A_122 : memref<1x128x16xf32, #tpu.memory_space<vmem>> -> memref<128x16xf32, #tpu.memory_space<vmem>>
        tpu.wait_dma2 semaphore(%run_scoped3A : memref<!tpu.dma_semaphore, #tpu.memory_space<semaphore_mem>>) src(%dma_wait3A_123 : memref<128x16xf32, #tpu.memory_space<vmem>>) dst(%dma_wait3A_119 : memref<128x16xf32, #tpu.memory_space<hbm>>)
        tpu.yield
      }) : () -> ()
      "tpu.region"() ({
        %run_scoped3A = tpu.sem_alloc : memref<!tpu.dma_semaphore, #tpu.memory_space<semaphore_mem>>
        %dma_start3A_100 = arith.constant 0 : i32
        %dma_start3A_101 = tpu.memref_slice %arg9[%scan3A_57, %dma_start3A_100] : memref<80x128xi32, #tpu.memory_space<vmem>> -> memref<1x128xi32, #tpu.memory_space<vmem>>
        %dma_start3A_102 = tpu.memref_squeeze %dma_start3A_101 : memref<1x128xi32, #tpu.memory_space<vmem>> -> memref<128xi32, #tpu.memory_space<vmem>>
        %dma_start3A_103 = arith.constant 0 : i32
        %dma_start3A_104 = arith.constant 0 : i32
        %dma_start3A_105 = tpu.memref_slice %arg13[%dma_start3A_103, %dma_start3A_104] : memref<10240x16xf32, #tpu.memory_space<vmem_shared>> -> memref<10240x16xf32, #tpu.memory_space<vmem_shared>>
        tpu.enqueue_indirect_dma source(%arg12 : memref<128x16xf32, #tpu.memory_space<vmem>>) target(%dma_start3A_105 : memref<10240x16xf32, #tpu.memory_space<vmem_shared>>) offsets(%dma_start3A_102 : memref<128xi32, #tpu.memory_space<vmem>>) semaphore(%run_scoped3A : memref<!tpu.dma_semaphore, #tpu.memory_space<semaphore_mem>>) {add = true}
        %dma_wait3A_106 = arith.constant 0 : i32
        %dma_wait3A_107 = tpu.memref_slice %arg9[%scan3A_57, %dma_wait3A_106] : memref<80x128xi32, #tpu.memory_space<vmem>> -> memref<1x128xi32, #tpu.memory_space<vmem>>
        %dma_wait3A_108 = tpu.memref_squeeze %dma_wait3A_107 : memref<1x128xi32, #tpu.memory_space<vmem>> -> memref<128xi32, #tpu.memory_space<vmem>>
        %dma_wait3A_109 = arith.constant 0 : i32
        %dma_wait3A_110 = arith.constant 0 : i32
        %dma_wait3A_111 = tpu.memref_slice %arg13[%dma_wait3A_109, %dma_wait3A_110] : memref<10240x16xf32, #tpu.memory_space<vmem_shared>> -> memref<10240x16xf32, #tpu.memory_space<vmem_shared>>
        tpu.wait_indirect_dma semaphore(%run_scoped3A : memref<!tpu.dma_semaphore, #tpu.memory_space<semaphore_mem>>) src(%arg12 : memref<128x16xf32, #tpu.memory_space<vmem>>) dst(%dma_wait3A_111 : memref<10240x16xf32, #tpu.memory_space<vmem_shared>>)
        tpu.yield
      }) : () -> ()
    }
    %scan3A_48 = arith.constant 80 : i32
    %barrier3A_49 = arith.constant 0 : index
    tpu.barrier barrier_id(%barrier3A_49)
    %eq3A = arith.constant 0 : i32
    %eq3A_50 = arith.cmpi eq, %arg0, %eq3A : i32
    %convert_element_type3A = arith.extui %eq3A_50 : i1 to i32
    %cond3A = arith.constant 0 : i32
    %cond3A_51 = arith.cmpi ne, %convert_element_type3A, %cond3A : i32
    scf.if %cond3A_51 {
      %mul3A_57 = arith.constant 640 : i32
      %mul3A_58 = arith.muli %arg1, %mul3A_57 : i32
      %mul3A_59 = arith.constant 640 : i32
      %mul3A_60 = arith.muli %arg1, %mul3A_59 : i32
      "tpu.region"() ({
        %run_scoped3A = tpu.sem_alloc : memref<!tpu.dma_semaphore, #tpu.memory_space<semaphore_mem>>
        %dma_start3A_61 = arith.constant 0 : i32
        %dma_start3A_62 = tpu.memref_slice %arg6[%mul3A_60, %dma_start3A_61] : memref<10240x16xf32, #tpu.memory_space<hbm>> -> memref<640x16xf32, #tpu.memory_space<hbm>>
        %dma_start3A_63 = arith.constant 0 : i32
        %dma_start3A_64 = tpu.memref_slice %arg13[%mul3A_58, %dma_start3A_63] : memref<10240x16xf32, #tpu.memory_space<vmem_shared>> -> memref<640x16xf32, #tpu.memory_space<vmem_shared>>
        tpu.enqueue_dma source(%dma_start3A_64 : memref<640x16xf32, #tpu.memory_space<vmem_shared>>) target(%dma_start3A_62 : memref<640x16xf32, #tpu.memory_space<hbm>>) target_semaphore(%run_scoped3A : memref<!tpu.dma_semaphore, #tpu.memory_space<semaphore_mem>>)
        %dma_wait3A = arith.constant 0 : i32
        %dma_wait3A_65 = tpu.memref_slice %arg6[%mul3A_60, %dma_wait3A] : memref<10240x16xf32, #tpu.memory_space<hbm>> -> memref<640x16xf32, #tpu.memory_space<hbm>>
        %dma_wait3A_66 = arith.constant 0 : i32
        %dma_wait3A_67 = tpu.memref_slice %arg13[%mul3A_58, %dma_wait3A_66] : memref<10240x16xf32, #tpu.memory_space<vmem_shared>> -> memref<640x16xf32, #tpu.memory_space<vmem_shared>>
        tpu.wait_dma2 semaphore(%run_scoped3A : memref<!tpu.dma_semaphore, #tpu.memory_space<semaphore_mem>>) src(%dma_wait3A_67 : memref<640x16xf32, #tpu.memory_space<vmem_shared>>) dst(%dma_wait3A_65 : memref<640x16xf32, #tpu.memory_space<hbm>>)
        tpu.yield
      }) : () -> ()
    } else {
    }
    %eq3A_52 = arith.constant 1 : i32
    %eq3A_53 = arith.cmpi eq, %arg0, %eq3A_52 : i32
    %convert_element_type3A_54 = arith.extui %eq3A_53 : i1 to i32
    %cond3A_55 = arith.constant 0 : i32
    %cond3A_56 = arith.cmpi ne, %convert_element_type3A_54, %cond3A_55 : i32
    scf.if %cond3A_56 {
      %mul3A_57 = arith.constant 640 : i32
      %mul3A_58 = arith.muli %arg1, %mul3A_57 : i32
      %mul3A_59 = arith.constant 640 : i32
      %mul3A_60 = arith.muli %arg1, %mul3A_59 : i32
      "tpu.region"() ({
        %run_scoped3A = tpu.sem_alloc : memref<!tpu.dma_semaphore, #tpu.memory_space<semaphore_mem>>
        %dma_start3A_61 = arith.constant 0 : i32
        %dma_start3A_62 = tpu.memref_slice %arg7[%mul3A_60, %dma_start3A_61] : memref<10240x16xf32, #tpu.memory_space<hbm>> -> memref<640x16xf32, #tpu.memory_space<hbm>>
        %dma_start3A_63 = arith.constant 0 : i32
        %dma_start3A_64 = tpu.memref_slice %arg13[%mul3A_58, %dma_start3A_63] : memref<10240x16xf32, #tpu.memory_space<vmem_shared>> -> memref<640x16xf32, #tpu.memory_space<vmem_shared>>
        tpu.enqueue_dma source(%dma_start3A_64 : memref<640x16xf32, #tpu.memory_space<vmem_shared>>) target(%dma_start3A_62 : memref<640x16xf32, #tpu.memory_space<hbm>>) target_semaphore(%run_scoped3A : memref<!tpu.dma_semaphore, #tpu.memory_space<semaphore_mem>>)
        %dma_wait3A = arith.constant 0 : i32
        %dma_wait3A_65 = tpu.memref_slice %arg7[%mul3A_60, %dma_wait3A] : memref<10240x16xf32, #tpu.memory_space<hbm>> -> memref<640x16xf32, #tpu.memory_space<hbm>>
        %dma_wait3A_66 = arith.constant 0 : i32
        %dma_wait3A_67 = tpu.memref_slice %arg13[%mul3A_58, %dma_wait3A_66] : memref<10240x16xf32, #tpu.memory_space<vmem_shared>> -> memref<640x16xf32, #tpu.memory_space<vmem_shared>>
        tpu.wait_dma2 semaphore(%run_scoped3A : memref<!tpu.dma_semaphore, #tpu.memory_space<semaphore_mem>>) src(%dma_wait3A_67 : memref<640x16xf32, #tpu.memory_space<vmem_shared>>) dst(%dma_wait3A_65 : memref<640x16xf32, #tpu.memory_space<hbm>>)
        tpu.yield
      }) : () -> ()
    } else {
    }
    return
  }
}

module attributes {stable_mosaic.version = 14 : i64} {
  func.func @body(%arg0: i32, %arg1: memref<1024x128xf32, #tpu.memory_space<vmem>>, %arg2: memref<128x64xf32, #tpu.memory_space<vmem>>, %arg3: memref<128x64xf32, #tpu.memory_space<vmem>>, %arg4: memref<128x128xf32, #tpu.memory_space<vmem>>, %arg5: memref<1024x1xi32, #tpu.memory_space<vmem>>, %arg6: memref<16x128xf32, #tpu.memory_space<vmem>>, %arg7: memref<1x128xf32, #tpu.memory_space<vmem>>, %arg8: memref<1024x64xf32, #tpu.memory_space<vmem>>, %arg9: memref<1024x128xf32, #tpu.memory_space<vmem>>) attributes {dimension_semantics = [#tpu.dimension_semantics<arbitrary>], iteration_bounds = array<i64: 10>, scalar_prefetch = 0 : i64, scratch_operands = 0 : i64, tpu.core_type = #tpu.core_type<tc>, window_params = [{transform_indices = @transform_0, window_bounds = array<i64: 1024, 128>}, {pipeline_mode = #tpu.pipeline_mode<synchronous>, transform_indices = @transform_1, window_bounds = array<i64: 128, 64>}, {pipeline_mode = #tpu.pipeline_mode<synchronous>, transform_indices = @transform_2, window_bounds = array<i64: 128, 64>}, {pipeline_mode = #tpu.pipeline_mode<synchronous>, transform_indices = @transform_3, window_bounds = array<i64: 128, 128>}, {transform_indices = @transform_4, window_bounds = array<i64: 1024, 1>}, {pipeline_mode = #tpu.pipeline_mode<synchronous>, transform_indices = @transform_5, window_bounds = array<i64: 16, 128>}, {pipeline_mode = #tpu.pipeline_mode<synchronous>, transform_indices = @transform_6, window_bounds = array<i64: 1, 128>}, {transform_indices = @transform_7, window_bounds = array<i64: 1024, 64>}, {transform_indices = @transform_8, window_bounds = array<i64: 1024, 128>}]} {
    %get3A = arith.constant 0 : index
    %get3A_0 = arith.constant 0 : index
    %get3A_1 = vector.load %arg1[%get3A, %get3A_0] : memref<1024x128xf32, #tpu.memory_space<vmem>>, vector<1024x128xf32>
    %get3A_2 = arith.constant 0 : index
    %get3A_3 = arith.constant 0 : index
    %get3A_4 = vector.load %arg2[%get3A_2, %get3A_3] : memref<128x64xf32, #tpu.memory_space<vmem>>, vector<128x64xf32>
    %dot_general3A = arith.constant dense<0.000000e+00> : vector<1024x64xf32>
    %dot_general3A_5 = tpu.matmul %get3A_1, %get3A_4, %dot_general3A {dimension_numbers = #tpu.dot_dimension_numbers<[1], [0], [0], [1], [0, 0, 1, 1], [], []>, transpose_lhs_hint = false} : vector<1024x128xf32>, vector<128x64xf32>, vector<1024x64xf32> -> vector<1024x64xf32>
    %convert_element_type3A = arith.truncf %dot_general3A_5 : vector<1024x64xf32> to vector<1024x64xbf16>
    %get3A_6 = arith.constant 0 : index
    %get3A_7 = arith.constant 0 : index
    %get3A_8 = vector.load %arg3[%get3A_6, %get3A_7] : memref<128x64xf32, #tpu.memory_space<vmem>>, vector<128x64xf32>
    %dot_general3A_9 = arith.constant dense<0.000000e+00> : vector<1024x64xf32>
    %dot_general3A_10 = tpu.matmul %get3A_1, %get3A_8, %dot_general3A_9 {dimension_numbers = #tpu.dot_dimension_numbers<[1], [0], [0], [1], [0, 0, 1, 1], [], []>, transpose_lhs_hint = false} : vector<1024x128xf32>, vector<128x64xf32>, vector<1024x64xf32> -> vector<1024x64xf32>
    %convert_element_type3A_11 = arith.truncf %dot_general3A_10 : vector<1024x64xf32> to vector<1024x64xbf16>
    %bitcast_convert_type3A = tpu.bitcast %convert_element_type3A : vector<1024x64xbf16> -> vector<1024x64xi16>
    %convert_element_type3A_12 = arith.extui %bitcast_convert_type3A : vector<1024x64xi16> to vector<1024x64xi32>
    %bitcast_convert_type3A_13 = tpu.bitcast %convert_element_type3A_11 : vector<1024x64xbf16> -> vector<1024x64xi16>
    %convert_element_type3A_14 = arith.extui %bitcast_convert_type3A_13 : vector<1024x64xi16> to vector<1024x64xi32>
    %shift_left3A = arith.constant 16 : i32
    %shift_left3A_15 = vector.broadcast %shift_left3A : i32 to vector<1024x64xi32>
    %shift_left3A_16 = arith.shli %convert_element_type3A_14, %shift_left3A_15 : vector<1024x64xi32>
    %or3A = arith.ori %convert_element_type3A_12, %shift_left3A_16 : vector<1024x64xi32>
    %bitcast_convert_type3A_17 = tpu.bitcast %or3A : vector<1024x64xi32> -> vector<1024x64xf32>
    %swap3A = arith.constant 0 : index
    %swap3A_18 = arith.constant 0 : index
    %swap3A_19 = vector.load %arg8[%swap3A, %swap3A_18] : memref<1024x64xf32, #tpu.memory_space<vmem>>, vector<1024x64xf32>
    tpu.vector_store %arg8[%swap3A, %swap3A_18], %bitcast_convert_type3A_17 {strides = array<i32>} : memref<1024x64xf32, #tpu.memory_space<vmem>>, vector<1024x64xf32>,
    %get3A_20 = arith.constant 0 : index
    %get3A_21 = arith.constant 0 : index
    %get3A_22 = vector.load %arg5[%get3A_20, %get3A_21] : memref<1024x1xi32, #tpu.memory_space<vmem>>, vector<1024x1xi32>
    %iota3A = tpu.iota {dimensions = array<i32: 1>} : vector<1024x16xi32>
    %eq3A = vector.broadcast %get3A_22 : vector<1024x1xi32> to vector<1024x16xi32>
    %eq3A_23 = arith.cmpi eq, %eq3A, %iota3A : vector<1024x16xi32>
    %get3A_24 = arith.constant 0 : index
    %get3A_25 = arith.constant 0 : index
    %get3A_26 = vector.load %arg4[%get3A_24, %get3A_25] : memref<128x128xf32, #tpu.memory_space<vmem>>, vector<128x128xf32>
    %dot_general3A_27 = arith.constant dense<0.000000e+00> : vector<1024x128xf32>
    %dot_general3A_28 = tpu.matmul %get3A_1, %get3A_26, %dot_general3A_27 {dimension_numbers = #tpu.dot_dimension_numbers<[1], [0], [0], [1], [0, 0, 1, 1], [], []>, transpose_lhs_hint = false} : vector<1024x128xf32>, vector<128x128xf32>, vector<1024x128xf32> -> vector<1024x128xf32>
    %convert_element_type3A_29 = arith.extui %eq3A_23 : vector<1024x16xi1> to vector<1024x16xi32>
    %convert_element_type3A_30 = arith.sitofp %convert_element_type3A_29 : vector<1024x16xi32> to vector<1024x16xf32>
    %get3A_31 = arith.constant 0 : index
    %get3A_32 = arith.constant 0 : index
    %get3A_33 = vector.load %arg6[%get3A_31, %get3A_32] : memref<16x128xf32, #tpu.memory_space<vmem>>, vector<16x128xf32>
    %dot_general3A_34 = arith.constant dense<0.000000e+00> : vector<1024x128xf32>
    %dot_general3A_35 = tpu.matmul %convert_element_type3A_30, %get3A_33, %dot_general3A_34 {dimension_numbers = #tpu.dot_dimension_numbers<[1], [0], [0], [1], [0, 0, 1, 1], [], []>, transpose_lhs_hint = false} : vector<1024x16xf32>, vector<16x128xf32>, vector<1024x128xf32> -> vector<1024x128xf32>
    %add3A = arith.addf %dot_general3A_28, %dot_general3A_35 : vector<1024x128xf32>
    %get3A_36 = arith.constant 0 : index
    %get3A_37 = arith.constant 0 : index
    %get3A_38 = vector.load %arg7[%get3A_36, %get3A_37] : memref<1x128xf32, #tpu.memory_space<vmem>>, vector<1x128xf32>
    %add3A_39 = vector.broadcast %get3A_38 : vector<1x128xf32> to vector<1024x128xf32>
    %add3A_40 = arith.addf %add3A, %add3A_39 : vector<1024x128xf32>
    %swap3A_41 = arith.constant 0 : index
    %swap3A_42 = arith.constant 0 : index
    %swap3A_43 = vector.load %arg9[%swap3A_41, %swap3A_42] : memref<1024x128xf32, #tpu.memory_space<vmem>>, vector<1024x128xf32>
    tpu.vector_store %arg9[%swap3A_41, %swap3A_42], %add3A_40 {strides = array<i32>} : memref<1024x128xf32, #tpu.memory_space<vmem>>, vector<1024x128xf32>,
    return
  }
  func.func @transform_0(%arg0: i32) -> (i32, i32) {
    %c0_i32 = arith.constant 0 : i32
    %c0_i32_0 = arith.constant 0 : i32
    return %arg0, %c0_i32 : i32, i32
  }
  func.func @transform_1(%arg0: i32) -> (i32, i32) {
    %c0_i32 = arith.constant 0 : i32
    %c0_i32_0 = arith.constant 0 : i32
    %c0_i32_1 = arith.constant 0 : i32
    return %c0_i32, %c0_i32_0 : i32, i32
  }
  func.func @transform_2(%arg0: i32) -> (i32, i32) {
    %c0_i32 = arith.constant 0 : i32
    %c0_i32_0 = arith.constant 0 : i32
    %c0_i32_1 = arith.constant 0 : i32
    return %c0_i32, %c0_i32_0 : i32, i32
  }
  func.func @transform_3(%arg0: i32) -> (i32, i32) {
    %c0_i32 = arith.constant 0 : i32
    %c0_i32_0 = arith.constant 0 : i32
    %c0_i32_1 = arith.constant 0 : i32
    return %c0_i32, %c0_i32_0 : i32, i32
  }
  func.func @transform_4(%arg0: i32) -> (i32, i32) {
    %c0_i32 = arith.constant 0 : i32
    %c0_i32_0 = arith.constant 0 : i32
    return %arg0, %c0_i32 : i32, i32
  }
  func.func @transform_5(%arg0: i32) -> (i32, i32) {
    %c0_i32 = arith.constant 0 : i32
    %c0_i32_0 = arith.constant 0 : i32
    %c0_i32_1 = arith.constant 0 : i32
    return %c0_i32, %c0_i32_0 : i32, i32
  }
  func.func @transform_6(%arg0: i32) -> (i32, i32) {
    %c0_i32 = arith.constant 0 : i32
    %c0_i32_0 = arith.constant 0 : i32
    %c0_i32_1 = arith.constant 0 : i32
    return %c0_i32, %c0_i32_0 : i32, i32
  }
  func.func @transform_7(%arg0: i32) -> (i32, i32) {
    %c0_i32 = arith.constant 0 : i32
    %c0_i32_0 = arith.constant 0 : i32
    return %arg0, %c0_i32 : i32, i32
  }
  func.func @transform_8(%arg0: i32) -> (i32, i32) {
    %c0_i32 = arith.constant 0 : i32
    %c0_i32_0 = arith.constant 0 : i32
    return %arg0, %c0_i32 : i32, i32
  }
}

module attributes {stable_mosaic.version = 14 : i64} {
  func.func @body(%arg0: i32, %arg1: memref<1024x16xf32, #tpu.memory_space<vmem>>, %arg2: memref<1024x16xf32, #tpu.memory_space<vmem>>, %arg3: memref<1x128xf32, #tpu.memory_space<vmem>>, %arg4: memref<1x128xf32, #tpu.memory_space<vmem>>, %arg5: memref<1x128xf32, #tpu.memory_space<vmem>>, %arg6: memref<128x64xbf16, #tpu.memory_space<vmem>>, %arg7: memref<128x64xbf16, #tpu.memory_space<vmem>>, %arg8: memref<1x64xf32, #tpu.memory_space<vmem>>, %arg9: memref<1x64xf32, #tpu.memory_space<vmem>>, %arg10: memref<1024x128xf32, #tpu.memory_space<vmem>>) attributes {dimension_semantics = [#tpu.dimension_semantics<arbitrary>], iteration_bounds = array<i64: 160>, scalar_prefetch = 0 : i64, scratch_operands = 0 : i64, tpu.core_type = #tpu.core_type<tc>, window_params = [{transform_indices = @transform_0, window_bounds = array<i64: 1024, 16>}, {transform_indices = @transform_1, window_bounds = array<i64: 1024, 16>}, {pipeline_mode = #tpu.pipeline_mode<synchronous>, transform_indices = @transform_2, window_bounds = array<i64: 1, 128>}, {pipeline_mode = #tpu.pipeline_mode<synchronous>, transform_indices = @transform_3, window_bounds = array<i64: 1, 128>}, {pipeline_mode = #tpu.pipeline_mode<synchronous>, transform_indices = @transform_4, window_bounds = array<i64: 1, 128>}, {pipeline_mode = #tpu.pipeline_mode<synchronous>, transform_indices = @transform_5, window_bounds = array<i64: 128, 64>}, {pipeline_mode = #tpu.pipeline_mode<synchronous>, transform_indices = @transform_6, window_bounds = array<i64: 128, 64>}, {pipeline_mode = #tpu.pipeline_mode<synchronous>, transform_indices = @transform_7, window_bounds = array<i64: 1, 64>}, {pipeline_mode = #tpu.pipeline_mode<synchronous>, transform_indices = @transform_8, window_bounds = array<i64: 1, 64>}, {transform_indices = @transform_9, window_bounds = array<i64: 1024, 128>}]} {
    %get3A = arith.constant 0 : index
    %get3A_0 = arith.constant 0 : index
    %get3A_1 = vector.load %arg1[%get3A, %get3A_0] : memref<1024x16xf32, #tpu.memory_space<vmem>>, vector<1024x16xf32>
    %slice3A = vector.extract_strided_slice %get3A_1 {offsets = [0, 0], sizes = [1024, 1], strides = [1, 1]} : vector<1024x16xf32> to vector<1024x1xf32>
    %get3A_2 = arith.constant 0 : index
    %get3A_3 = arith.constant 0 : index
    %get3A_4 = vector.load %arg3[%get3A_2, %get3A_3] : memref<1x128xf32, #tpu.memory_space<vmem>>, vector<1x128xf32>
    %mul3A = vector.broadcast %slice3A : vector<1024x1xf32> to vector<1024x128xf32>
    %mul3A_5 = vector.broadcast %get3A_4 : vector<1x128xf32> to vector<1024x128xf32>
    %mul3A_6 = arith.mulf %mul3A, %mul3A_5 : vector<1024x128xf32>
    %slice3A_7 = vector.extract_strided_slice %get3A_1 {offsets = [0, 1], sizes = [1024, 1], strides = [1, 1]} : vector<1024x16xf32> to vector<1024x1xf32>
    %get3A_8 = arith.constant 0 : index
    %get3A_9 = arith.constant 0 : index
    %get3A_10 = vector.load %arg4[%get3A_8, %get3A_9] : memref<1x128xf32, #tpu.memory_space<vmem>>, vector<1x128xf32>
    %mul3A_11 = vector.broadcast %slice3A_7 : vector<1024x1xf32> to vector<1024x128xf32>
    %mul3A_12 = vector.broadcast %get3A_10 : vector<1x128xf32> to vector<1024x128xf32>
    %mul3A_13 = arith.mulf %mul3A_11, %mul3A_12 : vector<1024x128xf32>
    %add3A = arith.addf %mul3A_6, %mul3A_13 : vector<1024x128xf32>
    %get3A_14 = arith.constant 0 : index
    %get3A_15 = arith.constant 0 : index
    %get3A_16 = vector.load %arg5[%get3A_14, %get3A_15] : memref<1x128xf32, #tpu.memory_space<vmem>>, vector<1x128xf32>
    %add3A_17 = vector.broadcast %get3A_16 : vector<1x128xf32> to vector<1024x128xf32>
    %add3A_18 = arith.addf %add3A, %add3A_17 : vector<1024x128xf32>
    %max3A = arith.constant 0.000000e+00 : f32
    %max3A_19 = vector.broadcast %max3A : f32 to vector<1024x128xf32>
    %max3A_20 = arith.maximumf %add3A_18, %max3A_19 : vector<1024x128xf32>
    %convert_element_type3A = arith.truncf %max3A_20 : vector<1024x128xf32> to vector<1024x128xbf16>
    %get3A_21 = arith.constant 0 : index
    %get3A_22 = arith.constant 0 : index
    %get3A_23 = vector.load %arg6[%get3A_21, %get3A_22] : memref<128x64xbf16, #tpu.memory_space<vmem>>, vector<128x64xbf16>
    %dot_general3A = arith.constant dense<0.000000e+00> : vector<1024x64xf32>
    %dot_general3A_24 = tpu.matmul %convert_element_type3A, %get3A_23, %dot_general3A {dimension_numbers = #tpu.dot_dimension_numbers<[1], [0], [0], [1], [0, 0, 1, 1], [], []>, transpose_lhs_hint = false} : vector<1024x128xbf16>, vector<128x64xbf16>, vector<1024x64xf32> -> vector<1024x64xf32>
    %get3A_25 = arith.constant 0 : index
    %get3A_26 = arith.constant 0 : index
    %get3A_27 = vector.load %arg8[%get3A_25, %get3A_26] : memref<1x64xf32, #tpu.memory_space<vmem>>, vector<1x64xf32>
    %add3A_28 = vector.broadcast %get3A_27 : vector<1x64xf32> to vector<1024x64xf32>
    %add3A_29 = arith.addf %dot_general3A_24, %add3A_28 : vector<1024x64xf32>
    %convert_element_type3A_30 = arith.truncf %add3A_29 : vector<1024x64xf32> to vector<1024x64xbf16>
    %get3A_31 = arith.constant 0 : index
    %get3A_32 = arith.constant 0 : index
    %get3A_33 = vector.load %arg7[%get3A_31, %get3A_32] : memref<128x64xbf16, #tpu.memory_space<vmem>>, vector<128x64xbf16>
    %dot_general3A_34 = arith.constant dense<0.000000e+00> : vector<1024x64xf32>
    %dot_general3A_35 = tpu.matmul %convert_element_type3A, %get3A_33, %dot_general3A_34 {dimension_numbers = #tpu.dot_dimension_numbers<[1], [0], [0], [1], [0, 0, 1, 1], [], []>, transpose_lhs_hint = false} : vector<1024x128xbf16>, vector<128x64xbf16>, vector<1024x64xf32> -> vector<1024x64xf32>
    %get3A_36 = arith.constant 0 : index
    %get3A_37 = arith.constant 0 : index
    %get3A_38 = vector.load %arg9[%get3A_36, %get3A_37] : memref<1x64xf32, #tpu.memory_space<vmem>>, vector<1x64xf32>
    %add3A_39 = vector.broadcast %get3A_38 : vector<1x64xf32> to vector<1024x64xf32>
    %add3A_40 = arith.addf %dot_general3A_35, %add3A_39 : vector<1024x64xf32>
    %convert_element_type3A_41 = arith.truncf %add3A_40 : vector<1024x64xf32> to vector<1024x64xbf16>
    %bitcast_convert_type3A = tpu.bitcast %convert_element_type3A_30 : vector<1024x64xbf16> -> vector<1024x64xi16>
    %convert_element_type3A_42 = arith.extui %bitcast_convert_type3A : vector<1024x64xi16> to vector<1024x64xi32>
    %bitcast_convert_type3A_43 = tpu.bitcast %convert_element_type3A_41 : vector<1024x64xbf16> -> vector<1024x64xi16>
    %convert_element_type3A_44 = arith.extui %bitcast_convert_type3A_43 : vector<1024x64xi16> to vector<1024x64xi32>
    %shift_left3A = arith.constant 16 : i32
    %shift_left3A_45 = vector.broadcast %shift_left3A : i32 to vector<1024x64xi32>
    %shift_left3A_46 = arith.shli %convert_element_type3A_44, %shift_left3A_45 : vector<1024x64xi32>
    %or3A = arith.ori %convert_element_type3A_42, %shift_left3A_46 : vector<1024x64xi32>
    %bitcast_convert_type3A_47 = tpu.bitcast %or3A : vector<1024x64xi32> -> vector<1024x64xf32>
    %get3A_48 = arith.constant 0 : index
    %get3A_49 = arith.constant 0 : index
    %get3A_50 = vector.load %arg2[%get3A_48, %get3A_49] : memref<1024x16xf32, #tpu.memory_space<vmem>>, vector<1024x16xf32>
    %slice3A_51 = vector.extract_strided_slice %get3A_50 {offsets = [0, 0], sizes = [1024, 1], strides = [1, 1]} : vector<1024x16xf32> to vector<1024x1xf32>
    %get3A_52 = arith.constant 0 : index
    %get3A_53 = arith.constant 0 : index
    %get3A_54 = vector.load %arg3[%get3A_52, %get3A_53] : memref<1x128xf32, #tpu.memory_space<vmem>>, vector<1x128xf32>
    %mul3A_55 = vector.broadcast %slice3A_51 : vector<1024x1xf32> to vector<1024x128xf32>
    %mul3A_56 = vector.broadcast %get3A_54 : vector<1x128xf32> to vector<1024x128xf32>
    %mul3A_57 = arith.mulf %mul3A_55, %mul3A_56 : vector<1024x128xf32>
    %slice3A_58 = vector.extract_strided_slice %get3A_50 {offsets = [0, 1], sizes = [1024, 1], strides = [1, 1]} : vector<1024x16xf32> to vector<1024x1xf32>
    %get3A_59 = arith.constant 0 : index
    %get3A_60 = arith.constant 0 : index
    %get3A_61 = vector.load %arg4[%get3A_59, %get3A_60] : memref<1x128xf32, #tpu.memory_space<vmem>>, vector<1x128xf32>
    %mul3A_62 = vector.broadcast %slice3A_58 : vector<1024x1xf32> to vector<1024x128xf32>
    %mul3A_63 = vector.broadcast %get3A_61 : vector<1x128xf32> to vector<1024x128xf32>
    %mul3A_64 = arith.mulf %mul3A_62, %mul3A_63 : vector<1024x128xf32>
    %add3A_65 = arith.addf %mul3A_57, %mul3A_64 : vector<1024x128xf32>
    %get3A_66 = arith.constant 0 : index
    %get3A_67 = arith.constant 0 : index
    %get3A_68 = vector.load %arg5[%get3A_66, %get3A_67] : memref<1x128xf32, #tpu.memory_space<vmem>>, vector<1x128xf32>
    %add3A_69 = vector.broadcast %get3A_68 : vector<1x128xf32> to vector<1024x128xf32>
    %add3A_70 = arith.addf %add3A_65, %add3A_69 : vector<1024x128xf32>
    %max3A_71 = arith.constant 0.000000e+00 : f32
    %max3A_72 = vector.broadcast %max3A_71 : f32 to vector<1024x128xf32>
    %max3A_73 = arith.maximumf %add3A_70, %max3A_72 : vector<1024x128xf32>
    %convert_element_type3A_74 = arith.truncf %max3A_73 : vector<1024x128xf32> to vector<1024x128xbf16>
    %get3A_75 = arith.constant 0 : index
    %get3A_76 = arith.constant 0 : index
    %get3A_77 = vector.load %arg6[%get3A_75, %get3A_76] : memref<128x64xbf16, #tpu.memory_space<vmem>>, vector<128x64xbf16>
    %dot_general3A_78 = arith.constant dense<0.000000e+00> : vector<1024x64xf32>
    %dot_general3A_79 = tpu.matmul %convert_element_type3A_74, %get3A_77, %dot_general3A_78 {dimension_numbers = #tpu.dot_dimension_numbers<[1], [0], [0], [1], [0, 0, 1, 1], [], []>, transpose_lhs_hint = false} : vector<1024x128xbf16>, vector<128x64xbf16>, vector<1024x64xf32> -> vector<1024x64xf32>
    %get3A_80 = arith.constant 0 : index
    %get3A_81 = arith.constant 0 : index
    %get3A_82 = vector.load %arg8[%get3A_80, %get3A_81] : memref<1x64xf32, #tpu.memory_space<vmem>>, vector<1x64xf32>
    %add3A_83 = vector.broadcast %get3A_82 : vector<1x64xf32> to vector<1024x64xf32>
    %add3A_84 = arith.addf %dot_general3A_79, %add3A_83 : vector<1024x64xf32>
    %convert_element_type3A_85 = arith.truncf %add3A_84 : vector<1024x64xf32> to vector<1024x64xbf16>
    %get3A_86 = arith.constant 0 : index
    %get3A_87 = arith.constant 0 : index
    %get3A_88 = vector.load %arg7[%get3A_86, %get3A_87] : memref<128x64xbf16, #tpu.memory_space<vmem>>, vector<128x64xbf16>
    %dot_general3A_89 = arith.constant dense<0.000000e+00> : vector<1024x64xf32>
    %dot_general3A_90 = tpu.matmul %convert_element_type3A_74, %get3A_88, %dot_general3A_89 {dimension_numbers = #tpu.dot_dimension_numbers<[1], [0], [0], [1], [0, 0, 1, 1], [], []>, transpose_lhs_hint = false} : vector<1024x128xbf16>, vector<128x64xbf16>, vector<1024x64xf32> -> vector<1024x64xf32>
    %get3A_91 = arith.constant 0 : index
    %get3A_92 = arith.constant 0 : index
    %get3A_93 = vector.load %arg9[%get3A_91, %get3A_92] : memref<1x64xf32, #tpu.memory_space<vmem>>, vector<1x64xf32>
    %add3A_94 = vector.broadcast %get3A_93 : vector<1x64xf32> to vector<1024x64xf32>
    %add3A_95 = arith.addf %dot_general3A_90, %add3A_94 : vector<1024x64xf32>
    %convert_element_type3A_96 = arith.truncf %add3A_95 : vector<1024x64xf32> to vector<1024x64xbf16>
    %bitcast_convert_type3A_97 = tpu.bitcast %convert_element_type3A_85 : vector<1024x64xbf16> -> vector<1024x64xi16>
    %convert_element_type3A_98 = arith.extui %bitcast_convert_type3A_97 : vector<1024x64xi16> to vector<1024x64xi32>
    %bitcast_convert_type3A_99 = tpu.bitcast %convert_element_type3A_96 : vector<1024x64xbf16> -> vector<1024x64xi16>
    %convert_element_type3A_100 = arith.extui %bitcast_convert_type3A_99 : vector<1024x64xi16> to vector<1024x64xi32>
    %shift_left3A_101 = arith.constant 16 : i32
    %shift_left3A_102 = vector.broadcast %shift_left3A_101 : i32 to vector<1024x64xi32>
    %shift_left3A_103 = arith.shli %convert_element_type3A_100, %shift_left3A_102 : vector<1024x64xi32>
    %or3A_104 = arith.ori %convert_element_type3A_98, %shift_left3A_103 : vector<1024x64xi32>
    %bitcast_convert_type3A_105 = tpu.bitcast %or3A_104 : vector<1024x64xi32> -> vector<1024x64xf32>
    %concatenate3A = tpu.concatenate %bitcast_convert_type3A_47, %bitcast_convert_type3A_105 in 1 : vector<1024x64xf32>, vector<1024x64xf32> -> vector<1024x128xf32>
    %swap3A = arith.constant 0 : index
    %swap3A_106 = arith.constant 0 : index
    %swap3A_107 = vector.load %arg10[%swap3A, %swap3A_106] : memref<1024x128xf32, #tpu.memory_space<vmem>>, vector<1024x128xf32>
    tpu.vector_store %arg10[%swap3A, %swap3A_106], %concatenate3A {strides = array<i32>} : memref<1024x128xf32, #tpu.memory_space<vmem>>, vector<1024x128xf32>,
    return
  }
  func.func @transform_0(%arg0: i32) -> (i32, i32) {
    %mul3A = arith.constant 2 : i32
    %mul3A_0 = arith.muli %mul3A, %arg0 : i32
    %c0_i32 = arith.constant 0 : i32
    %c0_i32_1 = arith.constant 0 : i32
    return %mul3A_0, %c0_i32 : i32, i32
  }
  func.func @transform_1(%arg0: i32) -> (i32, i32) {
    %mul3A = arith.constant 2 : i32
    %mul3A_0 = arith.muli %mul3A, %arg0 : i32
    %add3A = arith.constant 1 : i32
    %add3A_1 = arith.addi %mul3A_0, %add3A : i32
    %c0_i32 = arith.constant 0 : i32
    %c0_i32_2 = arith.constant 0 : i32
    return %add3A_1, %c0_i32 : i32, i32
  }
  func.func @transform_2(%arg0: i32) -> (i32, i32) {
    %c0_i32 = arith.constant 0 : i32
    %c0_i32_0 = arith.constant 0 : i32
    %c0_i32_1 = arith.constant 0 : i32
    return %c0_i32, %c0_i32_0 : i32, i32
  }
  func.func @transform_3(%arg0: i32) -> (i32, i32) {
    %c0_i32 = arith.constant 0 : i32
    %c0_i32_0 = arith.constant 0 : i32
    %c0_i32_1 = arith.constant 0 : i32
    return %c0_i32, %c0_i32_0 : i32, i32
  }
  func.func @transform_4(%arg0: i32) -> (i32, i32) {
    %c0_i32 = arith.constant 0 : i32
    %c0_i32_0 = arith.constant 0 : i32
    %c0_i32_1 = arith.constant 0 : i32
    return %c0_i32, %c0_i32_0 : i32, i32
  }
  func.func @transform_5(%arg0: i32) -> (i32, i32) {
    %c0_i32 = arith.constant 0 : i32
    %c0_i32_0 = arith.constant 0 : i32
    %c0_i32_1 = arith.constant 0 : i32
    return %c0_i32, %c0_i32_0 : i32, i32
  }
  func.func @transform_6(%arg0: i32) -> (i32, i32) {
    %c0_i32 = arith.constant 0 : i32
    %c0_i32_0 = arith.constant 0 : i32
    %c0_i32_1 = arith.constant 0 : i32
    return %c0_i32, %c0_i32_0 : i32, i32
  }
  func.func @transform_7(%arg0: i32) -> (i32, i32) {
    %c0_i32 = arith.constant 0 : i32
    %c0_i32_0 = arith.constant 0 : i32
    %c0_i32_1 = arith.constant 0 : i32
    return %c0_i32, %c0_i32_0 : i32, i32
  }
  func.func @transform_8(%arg0: i32) -> (i32, i32) {
    %c0_i32 = arith.constant 0 : i32
    %c0_i32_0 = arith.constant 0 : i32
    %c0_i32_1 = arith.constant 0 : i32
    return %c0_i32, %c0_i32_0 : i32, i32
  }
  func.func @transform_9(%arg0: i32) -> (i32, i32) {
    %c0_i32 = arith.constant 0 : i32
    %c0_i32_0 = arith.constant 0 : i32
    return %arg0, %c0_i32 : i32, i32
  }
}

module attributes {stable_mosaic.version = 14 : i64} {
  func.func @body(%arg0: i32, %arg1: memref<1024x128xf32, #tpu.memory_space<vmem>>, %arg2: memref<1024x128xf32, #tpu.memory_space<vmem>>, %arg3: memref<1024x128xf32, #tpu.memory_space<vmem>>, %arg4: memref<1024x16xf32, #tpu.memory_space<vmem>>, %arg5: memref<1024x16xf32, #tpu.memory_space<vmem>>, %arg6: memref<1024x128xf32, #tpu.memory_space<vmem>>) attributes {dimension_semantics = [#tpu.dimension_semantics<arbitrary>], iteration_bounds = array<i64: 10>, scalar_prefetch = 0 : i64, scratch_operands = 0 : i64, tpu.core_type = #tpu.core_type<tc>, window_params = [{transform_indices = @transform_0, window_bounds = array<i64: 1024, 128>}, {transform_indices = @transform_1, window_bounds = array<i64: 1024, 128>}, {transform_indices = @transform_2, window_bounds = array<i64: 1024, 128>}, {transform_indices = @transform_3, window_bounds = array<i64: 1024, 16>}, {transform_indices = @transform_4, window_bounds = array<i64: 1024, 16>}, {transform_indices = @transform_5, window_bounds = array<i64: 1024, 128>}]} {
    %get3A = arith.constant 0 : index
    %get3A_0 = arith.constant 0 : index
    %get3A_1 = vector.load %arg4[%get3A, %get3A_0] : memref<1024x16xf32, #tpu.memory_space<vmem>>, vector<1024x16xf32>
    %slice3A = vector.extract_strided_slice %get3A_1 {offsets = [0, 0], sizes = [1024, 1], strides = [1, 1]} : vector<1024x16xf32> to vector<1024x1xf32>
    %get3A_2 = arith.constant 0 : index
    %get3A_3 = arith.constant 0 : index
    %get3A_4 = vector.load %arg5[%get3A_2, %get3A_3] : memref<1024x16xf32, #tpu.memory_space<vmem>>, vector<1024x16xf32>
    %slice3A_5 = vector.extract_strided_slice %get3A_4 {offsets = [0, 0], sizes = [1024, 1], strides = [1, 1]} : vector<1024x16xf32> to vector<1024x1xf32>
    %add3A = arith.addf %slice3A, %slice3A_5 : vector<1024x1xf32>
    %max3A = arith.constant 1.000000e+00 : f32
    %max3A_6 = vector.broadcast %max3A : f32 to vector<1024x1xf32>
    %max3A_7 = arith.maximumf %add3A, %max3A_6 : vector<1024x1xf32>
    %div3A = arith.constant 1.000000e+00 : f32
    %div3A_8 = vector.broadcast %div3A : f32 to vector<1024x1xf32>
    %div3A_9 = arith.divf %div3A_8, %max3A_7 : vector<1024x1xf32>
    %get3A_10 = arith.constant 0 : index
    %get3A_11 = arith.constant 0 : index
    %get3A_12 = vector.load %arg1[%get3A_10, %get3A_11] : memref<1024x128xf32, #tpu.memory_space<vmem>>, vector<1024x128xf32>
    %get3A_13 = arith.constant 0 : index
    %get3A_14 = arith.constant 0 : index
    %get3A_15 = vector.load %arg2[%get3A_13, %get3A_14] : memref<1024x128xf32, #tpu.memory_space<vmem>>, vector<1024x128xf32>
    %get3A_16 = arith.constant 0 : index
    %get3A_17 = arith.constant 0 : index
    %get3A_18 = vector.load %arg3[%get3A_16, %get3A_17] : memref<1024x128xf32, #tpu.memory_space<vmem>>, vector<1024x128xf32>
    %add3A_19 = arith.addf %get3A_15, %get3A_18 : vector<1024x128xf32>
    %mul3A = vector.broadcast %div3A_9 : vector<1024x1xf32> to vector<1024x128xf32>
    %mul3A_20 = arith.mulf %add3A_19, %mul3A : vector<1024x128xf32>
    %add3A_21 = arith.addf %get3A_12, %mul3A_20 : vector<1024x128xf32>
    %max3A_22 = arith.constant 0.000000e+00 : f32
    %max3A_23 = vector.broadcast %max3A_22 : f32 to vector<1024x128xf32>
    %max3A_24 = arith.maximumf %add3A_21, %max3A_23 : vector<1024x128xf32>
    %swap3A = arith.constant 0 : index
    %swap3A_25 = arith.constant 0 : index
    %swap3A_26 = vector.load %arg6[%swap3A, %swap3A_25] : memref<1024x128xf32, #tpu.memory_space<vmem>>, vector<1024x128xf32>
    tpu.vector_store %arg6[%swap3A, %swap3A_25], %max3A_24 {strides = array<i32>} : memref<1024x128xf32, #tpu.memory_space<vmem>>, vector<1024x128xf32>,
    return
  }
  func.func @transform_0(%arg0: i32) -> (i32, i32) {
    %c0_i32 = arith.constant 0 : i32
    %c0_i32_0 = arith.constant 0 : i32
    return %arg0, %c0_i32 : i32, i32
  }
  func.func @transform_1(%arg0: i32) -> (i32, i32) {
    %c0_i32 = arith.constant 0 : i32
    %c0_i32_0 = arith.constant 0 : i32
    return %arg0, %c0_i32 : i32, i32
  }
  func.func @transform_2(%arg0: i32) -> (i32, i32) {
    %c0_i32 = arith.constant 0 : i32
    %c0_i32_0 = arith.constant 0 : i32
    return %arg0, %c0_i32 : i32, i32
  }
  func.func @transform_3(%arg0: i32) -> (i32, i32) {
    %c0_i32 = arith.constant 0 : i32
    %c0_i32_0 = arith.constant 0 : i32
    return %arg0, %c0_i32 : i32, i32
  }
  func.func @transform_4(%arg0: i32) -> (i32, i32) {
    %c0_i32 = arith.constant 0 : i32
    %c0_i32_0 = arith.constant 0 : i32
    return %arg0, %c0_i32 : i32, i32
  }
  func.func @transform_5(%arg0: i32) -> (i32, i32) {
    %c0_i32 = arith.constant 0 : i32
    %c0_i32_0 = arith.constant 0 : i32
    return %arg0, %c0_i32 : i32, i32
  }
}

</mosaic_0001>

<sc_bundles>
// kernel: kernel.10.cloned.1.call-start
scs
__scs_entry_jumppad:
0x0: {  	(pc) =	sbr.rel $0x88, $3  }
0x1: {  	(tag) =	ssettag $0x0;
	lr =	simm.s32 $0x1  }
0x2: {  	[smem:$0x3F95] =	sst lr;
	_ =	strace $0xD0000000  }
0x3: {  	_ = 	snop  }
0x4: {  	_ = 	snop  }
0x5: {  	_ = 	snop  }
0x6: {  	_ = 	snop  }
0x7: {  	_ = 	snop  }
__scs_overlays_trampoline_lowered:
0x8: {  	[smem:$0x3FA4] =	sst s0  }
0x9: {  	[smem:$0x3FA5] =	sst s1  }
0xa: {  	[smem:$0x3FA6] =	sst s2  }
0xb: {  	[smem:$0x3FA7] =	sst s3  }
0xc: {  	[smem:$0x3FA8] =	sst s4  }
0xd: {  	[smem:$0x3FA9] =	sst s5  }
0xe: {  	[smem:$0x3FAA] =	sst s6  }
0xf: {  	[smem:$0x3FAB] =	sst s7  }
0x10: {  	[smem:$0x3FAC] =	sst s8  }
0x11: {  	[smem:$0x3FAD] =	sst s9;
	s0 =	simm.s32 @!p0 $0x0  }
0x12: {  	s1 =	sld [smem:$0x3F93];
	s0 =	simm.s32 @p0 $0x1  }
0x13: {  	[smem:$0x3FAE] =	sst s0;
	s0 =	simm.s32 @!p1 $0x0  }
0x14: {  	s2 =	sld [smem:$0x3F92];
	s0 =	simm.s32 @p1 $0x1  }
0x15: {  	[smem:$0x3FAF] =	sst s0;
	s0 =	simm.s32 @!p2 $0x0  }
0x16: {  	s3 =	sld [smem:$0x3FDB];
	s0 =	simm.s32 @p2 $0x1  }
0x17: {  	s4 =	simm.s32 $0x1BF5;
	[smem:$0x3FB1] =	sst s0  }
0x18: {  	s0 =	sld [smem:$0x3F94];
	_ =	swait.ge [sflag:s4], $0x0  }
0x19: {  	s7 =	sld [smem:$0x3F95]  }
0x1a: {  	s8 =	sadd.s32 $0xFFFFE003, lr  }
0x1b: {  	s9 =	sadd.s32 $0xFFFFFEF7, lr;
	s5 =	simm.s32 $0xFFFFFFFF;
	p2 =	slt.u32 s8, $0xFFFFF086  }
0x1c: {  	p1 =	slt.u32 s9, $0xF7A;
	s5 =	simm.s32 @!p2 $0x0  }
0x1d: {  	s5 =	simm.s32 @p1 $0x1;
	p0 =	seq.s32 s7, s2  }
0x1e: {  	s7 =	smul.u32 @!p0 $0xF7A, s2;
	p2 =	seq.s32 @!p0 s5, $0x0  }
0x1f: {  	s9 =	smul.u32 $0xF7A, s1;
	s8 =	simm.s32 @!p0 $0x1BF5;
	p2 =	por !p2, p0  }
0x20: {  	[sflag:s8] =	ssyncset.s32 @!p0 $0xFFFFF086;
	s6 =	sadd.s32 @!p0 s3, s7;
	s7 =	simm.s32 @!p0 $0x108  }
0x21: {  	s3 =	sadd.s32 s3, s9;
	s6 =	sadd.s32 @!p0 $0x88, s6;
	s7 =	simm.s32 @p2 $0x1082  }
0x22: {  	[simem:s7], [sflag:s8] =	dma.local @!p0 [hbm:s6], $0xF7A  }
0x23: {  	s9 =	sor.u32 $0xD0000000, s2;
	s6 =	simm.s32 $0x108;
	_ =	swait.ge @!p0 [sflag:s8], $0x0  }
0x24: {  	s3 =	sadd.s32 $0x88, s3;
	s6 =	simm.s32 @!p1 $0x1082;
	[sflag:s4] =	ssyncset.s32 $0xFFFFF086  }
0x25: {  	[simem:s6], [sflag:s4] =	dma.local [hbm:s3], $0xF7A  }
0x26: {  	[smem:$0x3F95] =	sst s1;
	(tag) =	ssettag s2;
	_ =	strace s9  }
0x27: {  	s1 =	sld [smem:$0x3FA5]  }
0x28: {  	s2 =	sld [smem:$0x3FA6]  }
0x29: {  	s4 =	sld [smem:$0x3FA8]  }
0x2a: {  	p0 =	seq.s32 s5, $0x0;
	s5 =	sld [smem:$0x3FA9]  }
0x2b: {  	s6 =	sld [smem:$0x3FAA]  }
0x2c: {  	s7 =	sld [smem:$0x3FAB]  }
0x2d: {  	s3 =	simm.s32 $0x108;
	s8 =	sld [smem:$0x3FAC]  }
0x2e: {  	s3 =	simm.s32 @!p0 $0x1082;
	s9 =	sld [smem:$0x3FAD]  }
0x2f: {  	lr =	sadd.s32 s0, s3;
	s0 =	sld [smem:$0x3FA4]  }
0x30: {  	s3 =	sld [smem:$0x3FA7]  }
0x31: {  	[smem:$0x3FB0] =	sst s10  }
0x32: {  	s10 =	sld [smem:$0x3FAE];
	_ =	sdelay $0x3  }
0x33: {  	p0 =	seq.s32 s10, $0x1;
	s10 =	sld [smem:$0x3FB0];
	_ =	sdelay $0x3  }
0x34: {  	[smem:$0x3FB0] =	sst s10  }
0x35: {  	s10 =	sld [smem:$0x3FAF];
	_ =	sdelay $0x3  }
0x36: {  	p1 =	seq.s32 s10, $0x1;
	s10 =	sld [smem:$0x3FB0];
	_ =	sdelay $0x3  }
0x37: {  	[smem:$0x3FB0] =	sst s10  }
0x38: {  	s10 =	sld [smem:$0x3FB1]  }
0x39: {  	_ = 	snop;
	(pc) =	sbr.ind lr, $3  }
0x3a: {  	_ = 	snop  }
0x3b: {  	_ = 	snop  }
0x3c: {  	p2 =	seq.s32 s10, $0x1;
	s10 =	sld [smem:$0x3FB0]  }
0x3d: {  	_ =	shalt  }
0x3e: {  	_ =	shalt  }
0x3f: {  	_ =	shalt  }
0x40: {  	_ =	shalt  }
0x41: {  	_ =	shalt  }
0x42: {  	_ =	shalt  }
0x43: {  	_ =	shalt  }
0x44: {  	_ =	shalt  }
0x45: {  	_ =	shalt  }
0x46: {  	_ =	shalt  }
0x47: {  	_ =	shalt  }
0x48: {  	_ =	shalt  }
0x49: {  	_ =	shalt  }
0x4a: {  	_ =	shalt  }
0x4b: {  	_ =	shalt  }
0x4c: {  	_ =	shalt  }
0x4d: {  	_ =	shalt  }
0x4e: {  	_ =	shalt  }
0x4f: {  	_ =	shalt  }
0x50: {  	_ =	shalt  }
0x51: {  	_ =	shalt  }
0x52: {  	_ =	shalt  }
0x53: {  	_ =	shalt  }
0x54: {  	_ =	shalt  }
0x55: {  	_ =	shalt  }
0x56: {  	_ =	shalt  }
0x57: {  	_ =	shalt  }
0x58: {  	_ =	shalt  }
0x59: {  	_ =	shalt  }
0x5a: {  	_ =	shalt  }
0x5b: {  	_ =	shalt  }
0x5c: {  	_ =	shalt  }
0x5d: {  	_ =	shalt  }
0x5e: {  	_ =	shalt  }
0x5f: {  	_ =	shalt  }
0x60: {  	_ =	shalt  }
0x61: {  	_ =	shalt  }
0x62: {  	_ =	shalt  }
0x63: {  	_ =	shalt  }
0x64: {  	_ =	shalt  }
0x65: {  	_ =	shalt  }
0x66: {  	_ =	shalt  }
0x67: {  	_ =	shalt  }
0x68: {  	_ =	shalt  }
0x69: {  	_ =	shalt  }
0x6a: {  	_ =	shalt  }
0x6b: {  	_ =	shalt  }
0x6c: {  	_ =	shalt  }
0x6d: {  	_ =	shalt  }
0x6e: {  	_ =	shalt  }
0x6f: {  	_ =	shalt  }
0x70: {  	_ =	shalt  }
0x71: {  	_ =	shalt  }
0x72: {  	_ =	shalt  }
0x73: {  	_ =	shalt  }
0x74: {  	_ =	shalt  }
0x75: {  	_ =	shalt  }
0x76: {  	_ =	shalt  }
0x77: {  	_ =	shalt  }
0x78: {  	_ =	shalt  }
0x79: {  	_ =	shalt  }
0x7a: {  	_ =	shalt  }
0x7b: {  	_ =	shalt  }
0x7c: {  	_ =	shalt  }
0x7d: {  	_ =	shalt  }
0x7e: {  	_ =	shalt  }
0x7f: {  	_ =	shalt  }
0x80: {  	_ =	shalt  }
0x81: {  	_ =	shalt  }
0x82: {  	_ =	shalt  }
0x83: {  	_ =	shalt  }
0x84: {  	_ =	shalt  }
0x85: {  	_ =	shalt  }
0x86: {  	_ =	shalt  }
0x87: {  	_ =	shalt  }
.Lfunc_end0:
.L_simem_size_0:
called_computation.1_lowered:
.L_overlay_start_0:
0x88: {  	s2 =	sld [smem:$0x3FD9]  }
0x89: {  	s3 =	sld [smem:$0x3FFE];
	_ =	sdelay $0x1  }
0x8a: {  	s1 =	srdreg.scid  }
0x8b: {  	s0 =	sand.u32 $0x1, s1  }
0x8c: {  	s17 =	sshll.u32 s0, $0xA;
	s2 =	sadd.s32 s3, s2  }
0x8d: {  	s2 =	sadd.s32 s2, s17  }
0x8e: {  	[smem:$0x3FBC] =	sst s2  }
0x8f: {  	_ = 	snop  }
0x90: {  	s2 =	sld [smem:$0x3FD0];
	(tm) =	ssettm $0x1  }
0x91: {  	s18 =	sld [smem:$0x3FFB];
	_ =	sdelay $0x3  }
0x92: {  	_ =	strace s18  }
0x93: {  	s3 =	sld [smem:$0x3FFC];
	_ =	sdelay $0x3  }
0x94: {  	_ =	strace s3  }
0x95: {  	s3 =	sld [smem:$0x3FFD];
	_ =	sdelay $0x3  }
0x96: {  	_ =	strace s3  }
0x97: {  	_ =	strace $0x8FFFFFFF  }
0x98: {  	s19 =	sld [smem:$0x3FDB];
	_ =	sdelay $0x1  }
0x99: {  	s4 =	simm.s32 $_scs_section_size  }
0x9a: {  	s5 =	simm.s32 $_size__tile_overlayer_lowered;
	s6 =	simm.s32 $_tile_overlayer_lowered  }
0x9b: {  	s22 =	simm.s32 $0x1BFF;
	s21 =	sshll.u32 s6, $0x1;
	s3 =	sadd.s32 s4, s19  }
0x9c: {  	s7 =	simm.s32 $0x0;
	s20 =	sshll.u32 s5, $0x1;
	s5 =	sadd.s32 s21, s3  }
0x9d: {  	[timem:s7], [sflag:s22] =	dma.local [hbm:s5], s20  }
0x9e: {  	_ =	swait.ge [sflag:s22], s20  }
0x9f: {  	s4 =	ssub.s32 $0x0, s20;
	[sflag:s22] =	ssyncset.done $0x0  }
0xa0: {  	[sflag:s22] =	ssyncadd.s32 s4;
	_ =	sdelay $0x1  }
0xa1: {  	s23 =	simm.s32 $0x1B8B  }
0xa2: {  	_ =	swait.ge [sflag:s23], $0x1  }
0xa3: {  	[sflag:s23] =	ssyncset.done $0x0  }
0xa4: {  	s25 =	simm.s32 $0x1B8E;
	s24 =	sld [smem:$0x3FFE];
	[sflag:s23] =	ssyncadd.s32 $0xFFFFFFFF  }
0xa5: {  	s26 =	simm.s32 $execute0_lowered;
	[smem:$0x3FD2] =	sst s25  }
0xa6: {  	s5 =	sshll.u32 s26, $0x1;
	_ =	strace $0x80000049;
	[dreg:$0x1] =	wrdreg $0xFFFFFFFF  }
0xa7: {  	s28 =	simm.s32 $_size_execute0_lowered;
	s3 =	sadd.s32 s3, s5;
	[dreg:$0x0] =	wrdreg $0x0  }
0xa8: {  	s5 =	sshll.u32 s28, $0x1;
	[dreg:$0x2] =	wrdreg s3  }
0xa9: {  	[dreg:$0x3] =	wrdreg s5  }
0xaa: {  	[dreg:$0x4] =	wrdreg $0xC0  }
0xab: {  	_ =	task [dreg:s7], $0x5FFFF  }
0xac: {  	[dreg:$0x1] =	wrdreg $0xFFFFFFFF  }
0xad: {  	[dreg:$0x0] =	wrdreg $0x60  }
0xae: {  	[dreg:$0x2] =	wrdreg s2  }
0xaf: {  	[dreg:$0x3] =	wrdreg s24  }
0xb0: {  	[dreg:$0x4] =	wrdreg $0x80000  }
0xb1: {  	[dreg:$0x5] =	wrdreg $0x9  }
0xb2: {  	_ =	task.clear_ibuf [dreg:s7], $0x6FFFF;
	_ =	strace $0x90000049  }
0xb3: {  	s29 =	simm.s32 $0x9;
	_ =	strace $0x8000004B  }
0xb4: {  	_ =	swait.ge [sflag:s29], $0x1  }
0xb5: {  	[sflag:s29] =	ssyncadd.s32 $0xFFFFFFFF  }
0xb6: {  	_ =	strace $0x9000004B  }
0xb7: {  	_ =	sfence  }
0xb8: {  	s30 =	sld [smem:$0x0];
	_ =	sdelay $0x2  }
0xb9: {  	s31 =	sshll.u32 s1, $0xD;
	s1 =	sshrl.u32 s1, $0x2  }
0xba: {  	s3 =	sand.u32 $0x4000, s31;
	s1 =	sadd.s32 s1, s30  }
0xbb: {  	s0 =	sor.u32 s3, s0;
	s1 =	sshll.u32 s1, $0x11  }
0xbc: {  	s0 =	sor.u32 s1, s0  }
0xbd: {  	s0 =	sadd.s32 $0x8F2B, s0  }
0xbe: {  	[sflag:s0] =	ssyncadd.remote.s32 $0x1  }
0xbf: {  	_ =	sfence.sel $0xFFFF  }
0xc0: {  	[dreg:$0x0] =	wrdreg $0xFFFFFFFF;
	(pc) =	sbr.abs _section_cstart, $3  }
0xc1: {  	[dreg:$0x1] =	wrdreg $0xFFFFFFFF  }
0xc2: {  	_ =	task.clear_ibuf [dreg:s7], $0x2FFFF;
	_ =	strace $0x9FFFFFFF  }
0xc3: {  	(tm) =	ssettm $0x7FFFFFFF  }
tec
execute0_lowered:
.L_overlay_start_1:
0x0: {  	(tag) =	ssettag $0x1  }
0x1: {  	s1 =	rddreg [dreg:$0x0]  }
0x2: {  	s0 =	rddreg [dreg:$0x1]  }
0x3: {  	s2 =	rddreg [dreg:$0x2]  }
0x4: {  	s3 =	simm.s32 $0x0;
	s5 =	srdreg.scid;
	s16 =	stileid.u32  }
0x5: {  	[smem:$0x7FF] =	sst s3;
	s4 =	sadd.s32 $0xF8E00, s0;
	s5 =	sand.u32 $0x1, s5  }
0x6: {  	s12 =	smul.u32 $0x50000, s16;
	s9 =	sshll.u32 s5, $0x4;
	s10 =	ssub.s32 $0x2, s5  }
0x7: {  	s11 =	sor.u32 s16, s9;
	s13 =	sshrl.u32 s10, $0x1;
	s16 =	smul.u32 $0x14000, s16  }
0x8: {  	_ =	strace $0x8000004A;
	s25 =	sshrl.u32 s12, $0x2;
	s13 =	ssub.s32 s10, s13  }
0x9: {  	s10 =	sadd.s32 s25, s2;
	s30 =	sshrl.u32 s16, $0x3;
	s13 =	smax.u32 s13, $0x1  }
0xa: {  	s31 =	sadd.s32 s16, s2;
	s16 =	sadd.s32 $0x2000, s10;
	[dreg:$0x9] =	wrdreg s13  }
0xb: {  	s6 =	sadd.s32 $0xF3E00, s0;
	s18 =	sadd.s32 $0x3000, s10;
	[dreg:$0xb] =	wrdreg s16  }
0xc: {  	s7 =	sadd.s32 $0xEEE00, s0;
	s19 =	sadd.s32 $0x4000, s10;
	[dreg:$0xc] =	wrdreg s18  }
0xd: {  	s8 =	sadd.s32 $0xFDE00, s0;
	s20 =	sadd.s32 $0x5000, s10;
	[dreg:$0xd] =	wrdreg s19  }
0xe: {  	p0 =	seq.s32 s5, $0x1;
	s22 =	sadd.s32 $0x6000, s10;
	[dreg:$0xf] =	wrdreg s20  }
0xf: {  	s9 =	sadd.s32 $0x602E00, s0;
	s23 =	sadd.s32 $0x7000, s10;
	[dreg:$0x11] =	wrdreg s22  }
0x10: {  	s14 =	smul.u32 $0x280, s11;
	s24 =	sadd.s32 $0x8000, s10;
	[dreg:$0x12] =	wrdreg s23  }
0x11: {  	s15 =	smul.u32 $0x14000, s11;
	s25 =	sadd.s32 $0x9000, s10;
	[dreg:$0x13] =	wrdreg s24  }
0x12: {  	s12 =	smul.u32 $0x1400, s11;
	s26 =	sadd.s32 s4, s14;
	[dreg:$0x14] =	wrdreg s25  }
0x13: {  	s17 =	sadd.s32 s6, s14;
	s28 =	sadd.s32 s7, s14;
	[dreg:$0x4] =	wrdreg s26  }
0x14: {  	s14 =	sadd.s32 s8, s14;
	s29 =	sadd.s32 s9, s15;
	[dreg:$0x5] =	wrdreg s17  }
0x15: {  	s15 =	sadd.s32 $0x1000, s10;
	s21 =	sshrl.u32 s31, $0x3;
	[dreg:$0x6] =	wrdreg s28  }
0x16: {  	s31 =	sadd.s32 $0xE000, s10;
	s16 =	sadd.s32 $0x11000, s10;
	[dreg:$0x7] =	wrdreg s14  }
0x17: {  	s18 =	sadd.s32 $0x12000, s10;
	s19 =	sadd.s32 $0x13000, s10;
	[dreg:$0x8] =	wrdreg s29  }
0x18: {  	s20 =	simm.s32 $0x6000;
	s23 =	simm.s32 $0x7;
	[dreg:$0xa] =	wrdreg s15  }
0x19: {  	s24 =	simm.s32 $0x20;
	s17 =	smul.u32 $0xA0000, s11;
	[dreg:$0x10] =	wrdreg s21  }
0x1a: {  	s11 =	simm.s32 $0x2BE00;
	s26 =	sadd.s32 $0xA000, s10;
	[dreg:$0x19] =	wrdreg s31  }
0x1b: {  	s28 =	sadd.s32 $0xB000, s10;
	s11 =	simm.s32 @!p0 $0x3E00;
	[dreg:$0x15] =	wrdreg s26  }
0x1c: {  	s29 =	sadd.s32 $0xC000, s10;
	[dreg:$0x16] =	wrdreg s28;
	s0 =	sadd.s32 s11, s0  }
0x1d: {  	s25 =	simm.s32 $0x7000;
	[dreg:$0x17] =	wrdreg s29;
	s0 =	sadd.s32 s0, s30  }
0x1e: {  	s14 =	sadd.s32 $0xF000, s10;
	s30 =	sadd.s32 $0xD000, s10;
	[dreg:$0xe] =	wrdreg s0  }
0x1f: {  	v0 =	vimm.f32 $0.0e+00;
	s15 =	sadd.s32 $0x10000, s10;
	s21 =	simm.s32 $0x9;
	[dreg:$0x18] =	wrdreg s30  }
.LBB2_1:
0x20: {  	s0 =	simm.s32 $0x0;
	s5 =	simm.s32 $0x200  }
.LBB2_2:
0x21: {  	p0 =	sne.s32 s5, $0x3E00;
	[tilespmem:s0+$0x6070] =	vst v0  }
0x22: {  	[tilespmem:s0+$0x6000] =	vst v0  }
0x23: {  	[tilespmem:s0+$0x6010] =	vst v0  }
.Ltmp0:
0x24: {  	[tilespmem:s0+$0x6020] =	vst v0;
	(pc) =	sbr.rel @p0 .LBB2_2-.Ltmp0, $4  }
0x25: {  	[tilespmem:s0+$0x6030] =	vst v0  }
0x26: {  	[tilespmem:s0+$0x6040] =	vst v0  }
0x27: {  	[tilespmem:s0+$0x6050] =	vst v0  }
0x28: {  	[tilespmem:s0+$0x6060] =	vst v0;
	s0 =	sshra.s32 s5, $0x2;
	s5 =	sadd.s32 $0x200, s5  }
0x29: {  	[tilespmem:s0+$0x6070] =	vst v0  }
0x2a: {  	[tilespmem:s0+$0x6000] =	vst v0  }
0x2b: {  	[tilespmem:s0+$0x6010] =	vst v0  }
0x2c: {  	[tilespmem:s0+$0x6020] =	vst v0  }
0x2d: {  	[tilespmem:s0+$0x6030] =	vst v0  }
0x2e: {  	[tilespmem:s0+$0x6040] =	vst v0  }
0x2f: {  	[tilespmem:s0+$0x6050] =	vst v0  }
0x30: {  	[tilespmem:s0+$0x6060] =	vst v0  }
0x31: {  	[spmem:s10] =	stream.linear.scatter [tilespmem:s20], [sflag:$0x9], $0x1000, $0x38;
	[tilespmem:$0x1C000] =	vst v63  }
0x32: {  	_ =	swait.ge [sflag:s21], $0x1000  }
0x33: {  	[sflag:s21] =	ssyncset.done $0x0  }
0x34: {  	s13 =	rddreg [dreg:$0xa];
	[sflag:s21] =	ssyncadd.s32 $0xFFFFF000  }
0x35: {  	[spmem:s13] =	stream.linear.scatter [tilespmem:s20], [sflag:$0x9], $0x1000, $0x38;
	[tilespmem:$0x1C000] =	vst v63  }
0x36: {  	_ =	swait.ge [sflag:s21], $0x1000  }
0x37: {  	[sflag:s21] =	ssyncset.done $0x0  }
0x38: {  	s22 =	rddreg [dreg:$0xb];
	[sflag:s21] =	ssyncadd.s32 $0xFFFFF000  }
0x39: {  	[spmem:s22] =	stream.linear.scatter [tilespmem:s20], [sflag:$0x9], $0x1000, $0x38;
	[tilespmem:$0x1C000] =	vst v63  }
0x3a: {  	_ =	swait.ge [sflag:s21], $0x1000  }
0x3b: {  	[sflag:s21] =	ssyncset.done $0x0  }
0x3c: {  	s26 =	rddreg [dreg:$0xc];
	[sflag:s21] =	ssyncadd.s32 $0xFFFFF000  }
0x3d: {  	[spmem:s26] =	stream.linear.scatter [tilespmem:s20], [sflag:$0x9], $0x1000, $0x38;
	[tilespmem:$0x1C000] =	vst v63  }
0x3e: {  	_ =	swait.ge [sflag:s21], $0x1000  }
0x3f: {  	[sflag:s21] =	ssyncset.done $0x0  }
0x40: {  	s28 =	rddreg [dreg:$0xd];
	[sflag:s21] =	ssyncadd.s32 $0xFFFFF000  }
0x41: {  	[spmem:s28] =	stream.linear.scatter [tilespmem:s20], [sflag:$0x9], $0x1000, $0x38;
	[tilespmem:$0x1C000] =	vst v63  }
0x42: {  	_ =	swait.ge [sflag:s21], $0x1000  }
0x43: {  	[sflag:s21] =	ssyncset.done $0x0  }
0x44: {  	s29 =	rddreg [dreg:$0xf];
	[sflag:s21] =	ssyncadd.s32 $0xFFFFF000  }
0x45: {  	[spmem:s29] =	stream.linear.scatter [tilespmem:s20], [sflag:$0x9], $0x1000, $0x38;
	[tilespmem:$0x1C000] =	vst v63  }
0x46: {  	_ =	swait.ge [sflag:s21], $0x1000  }
0x47: {  	[sflag:s21] =	ssyncset.done $0x0  }
0x48: {  	s30 =	rddreg [dreg:$0x11];
	[sflag:s21] =	ssyncadd.s32 $0xFFFFF000  }
0x49: {  	[spmem:s30] =	stream.linear.scatter [tilespmem:s20], [sflag:$0x9], $0x1000, $0x38;
	[tilespmem:$0x1C000] =	vst v63  }
0x4a: {  	_ =	swait.ge [sflag:s21], $0x1000  }
0x4b: {  	[sflag:s21] =	ssyncset.done $0x0  }
0x4c: {  	s31 =	rddreg [dreg:$0x12];
	[sflag:s21] =	ssyncadd.s32 $0xFFFFF000  }
0x4d: {  	[spmem:s31] =	stream.linear.scatter [tilespmem:s20], [sflag:$0x9], $0x1000, $0x38;
	[tilespmem:$0x1C000] =	vst v63  }
0x4e: {  	_ =	swait.ge [sflag:s21], $0x1000  }
0x4f: {  	[sflag:s21] =	ssyncset.done $0x0  }
0x50: {  	s5 =	rddreg [dreg:$0x13];
	[sflag:s21] =	ssyncadd.s32 $0xFFFFF000  }
0x51: {  	[spmem:s5] =	stream.linear.scatter [tilespmem:s20], [sflag:$0x9], $0x1000, $0x38;
	[tilespmem:$0x1C000] =	vst v63  }
0x52: {  	_ =	swait.ge [sflag:s21], $0x1000  }
0x53: {  	[sflag:s21] =	ssyncset.done $0x0  }
0x54: {  	s11 =	rddreg [dreg:$0x14];
	[sflag:s21] =	ssyncadd.s32 $0xFFFFF000  }
0x55: {  	[spmem:s11] =	stream.linear.scatter [tilespmem:s20], [sflag:$0x9], $0x1000, $0x38;
	[tilespmem:$0x1C000] =	vst v63  }
0x56: {  	_ =	swait.ge [sflag:s21], $0x1000  }
0x57: {  	[sflag:s21] =	ssyncset.done $0x0  }
0x58: {  	s13 =	rddreg [dreg:$0x15];
	[sflag:s21] =	ssyncadd.s32 $0xFFFFF000  }
0x59: {  	[spmem:s13] =	stream.linear.scatter [tilespmem:s20], [sflag:$0x9], $0x1000, $0x38;
	[tilespmem:$0x1C000] =	vst v63  }
0x5a: {  	_ =	swait.ge [sflag:s21], $0x1000  }
0x5b: {  	[sflag:s21] =	ssyncset.done $0x0  }
0x5c: {  	s22 =	rddreg [dreg:$0x16];
	[sflag:s21] =	ssyncadd.s32 $0xFFFFF000  }
0x5d: {  	[spmem:s22] =	stream.linear.scatter [tilespmem:s20], [sflag:$0x9], $0x1000, $0x38;
	[tilespmem:$0x1C000] =	vst v63  }
0x5e: {  	_ =	swait.ge [sflag:s21], $0x1000  }
0x5f: {  	[sflag:s21] =	ssyncset.done $0x0  }
0x60: {  	s26 =	rddreg [dreg:$0x17];
	[sflag:s21] =	ssyncadd.s32 $0xFFFFF000  }
0x61: {  	[spmem:s26] =	stream.linear.scatter [tilespmem:s20], [sflag:$0x9], $0x1000, $0x38;
	[tilespmem:$0x1C000] =	vst v63  }
0x62: {  	_ =	swait.ge [sflag:s21], $0x1000  }
0x63: {  	[sflag:s21] =	ssyncset.done $0x0  }
0x64: {  	s28 =	rddreg [dreg:$0x18];
	[sflag:s21] =	ssyncadd.s32 $0xFFFFF000  }
0x65: {  	[spmem:s28] =	stream.linear.scatter [tilespmem:s20], [sflag:$0x9], $0x1000, $0x38;
	[tilespmem:$0x1C000] =	vst v63  }
0x66: {  	_ =	swait.ge [sflag:s21], $0x1000  }
0x67: {  	[sflag:s21] =	ssyncset.done $0x0  }
0x68: {  	s29 =	rddreg [dreg:$0x19];
	[sflag:s21] =	ssyncadd.s32 $0xFFFFF000  }
0x69: {  	[spmem:s29] =	stream.linear.scatter [tilespmem:s20], [sflag:$0x9], $0x1000, $0x38;
	[tilespmem:$0x1C000] =	vst v63  }
0x6a: {  	_ =	swait.ge [sflag:s21], $0x1000  }
0x6b: {  	[sflag:s21] =	ssyncset.done $0x0  }
0x6c: {  	[sflag:s21] =	ssyncadd.s32 $0xFFFFF000  }
0x6d: {  	[spmem:s14] =	stream.linear.scatter [tilespmem:s20], [sflag:$0x9], $0x1000, $0x38;
	[tilespmem:$0x1C000] =	vst v63  }
0x6e: {  	_ =	swait.ge [sflag:s21], $0x1000  }
0x6f: {  	[sflag:s21] =	ssyncset.done $0x0  }
0x70: {  	[sflag:s21] =	ssyncadd.s32 $0xFFFFF000  }
0x71: {  	[spmem:s15] =	stream.linear.scatter [tilespmem:s20], [sflag:$0x9], $0x1000, $0x38;
	[tilespmem:$0x1C000] =	vst v63  }
0x72: {  	_ =	swait.ge [sflag:s21], $0x1000  }
0x73: {  	[sflag:s21] =	ssyncset.done $0x0  }
0x74: {  	[sflag:s21] =	ssyncadd.s32 $0xFFFFF000  }
0x75: {  	[spmem:s16] =	stream.linear.scatter [tilespmem:s20], [sflag:$0x9], $0x1000, $0x38;
	[tilespmem:$0x1C000] =	vst v63  }
0x76: {  	_ =	swait.ge [sflag:s21], $0x1000  }
0x77: {  	[sflag:s21] =	ssyncset.done $0x0  }
0x78: {  	[sflag:s21] =	ssyncadd.s32 $0xFFFFF000  }
0x79: {  	[spmem:s18] =	stream.linear.scatter [tilespmem:s20], [sflag:$0x9], $0x1000, $0x38;
	[tilespmem:$0x1C000] =	vst v63  }
0x7a: {  	_ =	swait.ge [sflag:s21], $0x1000  }
0x7b: {  	[sflag:s21] =	ssyncset.done $0x0  }
0x7c: {  	[sflag:s21] =	ssyncadd.s32 $0xFFFFF000  }
0x7d: {  	[spmem:s19] =	stream.linear.scatter [tilespmem:s20], [sflag:$0x9], $0x1000, $0x38;
	[tilespmem:$0x1C000] =	vst v63  }
0x7e: {  	_ =	swait.ge [sflag:s21], $0x1000  }
0x7f: {  	[sflag:s21] =	ssyncset.done $0x0  }
0x80: {  	[sflag:s21] =	ssyncadd.s32 $0xFFFFF000  }
0x81: {  	[bflag:$0x0] =	sbarrier.arrive $0xFFFF  }
0x82: {  	s26 =	simm.s32 $0x0;
	s30 =	rddreg [dreg:$0x4]  }
0x83: {  	[tilespmem:s26], [sflag:$0x7] =	stream.linear.gather [hbm4b:s30+s26], $0x400, $0x38;
	[tilespmem:$0x1C000] =	vst v63  }
0x84: {  	s5 =	simm.s32 $0x800;
	s31 =	rddreg [dreg:$0x5]  }
0x85: {  	[tilespmem:s5], [sflag:$0x7] =	stream.linear.gather [hbm4b:s31+s26], $0x400, $0x38;
	[tilespmem:$0x1C000] =	vst v63  }
0x86: {  	s13 =	simm.s32 $0x1000;
	s11 =	rddreg [dreg:$0x6]  }
0x87: {  	[tilespmem:s13], [sflag:$0x7] =	stream.linear.gather [hbm4b:s11+s26], $0x400, $0x38;
	[tilespmem:$0x1C000] =	vst v63  }
0x88: {  	s22 =	rddreg [dreg:$0x7];
	s11 =	simm.s32 $0x1800  }
0x89: {  	[tilespmem:s11], [sflag:$0x7] =	stream.linear.gather [hbm4b:s22+s26], $0x400, $0x38;
	[tilespmem:$0x1C000] =	vst v63  }
0x8a: {  	_ =	swait.ge [sflag:s23], $0x400  }
0x8b: {  	[sflag:s23] =	ssyncset.done $0x0  }
0x8c: {  	[sflag:s23] =	ssyncadd.s32 $0xFFFFFC00  }
0x8d: {  	_ =	swait.ge [sflag:s23], $0x400  }
0x8e: {  	[sflag:s23] =	ssyncset.done $0x0  }
0x8f: {  	[sflag:s23] =	ssyncadd.s32 $0xFFFFFC00  }
0x90: {  	_ =	swait.ge [sflag:s23], $0x400  }
0x91: {  	[sflag:s23] =	ssyncset.done $0x0  }
0x92: {  	[sflag:s23] =	ssyncadd.s32 $0xFFFFFC00  }
0x93: {  	_ =	swait.ge [sflag:s23], $0x400  }
0x94: {  	[sflag:s23] =	ssyncset.done $0x0  }
0x95: {  	s28 =	simm.s32 $0x2000;
	[sflag:s23] =	ssyncadd.s32 $0xFFFFFC00  }
0x96: {  	[tilespmem:s28], [sflag:$0x1] =	stream.indirect.gather [hbm4b:s1+s24], $0x40, s26, s24, $0xb8;
	[tilespmem:$0x1C000] =	vst v63  }
0x97: {  	s29 =	simm.s32 $0x3000  }
0x98: {  	[tilespmem:s29], [sflag:$0x3] =	stream.indirect.gather [hbm4b:s1+s24], $0x40, s13, s24, $0xb8;
	[tilespmem:$0x1C000] =	vst v63  }
0x99: {  	p0 =	por $0x0, $0x0;
	s31 =	simm.s32 $0x4000;
	s30 =	rddreg [dreg:$0x8]  }
0x9a: {  	[tilespmem:s31], [sflag:$0x5] =	stream.linear.gather [hbm4b:s30+s26], $0x1000, $0x38;
	[tilespmem:$0x1C000] =	vst v63  }
.LBB2_4:
0x9b: {  	s28 =	sshrl.u32 s26, $0x5;
	s0 =	sand.u32 $0x9F, s26  }
0x9c: {  	s5 =	sadd.s32 $0x1, s28;
	p1 =	sne.s32 s0, $0x0  }
0x9d: {  	s0 =	sshll.u32 @!p1 s5, $0xA  }
0x9e: {  	s0 =	sadd.s32 @!p1 s12, s0  }
0x9f: {  	s11 =	sand.u32 @!p1 $0x1, s5;
	s29 =	simm.s32 @!p1 $0x0;
	s0 =	sshrl.u32 @!p1 s0, $0x3  }
0xa0: {  	s13 =	sadd.s32 @!p1 $0x7, s11;
	s11 =	sshll.u32 @!p1 s11, $0xA;
	s22 =	sadd.s32 @!p1 s4, s0  }
0xa1: {  	[tilespmem:s11], [sflag:s13] =	stream.linear.gather @!p1 [hbm4b:s22+s29], $0x400, $0x38;
	[tilespmem:$0x1C000] =	vst v63  }
0xa2: {  	s30 =	sadd.s32 @!p1 s6, s0;
	s22 =	sor.u32 @!p1 $0x800, s11  }
0xa3: {  	[tilespmem:s22], [sflag:s13] =	stream.linear.gather @!p1 [hbm4b:s30+s29], $0x400, $0x38;
	[tilespmem:$0x1C000] =	vst v63  }
0xa4: {  	s22 =	sor.u32 @!p1 $0x1000, s11;
	s30 =	sadd.s32 @!p1 s7, s0  }
0xa5: {  	[tilespmem:s22], [sflag:s13] =	stream.linear.gather @!p1 [hbm4b:s30+s29], $0x400, $0x38;
	[tilespmem:$0x1C000] =	vst v63  }
0xa6: {  	s11 =	sor.u32 @!p1 $0x1800, s11;
	s0 =	sadd.s32 @!p1 s8, s0  }
0xa7: {  	[tilespmem:s11], [sflag:s13] =	stream.linear.gather @!p1 [hbm4b:s0+s29], $0x400, $0x38;
	[tilespmem:$0x1C000] =	vst v63  }
0xa8: {  	s29 =	sadd.s32 $0x1, s26;
	p1 =	seq.s32 s26, $0x9F  }
0xa9: {  	s0 =	sand.u32 @!p1 $0x1F, s29  }
0xaa: {  	p2 =	sne.s32 @!p1 s0, $0x0  }
0xab: {  	p2 =	por p2, p1  }
0xac: {  	s0 =	sand.u32 @!p2 $0x1, s5  }
0xad: {  	s0 =	sadd.s32 @!p2 $0x7, s0  }
0xae: {  	_ =	swait.ge @!p2 [sflag:s0], $0x400  }
0xaf: {  	[sflag:s0] =	ssyncset.done @!p2 $0x0  }
0xb0: {  	[sflag:s0] =	ssyncadd.s32 @!p2 $0xFFFFFC00  }
0xb1: {  	_ =	swait.ge @!p2 [sflag:s0], $0x400  }
0xb2: {  	[sflag:s0] =	ssyncset.done @!p2 $0x0  }
0xb3: {  	[sflag:s0] =	ssyncadd.s32 @!p2 $0xFFFFFC00  }
0xb4: {  	_ =	swait.ge @!p2 [sflag:s0], $0x400  }
0xb5: {  	[sflag:s0] =	ssyncset.done @!p2 $0x0  }
0xb6: {  	s13 =	sshll.u32 @!p1 s29, $0x5;
	[sflag:s0] =	ssyncadd.s32 @!p2 $0xFFFFFC00  }
0xb7: {  	s30 =	simm.s32 @!p1 $0x20;
	s5 =	sand.u32 @!p1 $0x1, s29;
	_ =	swait.ge @!p2 [sflag:s0], $0x400  }
0xb8: {  	s13 =	sand.u32 @!p1 $0x7E0, s13;
	s11 =	sshll.u32 @!p1 s5, $0xB;
	[sflag:s0] =	ssyncset.done @!p2 $0x0  }
0xb9: {  	s22 =	sadd.s32 @!p1 $0x1, s5;
	[sflag:s0] =	ssyncadd.s32 @!p2 $0xFFFFFC00;
	s0 =	sor.u32 @!p1 $0x2000, s11  }
0xba: {  	[tilespmem:s0], [sflag:s22] =	stream.indirect.gather @!p1 [hbm4b:s1+s30], $0x40, s13, s30, $0xb8;
	[tilespmem:$0x1C000] =	vst v63  }
0xbb: {  	s0 =	sor.u32 @!p1 $0x3000, s11;
	s11 =	sor.u32 @!p1 $0x1000, s13;
	s13 =	sadd.s32 @!p1 $0x3, s5  }
0xbc: {  	[tilespmem:s0], [sflag:s13] =	stream.indirect.gather @!p1 [hbm4b:s1+s30], $0x40, s11, s30, $0xb8;
	[tilespmem:$0x1C000] =	vst v63  }
0xbd: {  	s0 =	sshll.u32 @!p1 s29, $0xC  }
0xbe: {  	s22 =	simm.s32 @!p1 $0x0;
	s0 =	sadd.s32 @!p1 s17, s0  }
0xbf: {  	s11 =	sshll.u32 @!p1 s5, $0xC;
	s13 =	sand.u32 $0x1, s26;
	s0 =	sshrl.u32 @!p1 s0, $0x3  }
0xc0: {  	s5 =	sadd.s32 @!p1 $0x5, s5;
	s11 =	sor.u32 @!p1 $0x4000, s11;
	s0 =	sadd.s32 @!p1 s9, s0  }
0xc1: {  	[tilespmem:s11], [sflag:s5] =	stream.linear.gather @!p1 [hbm4b:s0+s22], $0x1000, $0x38;
	[tilespmem:$0x1C000] =	vst v63  }
0xc2: {  	s22 =	sadd.s32 $0x1, s13  }
0xc3: {  	s5 =	simm.s32 $0x1;
	_ =	swait.ge [sflag:s22], $0x800  }
0xc4: {  	s5 =	simm.s32 @!p0 $0x0;
	[sflag:s22] =	ssyncset.done $0x0  }
0xc5: {  	s11 =	sshll.u32 s5, $0xC;
	[sflag:s22] =	ssyncadd.s32 $0xFFFFF800;
	s22 =	sadd.s32 $0x3, s13  }
0xc6: {  	s11 =	sor.u32 $0x4070, s11;
	_ =	swait.ge [sflag:s22], $0x800  }
0xc7: {  	v1 =	vmov s11;
	[sflag:s22] =	ssyncset.done $0x0  }
0xc8: {  	[sflag:s22] =	ssyncadd.s32 $0xFFFFF800;
	s22 =	sadd.s32 $0x5, s13  }
0xc9: {  	_ =	swait.ge [sflag:s22], $0x1000  }
0xca: {  	[sflag:s22] =	ssyncset.done $0x0  }
0xcb: {  	s30 =	simm.s32 $0x0;
	s5 =	sshll.u32 s5, $0xB;
	[sflag:s22] =	ssyncadd.s32 $0xFFFFF000  }
0xcc: {  	s0 =	sor.u32 $0x2020, s5;
	v2 =	vld.idx.msk [tilespmem:v1+s30+$0xFFFFFF90 ss:$0x1], $0xffff  }
0xcd: {  	v3 =	vld [tilespmem:s0+$0xFFFFFFE0];
	_ =	sdelay $0x4  }
0xce: {  	v4 =	vunpack.i.u.bf16.f32 v3;
	v5 =	vunpack.i.u.bf16.f32 v2  }
0xcf: {  	v3 =	vunpack.i.l.bf16.f32 v3;
	v2 =	vunpack.i.l.bf16.f32 v2;
	v4 =	vmul.f32 v5, v4  }
0xd0: {  	v2 =	vmul.f32 v2, v3  }
0xd1: {  	[tilespmem:s30+$0x6010] =	vst v4  }
0xd2: {  	[tilespmem:s30+$0x6000] =	vst v2  }
0xd3: {  	s31 =	sor.u32 $0x3020, s5;
	v3 =	vld.idx.msk [tilespmem:v1+s30+$0xFFFFFFD0 ss:$0x1], $0xffff  }
0xd4: {  	s5 =	smov.u32 s0;
	s11 =	smov.u32 s31;
	s13 =	simm.s32 $0x200;
	v2 =	vld [tilespmem:s31+$0xFFFFFFE0]  }
.LBB2_5:
0xd5: {  	_ =	sdelay $0x2  }
0xd6: {  	p1 =	sne.s32 s13, $0x3E00;
	s31 =	sadd.s32 $0x40, s31;
	s0 =	sadd.s32 $0x40, s0  }
0xd7: {  	s22 =	smov.u32 s13;
	s13 =	sadd.s32 $0x200, s13;
	v5 =	vunpack.i.u.bf16.f32 v3;
	v3 =	vunpack.i.l.bf16.f32 v3;
	v4 =	vunpack.i.l.bf16.f32 v2  }
0xd8: {  	v2 =	vunpack.i.u.bf16.f32 v2;
	v3 =	vmul.f32 v3, v4  }
0xd9: {  	v2 =	vmul.f32 v5, v2  }
0xda: {  	[tilespmem:s30+$0x7000] =	vst v3  }
0xdb: {  	[tilespmem:s30+$0x7010] =	vst v2  }
0xdc: {  	v2 =	vld.idx.msk [tilespmem:v1+s30+$0xFFFFFFA0 ss:$0x1], $0xffff  }
0xdd: {  	v3 =	vld [tilespmem:s5+$0xFFFFFFF0];
	_ =	sdelay $0x3  }
0xde: {  	s22 =	sshra.s32 s22, $0x2  }
0xdf: {  	v5 =	vunpack.i.u.bf16.f32 v2;
	v2 =	vunpack.i.l.bf16.f32 v2;
	v4 =	vunpack.i.u.bf16.f32 v3  }
0xe0: {  	v4 =	vmul.f32 v5, v4  }
0xe1: {  	v3 =	vunpack.i.l.bf16.f32 v3  }
0xe2: {  	v2 =	vmul.f32 v2, v3  }
0xe3: {  	[tilespmem:s30+$0x6030] =	vst v4  }
0xe4: {  	[tilespmem:s30+$0x6020] =	vst v2  }
0xe5: {  	v2 =	vld.idx.msk [tilespmem:v1+s30+$0xFFFFFFE0 ss:$0x1], $0xffff  }
0xe6: {  	v3 =	vld [tilespmem:s11+$0xFFFFFFF0];
	_ =	sdelay $0x4  }
0xe7: {  	v5 =	vunpack.i.u.bf16.f32 v2;
	v2 =	vunpack.i.l.bf16.f32 v2;
	v4 =	vunpack.i.u.bf16.f32 v3  }
0xe8: {  	v4 =	vmul.f32 v5, v4  }
0xe9: {  	v3 =	vunpack.i.l.bf16.f32 v3  }
0xea: {  	v2 =	vmul.f32 v2, v3  }
0xeb: {  	[tilespmem:s30+$0x7030] =	vst v4  }
0xec: {  	[tilespmem:s30+$0x7020] =	vst v2  }
0xed: {  	v2 =	vld.idx.msk [tilespmem:v1+s30+$0xFFFFFFB0 ss:$0x1], $0xffff  }
0xee: {  	v3 =	vld [tilespmem:s5+$0x0];
	_ =	sdelay $0x4  }
0xef: {  	v5 =	vunpack.i.u.bf16.f32 v2;
	v2 =	vunpack.i.l.bf16.f32 v2;
	v4 =	vunpack.i.u.bf16.f32 v3  }
0xf0: {  	v3 =	vunpack.i.l.bf16.f32 v3;
	v4 =	vmul.f32 v5, v4  }
0xf1: {  	v2 =	vmul.f32 v2, v3  }
0xf2: {  	[tilespmem:s30+$0x6050] =	vst v4  }
0xf3: {  	[tilespmem:s30+$0x6040] =	vst v2  }
0xf4: {  	v2 =	vld.idx.msk [tilespmem:v1+s30+$0xFFFFFFF0 ss:$0x1], $0xffff  }
0xf5: {  	v3 =	vld [tilespmem:s11+$0x0];
	_ =	sdelay $0x4  }
0xf6: {  	v5 =	vunpack.i.u.bf16.f32 v2;
	v2 =	vunpack.i.l.bf16.f32 v2;
	v4 =	vunpack.i.l.bf16.f32 v3  }
0xf7: {  	v3 =	vunpack.i.u.bf16.f32 v3;
	v2 =	vmul.f32 v2, v4  }
0xf8: {  	v3 =	vmul.f32 v5, v3  }
0xf9: {  	[tilespmem:s30+$0x7040] =	vst v2  }
0xfa: {  	[tilespmem:s30+$0x7050] =	vst v3  }
0xfb: {  	v2 =	vld.idx.msk [tilespmem:v1+s30+$0xFFFFFFC0 ss:$0x1], $0xffff  }
0xfc: {  	v3 =	vld [tilespmem:s5+$0x10];
	s5 =	smov.u32 s0;
	_ =	sdelay $0x4  }
0xfd: {  	v5 =	vunpack.i.u.bf16.f32 v2;
	v2 =	vunpack.i.l.bf16.f32 v2;
	v4 =	vunpack.i.u.bf16.f32 v3  }
0xfe: {  	v3 =	vunpack.i.l.bf16.f32 v3;
	v4 =	vmul.f32 v5, v4  }
0xff: {  	v2 =	vmul.f32 v2, v3;
	_ =	sdelay $0x1  }
0x100: {  	[tilespmem:s30+$0x6070] =	vst v4  }
0x101: {  	[tilespmem:s30+$0x6060] =	vst v2  }
0x102: {  	v2 =	vld.idx.msk [tilespmem:v1+s30+$0x0 ss:$0x1], $0xffff  }
0x103: {  	v3 =	vld [tilespmem:s11+$0x10];
	s11 =	smov.u32 s31;
	_ =	sdelay $0x4  }
0x104: {  	v5 =	vunpack.i.u.bf16.f32 v2;
	v2 =	vunpack.i.l.bf16.f32 v2;
	v4 =	vunpack.i.u.bf16.f32 v3  }
0x105: {  	v3 =	vunpack.i.l.bf16.f32 v3;
	v4 =	vmul.f32 v5, v4  }
0x106: {  	v2 =	vmul.f32 v2, v3  }
0x107: {  	[tilespmem:s30+$0x7070] =	vst v4  }
0x108: {  	[tilespmem:s30+$0x7060] =	vst v2;
	s30 =	smov.u32 s22  }
0x109: {  	v2 =	vld.idx.msk [tilespmem:v1+s30+$0xFFFFFF90 ss:$0x1], $0xffff  }
0x10a: {  	v3 =	vld [tilespmem:s0+$0xFFFFFFE0];
	_ =	sdelay $0x4  }
0x10b: {  	v5 =	vunpack.i.u.bf16.f32 v2;
	v4 =	vunpack.i.u.bf16.f32 v3;
	v3 =	vunpack.i.l.bf16.f32 v3  }
0x10c: {  	v2 =	vunpack.i.l.bf16.f32 v2;
	v4 =	vmul.f32 v5, v4  }
.Ltmp1:
0x10d: {  	v2 =	vmul.f32 v2, v3;
	(pc) =	sbr.rel @p1 .LBB2_5-.Ltmp1, $4  }
0x10e: {  	[tilespmem:s30+$0x6010] =	vst v4  }
0x10f: {  	[tilespmem:s30+$0x6000] =	vst v2  }
0x110: {  	v3 =	vld.idx.msk [tilespmem:v1+s30+$0xFFFFFFD0 ss:$0x1], $0xffff  }
0x111: {  	v2 =	vld [tilespmem:s31+$0xFFFFFFE0]  }
0x112: {  	_ =	sdelay $0x3  }
0x113: {  	v5 =	vunpack.i.l.bf16.f32 v3;
	v4 =	vunpack.i.l.bf16.f32 v2  }
0x114: {  	v3 =	vunpack.i.u.bf16.f32 v3;
	v2 =	vunpack.i.u.bf16.f32 v2;
	v4 =	vmul.f32 v5, v4  }
0x115: {  	v2 =	vmul.f32 v3, v2  }
0x116: {  	[tilespmem:s30+$0x7000] =	vst v4  }
0x117: {  	[tilespmem:s30+$0x7010] =	vst v2  }
0x118: {  	v2 =	vld.idx.msk [tilespmem:v1+s30+$0xFFFFFFA0 ss:$0x1], $0xffff  }
0x119: {  	v3 =	vld [tilespmem:s5+$0xFFFFFFF0];
	_ =	sdelay $0x4  }
0x11a: {  	v53 =	vunpack.i.u.bf16.f32 v3;
	v54 =	vunpack.i.u.bf16.f32 v2  }
0x11b: {  	v2 =	vunpack.i.l.bf16.f32 v2;
	v3 =	vunpack.i.l.bf16.f32 v3;
	v4 =	vmul.f32 v54, v53  }
0x11c: {  	v2 =	vmul.f32 v2, v3  }
0x11d: {  	[tilespmem:s30+$0x6030] =	vst v4  }
0x11e: {  	[tilespmem:s30+$0x6020] =	vst v2  }
0x11f: {  	v2 =	vld.idx.msk [tilespmem:v1+s30+$0xFFFFFFE0 ss:$0x1], $0xffff  }
0x120: {  	v3 =	vld [tilespmem:s11+$0xFFFFFFF0];
	_ =	sdelay $0x4  }
0x121: {  	v55 =	vunpack.i.u.bf16.f32 v3;
	v56 =	vunpack.i.u.bf16.f32 v2  }
0x122: {  	v2 =	vunpack.i.l.bf16.f32 v2;
	v3 =	vunpack.i.l.bf16.f32 v3;
	v4 =	vmul.f32 v56, v55  }
0x123: {  	v2 =	vmul.f32 v2, v3  }
0x124: {  	[tilespmem:s30+$0x7030] =	vst v4  }
0x125: {  	[tilespmem:s30+$0x7020] =	vst v2  }
0x126: {  	v2 =	vld.idx.msk [tilespmem:v1+s30+$0xFFFFFFB0 ss:$0x1], $0xffff  }
0x127: {  	v3 =	vld [tilespmem:s5+$0x0];
	_ =	sdelay $0x4  }
0x128: {  	v57 =	vunpack.i.u.bf16.f32 v3;
	v58 =	vunpack.i.u.bf16.f32 v2  }
0x129: {  	v2 =	vunpack.i.l.bf16.f32 v2;
	v3 =	vunpack.i.l.bf16.f32 v3;
	v4 =	vmul.f32 v58, v57  }
0x12a: {  	v2 =	vmul.f32 v2, v3  }
0x12b: {  	[tilespmem:s30+$0x6050] =	vst v4  }
0x12c: {  	[tilespmem:s30+$0x6040] =	vst v2  }
0x12d: {  	v2 =	vld.idx.msk [tilespmem:v1+s30+$0xFFFFFFF0 ss:$0x1], $0xffff  }
0x12e: {  	v3 =	vld [tilespmem:s11+$0x0];
	_ =	sdelay $0x4  }
0x12f: {  	v59 =	vunpack.i.l.bf16.f32 v3;
	v60 =	vunpack.i.l.bf16.f32 v2  }
0x130: {  	v2 =	vunpack.i.u.bf16.f32 v2;
	v3 =	vunpack.i.u.bf16.f32 v3;
	v4 =	vmul.f32 v60, v59  }
0x131: {  	v2 =	vmul.f32 v2, v3  }
0x132: {  	[tilespmem:s30+$0x7040] =	vst v4  }
0x133: {  	[tilespmem:s30+$0x7050] =	vst v2  }
0x134: {  	v2 =	vld.idx.msk [tilespmem:v1+s30+$0xFFFFFFC0 ss:$0x1], $0xffff  }
0x135: {  	v3 =	vld [tilespmem:s5+$0x10];
	_ =	sdelay $0x4  }
0x136: {  	v61 =	vunpack.i.u.bf16.f32 v3;
	v62 =	vunpack.i.u.bf16.f32 v2  }
0x137: {  	v2 =	vunpack.i.l.bf16.f32 v2;
	v3 =	vunpack.i.l.bf16.f32 v3;
	v4 =	vmul.f32 v62, v61  }
0x138: {  	v2 =	vmul.f32 v2, v3  }
0x139: {  	[tilespmem:s30+$0x6070] =	vst v4  }
0x13a: {  	[tilespmem:s30+$0x6060] =	vst v2  }
0x13b: {  	v1 =	vld.idx.msk [tilespmem:v1+s30+$0x0 ss:$0x1], $0xffff  }
0x13c: {  	v2 =	vld [tilespmem:s11+$0x10];
	_ =	sdelay $0x4  }
0x13d: {  	v3 =	vunpack.i.u.bf16.f32 v2;
	v63 =	vunpack.i.u.bf16.f32 v1  }
0x13e: {  	s0 =	sshll.u32 s26, $0x5;
	s31 =	sshll.u32 s28, $0xA;
	v1 =	vunpack.i.l.bf16.f32 v1;
	v2 =	vunpack.i.l.bf16.f32 v2;
	v3 =	vmul.f32 v63, v3  }
0x13f: {  	s0 =	sand.u32 $0x3E0, s0;
	s5 =	sand.u32 $0x400, s31;
	v1 =	vmul.f32 v1, v2  }
0x140: {  	s0 =	sor.u32 s0, s5;
	[tilespmem:s30+$0x7070] =	vst v3  }
0x141: {  	s5 =	sor.u32 $0x800, s0;
	[tilespmem:s30+$0x7060] =	vst v1  }
0x142: {  	[spmem:s2] =	stream.indirect.scatter.add.f32 [tilespmem:s20], [sflag:$0x9], $0x80, s5, s24, $0xb8;
	[tilespmem:$0x1C000] =	vst v63  }
0x143: {  	_ =	swait.ge [sflag:s21], $0x1000  }
0x144: {  	p1 =	sne.s32 s29, $0xA0;
	[sflag:s21] =	ssyncset.done $0x0  }
.Ltmp2:
0x145: {  	s0 =	sor.u32 $0x1800, s0;
	[sflag:s21] =	ssyncadd.s32 $0xFFFFF000;
	(pc) =	sbr.rel @p1 .LBB2_4-.Ltmp2, $4  }
0x146: {  	[spmem:s2] =	stream.indirect.scatter.add.f32 [tilespmem:s25], [sflag:$0x9], $0x80, s0, s24, $0xb8;
	[tilespmem:$0x1C000] =	vst v63  }
0x147: {  	_ =	swait.ge [sflag:s21], $0x1000  }
0x148: {  	[sflag:s21] =	ssyncset.done $0x0  }
0x149: {  	p0 =	por !p0, !p0;
	s26 =	smov.u32 s29;
	[sflag:s21] =	ssyncadd.s32 $0xFFFFF000  }
0x14a: {  	s0 =	stileid.u32;
	[bflag:$0x0] =	sbarrier.arrive $0xFFFF  }
0x14b: {  	s0 =	sshll.u32 s0, $0x6;
	s5 =	rddreg [dreg:$0xe]  }
0x14c: {  	s11 =	rddreg [dreg:$0x10];
	s0 =	sor.u32 $0x1C09, s0  }
0x14d: {  	[hbm:s5], [sflag:s0] =	dma.local [spmem:s11], $0x2800  }
0x14e: {  	_ =	swait.ge [sflag:s21], $0x2800  }
0x14f: {  	s3 =	sadd.s32 $0x1, s3;
	s31 =	rddreg [dreg:$0x9]  }
0x150: {  	p0 =	sne.s32 s3, s31  }
.Ltmp3:
0x151: {  	_ = 	snop;
	(pc) =	sbr.rel @p0 .LBB2_1-.Ltmp3, $3  }
0x152: {  	_ =	sdelay $0x1  }
0x153: {  	[sflag:s21] =	ssyncset.done $0x0  }
0x154: {  	[sflag:s21] =	ssyncadd.s32 $0xFFFFD800  }
0x155: {  	_ =	sfence.sel $0x180000  }
0x156: {  	[bflag:$0x0] =	sbarrier.arrive $0xFFFF  }
0x157: {  	_ =	strace $0x9000004A  }
0x158: {  	s0 =	stileid.u32;
	[bflag:$0x2] =	sbarrier.arrive $0xFFFF  }
0x159: {  	p0 =	sne.s32 s0, $0x0;
	s0 =	rddreg [dreg:$0x3]  }
0x15a: {  	s0 =	sadd.s32 @!p0 $0x100000, s0  }
0x15b: {  	[sflag:s0] =	ssyncadd.tile.s32 @!p0 $0x1;
	_ =	shalt  }
.Lfunc_end2:
_tile_overlayer_lowered:
.L_overlay_start_2:
0x15c: {  	(tag) =	ssettag $0x2  }
0x15d: {  	s0 =	rddreg [dreg:$0x0];
	s2 =	stileid.u32  }
0x15e: {  	s1 =	rddreg [dreg:$0x1];
	p0 =	sne.s32 s2, $0x0  }
0x15f: {  	s3 =	rddreg [dreg:$0x2];
	[bflag:$0x3] =	sbarrier.arrive $0xFFFF;
	s2 =	simm.s32 @!p0 $0x1C09  }
0x160: {  	[timem:s3], [sflag:s2] =	dma.local @!p0 [hbm:s0], s1  }
0x161: {  	s0 =	simm.s32 @!p0 $0x9  }
0x162: {  	_ =	swait.ge @!p0 [sflag:s0], s1  }
0x163: {  	s1 =	ssub.s32 @!p0 $0x0, s1;
	[sflag:s0] =	ssyncset.done @!p0 $0x0  }
0x164: {  	[sflag:s0] =	ssyncadd.s32 @!p0 s1  }
0x165: {  	[bflag:$0x3] =	sbarrier.arrive $0xFFFF  }
0x166: {  	_ =	shalt  }

// kernel: kernel.7.cloned.1.call-start
scs
__scs_entry_jumppad:
0x0: {  	(pc) =	sbr.rel $0x88, $3  }
0x1: {  	(tag) =	ssettag $0x0;
	lr =	simm.s32 $0x1  }
0x2: {  	[smem:$0x3F95] =	sst lr;
	_ =	strace $0xD0000000  }
0x3: {  	_ = 	snop  }
0x4: {  	_ = 	snop  }
0x5: {  	_ = 	snop  }
0x6: {  	_ = 	snop  }
0x7: {  	_ = 	snop  }
__scs_overlays_trampoline_lowered:
0x8: {  	[smem:$0x3FA4] =	sst s0  }
0x9: {  	[smem:$0x3FA5] =	sst s1  }
0xa: {  	[smem:$0x3FA6] =	sst s2  }
0xb: {  	[smem:$0x3FA7] =	sst s3  }
0xc: {  	[smem:$0x3FA8] =	sst s4  }
0xd: {  	[smem:$0x3FA9] =	sst s5  }
0xe: {  	[smem:$0x3FAA] =	sst s6  }
0xf: {  	[smem:$0x3FAB] =	sst s7  }
0x10: {  	[smem:$0x3FAC] =	sst s8  }
0x11: {  	[smem:$0x3FAD] =	sst s9;
	s0 =	simm.s32 @!p0 $0x0  }
0x12: {  	s1 =	sld [smem:$0x3F93];
	s0 =	simm.s32 @p0 $0x1  }
0x13: {  	[smem:$0x3FAE] =	sst s0;
	s0 =	simm.s32 @!p1 $0x0  }
0x14: {  	s2 =	sld [smem:$0x3F92];
	s0 =	simm.s32 @p1 $0x1  }
0x15: {  	[smem:$0x3FAF] =	sst s0;
	s0 =	simm.s32 @!p2 $0x0  }
0x16: {  	s3 =	sld [smem:$0x3FDB];
	s0 =	simm.s32 @p2 $0x1  }
0x17: {  	s4 =	simm.s32 $0x1BF5;
	[smem:$0x3FB1] =	sst s0  }
0x18: {  	s0 =	sld [smem:$0x3F94];
	_ =	swait.ge [sflag:s4], $0x0  }
0x19: {  	s7 =	sld [smem:$0x3F95]  }
0x1a: {  	s8 =	sadd.s32 $0xFFFFE003, lr  }
0x1b: {  	s9 =	sadd.s32 $0xFFFFFEF7, lr;
	s5 =	simm.s32 $0xFFFFFFFF;
	p2 =	slt.u32 s8, $0xFFFFF086  }
0x1c: {  	p1 =	slt.u32 s9, $0xF7A;
	s5 =	simm.s32 @!p2 $0x0  }
0x1d: {  	s5 =	simm.s32 @p1 $0x1;
	p0 =	seq.s32 s7, s2  }
0x1e: {  	s7 =	smul.u32 @!p0 $0xF7A, s2;
	p2 =	seq.s32 @!p0 s5, $0x0  }
0x1f: {  	s9 =	smul.u32 $0xF7A, s1;
	s8 =	simm.s32 @!p0 $0x1BF5;
	p2 =	por !p2, p0  }
0x20: {  	[sflag:s8] =	ssyncset.s32 @!p0 $0xFFFFF086;
	s6 =	sadd.s32 @!p0 s3, s7;
	s7 =	simm.s32 @!p0 $0x108  }
0x21: {  	s3 =	sadd.s32 s3, s9;
	s6 =	sadd.s32 @!p0 $0x88, s6;
	s7 =	simm.s32 @p2 $0x1082  }
0x22: {  	[simem:s7], [sflag:s8] =	dma.local @!p0 [hbm:s6], $0xF7A  }
0x23: {  	s9 =	sor.u32 $0xD0000000, s2;
	s6 =	simm.s32 $0x108;
	_ =	swait.ge @!p0 [sflag:s8], $0x0  }
0x24: {  	s3 =	sadd.s32 $0x88, s3;
	s6 =	simm.s32 @!p1 $0x1082;
	[sflag:s4] =	ssyncset.s32 $0xFFFFF086  }
0x25: {  	[simem:s6], [sflag:s4] =	dma.local [hbm:s3], $0xF7A  }
0x26: {  	[smem:$0x3F95] =	sst s1;
	(tag) =	ssettag s2;
	_ =	strace s9  }
0x27: {  	s1 =	sld [smem:$0x3FA5]  }
0x28: {  	s2 =	sld [smem:$0x3FA6]  }
0x29: {  	s4 =	sld [smem:$0x3FA8]  }
0x2a: {  	p0 =	seq.s32 s5, $0x0;
	s5 =	sld [smem:$0x3FA9]  }
0x2b: {  	s6 =	sld [smem:$0x3FAA]  }
0x2c: {  	s7 =	sld [smem:$0x3FAB]  }
0x2d: {  	s3 =	simm.s32 $0x108;
	s8 =	sld [smem:$0x3FAC]  }
0x2e: {  	s3 =	simm.s32 @!p0 $0x1082;
	s9 =	sld [smem:$0x3FAD]  }
0x2f: {  	lr =	sadd.s32 s0, s3;
	s0 =	sld [smem:$0x3FA4]  }
0x30: {  	s3 =	sld [smem:$0x3FA7]  }
0x31: {  	[smem:$0x3FB0] =	sst s10  }
0x32: {  	s10 =	sld [smem:$0x3FAE];
	_ =	sdelay $0x3  }
0x33: {  	p0 =	seq.s32 s10, $0x1;
	s10 =	sld [smem:$0x3FB0];
	_ =	sdelay $0x3  }
0x34: {  	[smem:$0x3FB0] =	sst s10  }
0x35: {  	s10 =	sld [smem:$0x3FAF];
	_ =	sdelay $0x3  }
0x36: {  	p1 =	seq.s32 s10, $0x1;
	s10 =	sld [smem:$0x3FB0];
	_ =	sdelay $0x3  }
0x37: {  	[smem:$0x3FB0] =	sst s10  }
0x38: {  	s10 =	sld [smem:$0x3FB1]  }
0x39: {  	_ = 	snop;
	(pc) =	sbr.ind lr, $3  }
0x3a: {  	_ = 	snop  }
0x3b: {  	_ = 	snop  }
0x3c: {  	p2 =	seq.s32 s10, $0x1;
	s10 =	sld [smem:$0x3FB0]  }
0x3d: {  	_ =	shalt  }
0x3e: {  	_ =	shalt  }
0x3f: {  	_ =	shalt  }
0x40: {  	_ =	shalt  }
0x41: {  	_ =	shalt  }
0x42: {  	_ =	shalt  }
0x43: {  	_ =	shalt  }
0x44: {  	_ =	shalt  }
0x45: {  	_ =	shalt  }
0x46: {  	_ =	shalt  }
0x47: {  	_ =	shalt  }
0x48: {  	_ =	shalt  }
0x49: {  	_ =	shalt  }
0x4a: {  	_ =	shalt  }
0x4b: {  	_ =	shalt  }
0x4c: {  	_ =	shalt  }
0x4d: {  	_ =	shalt  }
0x4e: {  	_ =	shalt  }
0x4f: {  	_ =	shalt  }
0x50: {  	_ =	shalt  }
0x51: {  	_ =	shalt  }
0x52: {  	_ =	shalt  }
0x53: {  	_ =	shalt  }
0x54: {  	_ =	shalt  }
0x55: {  	_ =	shalt  }
0x56: {  	_ =	shalt  }
0x57: {  	_ =	shalt  }
0x58: {  	_ =	shalt  }
0x59: {  	_ =	shalt  }
0x5a: {  	_ =	shalt  }
0x5b: {  	_ =	shalt  }
0x5c: {  	_ =	shalt  }
0x5d: {  	_ =	shalt  }
0x5e: {  	_ =	shalt  }
0x5f: {  	_ =	shalt  }
0x60: {  	_ =	shalt  }
0x61: {  	_ =	shalt  }
0x62: {  	_ =	shalt  }
0x63: {  	_ =	shalt  }
0x64: {  	_ =	shalt  }
0x65: {  	_ =	shalt  }
0x66: {  	_ =	shalt  }
0x67: {  	_ =	shalt  }
0x68: {  	_ =	shalt  }
0x69: {  	_ =	shalt  }
0x6a: {  	_ =	shalt  }
0x6b: {  	_ =	shalt  }
0x6c: {  	_ =	shalt  }
0x6d: {  	_ =	shalt  }
0x6e: {  	_ =	shalt  }
0x6f: {  	_ =	shalt  }
0x70: {  	_ =	shalt  }
0x71: {  	_ =	shalt  }
0x72: {  	_ =	shalt  }
0x73: {  	_ =	shalt  }
0x74: {  	_ =	shalt  }
0x75: {  	_ =	shalt  }
0x76: {  	_ =	shalt  }
0x77: {  	_ =	shalt  }
0x78: {  	_ =	shalt  }
0x79: {  	_ =	shalt  }
0x7a: {  	_ =	shalt  }
0x7b: {  	_ =	shalt  }
0x7c: {  	_ =	shalt  }
0x7d: {  	_ =	shalt  }
0x7e: {  	_ =	shalt  }
0x7f: {  	_ =	shalt  }
0x80: {  	_ =	shalt  }
0x81: {  	_ =	shalt  }
0x82: {  	_ =	shalt  }
0x83: {  	_ =	shalt  }
0x84: {  	_ =	shalt  }
0x85: {  	_ =	shalt  }
0x86: {  	_ =	shalt  }
0x87: {  	_ =	shalt  }
.Lfunc_end0:
.L_simem_size_0:
called_computation_lowered:
.L_overlay_start_0:
0x88: {  	s2 =	sld [smem:$0x3FD9]  }
0x89: {  	s3 =	sld [smem:$0x3FFE];
	_ =	sdelay $0x1  }
0x8a: {  	s1 =	srdreg.scid  }
0x8b: {  	s0 =	sand.u32 $0x1, s1  }
0x8c: {  	s16 =	sshll.u32 s0, $0xA;
	s2 =	sadd.s32 s3, s2  }
0x8d: {  	s2 =	sadd.s32 s2, s16  }
0x8e: {  	[smem:$0x3FBC] =	sst s2  }
0x8f: {  	_ = 	snop  }
0x90: {  	(tm) =	ssettm $0x1  }
0x91: {  	s17 =	sld [smem:$0x3FFB];
	_ =	sdelay $0x3  }
0x92: {  	_ =	strace s17  }
0x93: {  	s2 =	sld [smem:$0x3FFC];
	_ =	sdelay $0x3  }
0x94: {  	_ =	strace s2  }
0x95: {  	s2 =	sld [smem:$0x3FFD];
	_ =	sdelay $0x3  }
0x96: {  	_ =	strace s2  }
0x97: {  	_ =	strace $0x8FFFFFFF  }
0x98: {  	s18 =	sld [smem:$0x3FDB];
	_ =	sdelay $0x1  }
0x99: {  	s19 =	simm.s32 $_scs_section_size  }
0x9a: {  	s4 =	simm.s32 $_size__tile_overlayer_lowered;
	s5 =	simm.s32 $_tile_overlayer_lowered  }
0x9b: {  	s22 =	simm.s32 $0x1BFF;
	s21 =	sshll.u32 s5, $0x1;
	s2 =	sadd.s32 s19, s18  }
0x9c: {  	s6 =	simm.s32 $0x0;
	s20 =	sshll.u32 s4, $0x1;
	s4 =	sadd.s32 s21, s2  }
0x9d: {  	[timem:s6], [sflag:s22] =	dma.local [hbm:s4], s20  }
0x9e: {  	_ =	swait.ge [sflag:s22], s20  }
0x9f: {  	s3 =	ssub.s32 $0x0, s20;
	[sflag:s22] =	ssyncset.done $0x0  }
0xa0: {  	[sflag:s22] =	ssyncadd.s32 s3;
	_ =	sdelay $0x1  }
0xa1: {  	s23 =	simm.s32 $0x1B8B  }
0xa2: {  	_ =	swait.ge [sflag:s23], $0x1  }
0xa3: {  	[sflag:s23] =	ssyncset.done $0x0  }
0xa4: {  	s25 =	simm.s32 $0x1B8E;
	s24 =	sld [smem:$0x3FFE];
	[sflag:s23] =	ssyncadd.s32 $0xFFFFFFFF  }
0xa5: {  	s26 =	simm.s32 $execute0_lowered;
	[smem:$0x3FD2] =	sst s25  }
0xa6: {  	s4 =	sshll.u32 s26, $0x1;
	_ =	strace $0x80000046;
	[dreg:$0x1] =	wrdreg $0xFFFFFFFF  }
0xa7: {  	s28 =	simm.s32 $_size_execute0_lowered;
	s2 =	sadd.s32 s2, s4;
	[dreg:$0x0] =	wrdreg $0x0  }
0xa8: {  	s4 =	sshll.u32 s28, $0x1;
	[dreg:$0x2] =	wrdreg s2  }
0xa9: {  	[dreg:$0x3] =	wrdreg s4  }
0xaa: {  	[dreg:$0x4] =	wrdreg $0xC0  }
0xab: {  	_ =	task [dreg:s6], $0x5FFFF  }
0xac: {  	[dreg:$0x1] =	wrdreg $0xFFFFFFFF  }
0xad: {  	[dreg:$0x0] =	wrdreg $0x60  }
0xae: {  	[dreg:$0x2] =	wrdreg s24  }
0xaf: {  	[dreg:$0x3] =	wrdreg $0x78000  }
0xb0: {  	[dreg:$0x4] =	wrdreg $0x9  }
0xb1: {  	_ =	task.clear_ibuf [dreg:s6], $0x5FFFF;
	_ =	strace $0x90000046  }
0xb2: {  	s29 =	simm.s32 $0x9;
	_ =	strace $0x80000048  }
0xb3: {  	_ =	swait.ge [sflag:s29], $0x1  }
0xb4: {  	[sflag:s29] =	ssyncadd.s32 $0xFFFFFFFF  }
0xb5: {  	_ =	strace $0x90000048  }
0xb6: {  	_ =	sfence  }
0xb7: {  	s30 =	sld [smem:$0x0];
	_ =	sdelay $0x2  }
0xb8: {  	s31 =	sshll.u32 s1, $0xD;
	s1 =	sshrl.u32 s1, $0x2  }
0xb9: {  	s3 =	sand.u32 $0x4000, s31;
	s1 =	sadd.s32 s1, s30  }
0xba: {  	s0 =	sor.u32 s3, s0;
	s1 =	sshll.u32 s1, $0x11  }
0xbb: {  	s0 =	sor.u32 s1, s0  }
0xbc: {  	s0 =	sadd.s32 $0x8F2B, s0  }
0xbd: {  	[sflag:s0] =	ssyncadd.remote.s32 $0x1  }
0xbe: {  	_ =	sfence.sel $0xFFFF  }
0xbf: {  	[dreg:$0x0] =	wrdreg $0xFFFFFFFF;
	(pc) =	sbr.abs _section_cstart, $3  }
0xc0: {  	[dreg:$0x1] =	wrdreg $0xFFFFFFFF  }
0xc1: {  	_ =	task.clear_ibuf [dreg:s6], $0x2FFFF;
	_ =	strace $0x9FFFFFFF  }
0xc2: {  	(tm) =	ssettm $0x7FFFFFFF  }
0xc3: {  	_ =	shalt  }
tec
execute0_lowered:
.L_overlay_start_1:
0x0: {  	(tag) =	ssettag $0x1  }
0x1: {  	s15 =	rddreg [dreg:$0x0]  }
0x2: {  	s1 =	rddreg [dreg:$0x1];
	s2 =	srdreg.scid;
	s3 =	simm.s32 $0x0  }
0x3: {  	s0 =	stileid.u32;
	s17 =	simm.s32 $0xBCE00;
	s18 =	simm.s32 $0x5000  }
0x4: {  	s19 =	simm.s32 $0x80;
	s21 =	simm.s32 $0x7000;
	s23 =	simm.s32 $0x0  }
0x5: {  	s10 =	sand.u32 $0x1, s2;
	[smem:$0x7FF] =	sst s3;
	s11 =	smul.u32 $0xA000, s0  }
0x6: {  	s13 =	smul.u32 $0x2800, s0;
	s4 =	sshll.u32 s10, $0x4;
	_ =	strace $0x80000047  }
0x7: {  	s7 =	ssub.s32 $0x2, s10;
	p0 =	seq.s32 s10, $0x1;
	s5 =	sor.u32 s0, s4  }
0x8: {  	s4 =	sadd.s32 $0x3E00, s15;
	s9 =	sshrl.u32 s7, $0x1;
	s31 =	sshrl.u32 s11, $0x2  }
0x9: {  	s16 =	sshrl.u32 s13, $0x3;
	s22 =	sadd.s32 s13, s1;
	s6 =	smul.u32 $0x500, s5  }
0xa: {  	s17 =	simm.s32 @!p0 $0xC1E00;
	s5 =	smul.u32 $0x50, s5;
	s12 =	ssub.s32 s7, s9  }
0xb: {  	s9 =	sadd.s32 s31, s1;
	s22 =	sshrl.u32 s22, $0x3;
	s10 =	smax.u32 s12, $0x1  }
0xc: {  	s11 =	sadd.s32 $0x800, s9;
	s12 =	sadd.s32 $0x1000, s9;
	s13 =	sadd.s32 $0x1800, s9  }
0xd: {  	s14 =	sadd.s32 $0x2000, s9;
	s8 =	sadd.s32 s6, s15;
	s6 =	sadd.s32 $0x1CE00, s15  }
0xe: {  	s15 =	sadd.s32 s17, s15;
	s17 =	simm.s32 $0x2800;
	s7 =	sadd.s32 $0x12E00, s8  }
0xf: {  	v0 =	vimm.f32 $1.000000000e+00;
	v1 =	vimm.f32 $0.0e+00;
	s8 =	sadd.s32 $0x8E00, s8;
	s15 =	sadd.s32 s15, s16;
	s16 =	simm.s32 $0x5  }
.LBB2_1:
0x10: {  	[tilespmem:s3], [sflag:$0x5] =	stream.linear.gather [hbm4b:s7+s3], $0x2800, $0x38;
	[tilespmem:$0xA000] =	vst v63  }
0x11: {  	_ =	swait.ge [sflag:s16], $0x2800  }
0x12: {  	[sflag:s16] =	ssyncset.done $0x0  }
0x13: {  	[sflag:s16] =	ssyncadd.s32 $0xFFFFD800  }
0x14: {  	[tilespmem:s17], [sflag:$0x5] =	stream.linear.gather [hbm4b:s8+s3], $0x2800, $0x38;
	[tilespmem:$0xA000] =	vst v63  }
0x15: {  	_ =	swait.ge [sflag:s16], $0x2800  }
0x16: {  	[sflag:s16] =	ssyncset.done $0x0  }
0x17: {  	s24 =	simm.s32 $0x40;
	s25 =	simm.s32 $0x0;
	[sflag:s16] =	ssyncadd.s32 $0xFFFFD800  }
.LBB2_2:
0x18: {  	p0 =	sne.s32 s24, $0x1FC0;
	[tilespmem:s25+$0x7000] =	vst v0;
	s26 =	smov.u32 s24;
	s24 =	sadd.s32 $0x40, s24  }
.Ltmp0:
0x19: {  	[tilespmem:s25+$0x5000] =	vst v1;
	(pc) =	sbr.rel @p0 .LBB2_2-.Ltmp0, $2  }
0x1a: {  	_ =	sdelay $0x2  }
0x1b: {  	s25 =	sshra.s32 s26, $0x2  }
0x1c: {  	[tilespmem:s25+$0x7000] =	vst v0  }
0x1d: {  	[tilespmem:s25+$0x5000] =	vst v1  }
0x1e: {  	[spmem:s9] =	stream.linear.scatter [tilespmem:s18], [sflag:$0x5], $0x800, $0x38;
	[tilespmem:$0xA000] =	vst v63  }
0x1f: {  	_ =	swait.ge [sflag:s16], $0x800  }
0x20: {  	[sflag:s16] =	ssyncset.done $0x0  }
0x21: {  	[sflag:s16] =	ssyncadd.s32 $0xFFFFF800  }
0x22: {  	[spmem:s11] =	stream.linear.scatter [tilespmem:s18], [sflag:$0x5], $0x800, $0x38;
	[tilespmem:$0xA000] =	vst v63  }
0x23: {  	_ =	swait.ge [sflag:s16], $0x800  }
0x24: {  	[sflag:s16] =	ssyncset.done $0x0  }
0x25: {  	[sflag:s16] =	ssyncadd.s32 $0xFFFFF800  }
0x26: {  	[spmem:s12] =	stream.linear.scatter [tilespmem:s18], [sflag:$0x5], $0x800, $0x38;
	[tilespmem:$0xA000] =	vst v63  }
0x27: {  	_ =	swait.ge [sflag:s16], $0x800  }
0x28: {  	[sflag:s16] =	ssyncset.done $0x0  }
0x29: {  	[sflag:s16] =	ssyncadd.s32 $0xFFFFF800  }
0x2a: {  	[spmem:s13] =	stream.linear.scatter [tilespmem:s18], [sflag:$0x5], $0x800, $0x38;
	[tilespmem:$0xA000] =	vst v63  }
0x2b: {  	_ =	swait.ge [sflag:s16], $0x800  }
0x2c: {  	[sflag:s16] =	ssyncset.done $0x0  }
0x2d: {  	[sflag:s16] =	ssyncadd.s32 $0xFFFFF800  }
0x2e: {  	[spmem:s14] =	stream.linear.scatter [tilespmem:s18], [sflag:$0x5], $0x800, $0x38;
	[tilespmem:$0xA000] =	vst v63  }
0x2f: {  	_ =	swait.ge [sflag:s16], $0x800  }
0x30: {  	[sflag:s16] =	ssyncset.done $0x0  }
0x31: {  	[sflag:s16] =	ssyncadd.s32 $0xFFFFF800  }
0x32: {  	s25 =	simm.s32 $0x0;
	[bflag:$0x0] =	sbarrier.arrive $0xFFFF  }
0x33: {  	[tilespmem:s18], [sflag:$0x1] =	stream.indirect.gather [hbm4b:s4+s19], $0x10, s25, s19, $0xb8;
	[tilespmem:$0xA000] =	vst v63  }
0x34: {  	s0 =	simm.s32 $0x6000;
	p0 =	por $0x0, $0x0  }
0x35: {  	[tilespmem:s0], [sflag:$0x3] =	stream.indirect.gather [hbm4b:s4+s19], $0x10, s17, s19, $0xb8;
	[tilespmem:$0xA000] =	vst v63  }
.LBB2_4:
0x36: {  	s24 =	sadd.s32 $0x1, s25;
	p1 =	seq.s32 s25, $0x4F  }
0x37: {  	s29 =	simm.s32 $0x1;
	s26 =	sand.u32 $0x1, s25;
	s28 =	sand.u32 @!p1 $0x1, s24  }
0x38: {  	s29 =	simm.s32 @!p0 $0x0;
	s0 =	sshll.u32 @!p1 s24, $0x7;
	s30 =	sshll.u32 @!p1 s28, $0xB  }
0x39: {  	s20 =	simm.s32 @!p1 $0x80;
	s2 =	sadd.s32 @!p1 $0x1, s28;
	s31 =	sor.u32 @!p1 $0x5000, s30  }
0x3a: {  	[tilespmem:s31], [sflag:s2] =	stream.indirect.gather @!p1 [hbm4b:s4+s20], $0x10, s0, s20, $0xb8;
	[tilespmem:$0xA000] =	vst v63  }
0x3b: {  	s28 =	sadd.s32 @!p1 $0x3, s28;
	s2 =	sor.u32 @!p1 $0x6000, s30;
	s0 =	sadd.s32 @!p1 $0x2800, s0  }
0x3c: {  	[tilespmem:s2], [sflag:s28] =	stream.indirect.gather @!p1 [hbm4b:s4+s20], $0x10, s0, s20, $0xb8;
	[tilespmem:$0xA000] =	vst v63  }
0x3d: {  	s0 =	sshll.u32 s29, $0xB;
	s2 =	sadd.s32 $0x1, s26  }
0x3e: {  	s31 =	sor.u32 $0x6000, s0;
	_ =	swait.ge [sflag:s2], $0x800  }
0x3f: {  	s0 =	sor.u32 $0x5000, s0;
	[sflag:s2] =	ssyncset.done $0x0;
	v2 =	vmov s31  }
0x40: {  	s31 =	sadd.s32 $0x3, s26;
	v3 =	vmov s0;
	[sflag:s2] =	ssyncadd.s32 $0xFFFFF800  }
0x41: {  	_ =	swait.ge [sflag:s31], $0x800  }
0x42: {  	[sflag:s31] =	ssyncset.done $0x0  }
0x43: {  	s28 =	simm.s32 $0x0;
	[sflag:s31] =	ssyncadd.s32 $0xFFFFF800  }
0x44: {  	s30 =	simm.s32 $0x40;
	s29 =	sadd.s32 s5, s25;
	v4 =	vld.idx.msk [tilespmem:v2+s28+$0x0 ss:$0x1], $0xffff  }
.LBB2_5:
0x45: {  	p1 =	sne.s32 s30, $0x1FC0;
	v5 =	vld.idx.msk [tilespmem:v3+s28+$0x0 ss:$0x1], $0xffff;
	_ =	sdelay $0x4  }
.Ltmp1:
0x46: {  	(pc) =	sbr.rel @p1 .LBB2_5-.Ltmp1, $3  }
0x47: {  	v4 =	vsub.f32 v5, v4;
	_ =	sdelay $0x1  }
0x48: {  	[tilespmem:v3+s28+$0x0 ss:$0x1] =	vst.idx.msk $0xffff, v4;
	s28 =	sshra.s32 s30, $0x2  }
0x49: {  	s30 =	sadd.s32 $0x40, s30;
	v4 =	vld.idx.msk [tilespmem:v2+s28+$0x0 ss:$0x1], $0xffff  }
0x4a: {  	_ =	sdelay $0x3  }
0x4b: {  	v2 =	vld.idx.msk [tilespmem:v3+s28+$0x0 ss:$0x1], $0xffff;
	_ =	sdelay $0x4  }
0x4c: {  	v2 =	vsub.f32 v2, v4  }
0x4d: {  	s0 =	sshll.u32 s29, $0x8;
	s2 =	sshll.u32 s26, $0xB  }
0x4e: {  	s0 =	sadd.s32 s6, s0;
	s2 =	sor.u32 $0x5000, s2;
	[tilespmem:v3+s28+$0x0 ss:$0x1] =	vst.idx.msk $0xffff, v2  }
0x4f: {  	[hbm4b:s0+s3] =	stream.linear.scatter [tilespmem:s2], [sflag:$0x5], $0x800, $0x38;
	[tilespmem:$0xA000] =	vst v63  }
0x50: {  	s31 =	sshll.u32 s25, $0x7;
	_ =	swait.ge [sflag:s16], $0x800  }
0x51: {  	p1 =	sne.s32 s24, $0x50;
	s0 =	sand.u32 $0x3FFFFF80, s31;
	[sflag:s16] =	ssyncset.done $0x0  }
.Ltmp2:
0x52: {  	s0 =	sadd.s32 $0x2800, s0;
	[sflag:s16] =	ssyncadd.s32 $0xFFFFF800;
	(pc) =	sbr.rel @p1 .LBB2_4-.Ltmp2, $4  }
0x53: {  	[spmem:s1] =	stream.indirect.scatter.add.f32 [tilespmem:s21], [sflag:$0x5], $0x10, s0, s19, $0xb8;
	[tilespmem:$0xA000] =	vst v63  }
0x54: {  	_ =	swait.ge [sflag:s16], $0x800  }
0x55: {  	[sflag:s16] =	ssyncset.done $0x0  }
0x56: {  	p0 =	por !p0, !p0;
	s25 =	smov.u32 s24;
	[sflag:s16] =	ssyncadd.s32 $0xFFFFF800  }
0x57: {  	s0 =	stileid.u32;
	s23 =	sadd.s32 $0x1, s23  }
0x58: {  	s0 =	sshll.u32 s0, $0x6;
	p0 =	sne.s32 s23, s10  }
.Ltmp3:
0x59: {  	[bflag:$0x0] =	sbarrier.arrive $0xFFFF;
	s0 =	sor.u32 $0x1C05, s0;
	(pc) =	sbr.rel @p0 .LBB2_1-.Ltmp3, $4  }
0x5a: {  	[hbm:s15], [sflag:s0] =	dma.local [spmem:s22], $0x500  }
0x5b: {  	_ =	swait.ge [sflag:s16], $0x500  }
0x5c: {  	[sflag:s16] =	ssyncset.done $0x0  }
0x5d: {  	[sflag:s16] =	ssyncadd.s32 $0xFFFFFB00  }
0x5e: {  	_ =	sfence.sel $0x180000  }
0x5f: {  	[bflag:$0x0] =	sbarrier.arrive $0xFFFF  }
0x60: {  	_ =	strace $0x90000047  }
0x61: {  	s0 =	stileid.u32;
	[bflag:$0x2] =	sbarrier.arrive $0xFFFF  }
0x62: {  	p0 =	sne.s32 s0, $0x0;
	s0 =	rddreg [dreg:$0x2]  }
0x63: {  	s0 =	sadd.s32 @!p0 $0x100000, s0  }
0x64: {  	[sflag:s0] =	ssyncadd.tile.s32 @!p0 $0x1;
	_ =	shalt  }
.Lfunc_end2:
_tile_overlayer_lowered:
.L_overlay_start_2:
0x65: {  	(tag) =	ssettag $0x2  }
0x66: {  	s0 =	rddreg [dreg:$0x0];
	s2 =	stileid.u32  }
0x67: {  	s1 =	rddreg [dreg:$0x1];
	p0 =	sne.s32 s2, $0x0  }
0x68: {  	s3 =	rddreg [dreg:$0x2];
	[bflag:$0x3] =	sbarrier.arrive $0xFFFF;
	s2 =	simm.s32 @!p0 $0x1C05  }
0x69: {  	[timem:s3], [sflag:s2] =	dma.local @!p0 [hbm:s0], s1  }
0x6a: {  	s0 =	simm.s32 @!p0 $0x5  }
0x6b: {  	_ =	swait.ge @!p0 [sflag:s0], s1  }
0x6c: {  	s1 =	ssub.s32 @!p0 $0x0, s1;
	[sflag:s0] =	ssyncset.done @!p0 $0x0  }
0x6d: {  	[sflag:s0] =	ssyncadd.s32 @!p0 s1  }
0x6e: {  	[bflag:$0x3] =	sbarrier.arrive $0xFFFF  }
0x6f: {  	_ =	shalt  }

</sc_bundles>
